<compile_context>
chip_gen: v7x
topology: tpu7x:2x2x1
jax: 0.10.2.dev20260603
libtpu: 0.0.44.dev20260713+nightly
codegen_flags: <defaults>
</compile_context>

<pallas_src>
import functools

import jax
import jax.numpy as jnp
from jax import lax
from jax.experimental import pallas as pl
from jax.experimental.pallas import tpu as pltpu
from jax.experimental.pallas import tpu_sc as plsc

EPS = 1e-5
NE = 8
D = 768
F = 3072
T = 2048
NC = 3
FC = F // NC
SLOTS = 2 * T
TB = 256
PADT = SLOTS + NE * TB
NBLK = PADT // TB
NWORK = 32
SPW = SLOTS // NWORK


def _scales_body(wg_ref, wu_ref, wd_ref, sg_ref, su_ref, sd_ref):
    j = pl.program_id(1)

    @pl.when(j == 0)
    def _():
        sg_ref[...] = jnp.zeros_like(sg_ref)
        su_ref[...] = jnp.zeros_like(su_ref)
        sd_ref[...] = jnp.zeros_like(sd_ref)

    sg_ref[...] += jnp.sum(jnp.abs(wg_ref[...]))
    su_ref[...] += jnp.sum(jnp.abs(wu_ref[...]))
    sd_ref[...] += jnp.sum(jnp.abs(wd_ref[...]))

    @pl.when(j == NC - 1)
    def _():
        n = float(F * D)
        sg_ref[...] = 1.0 / jnp.clip(sg_ref[...] / n, EPS, None)
        su_ref[...] = 1.0 / jnp.clip(su_ref[...] / n, EPS, None)
        sd_ref[...] = 1.0 / jnp.clip(sd_ref[...] / n, EPS, None)


def _compute_scales(Wg, Wu, Wd):
    return pl.pallas_call(
        _scales_body,
        grid=(NE, NC),
        in_specs=[
            pl.BlockSpec((1, FC, D), lambda e, j: (e, j, 0)),
            pl.BlockSpec((1, FC, D), lambda e, j: (e, j, 0)),
            pl.BlockSpec((1, D, FC), lambda e, j: (e, 0, j)),
        ],
        out_specs=[
            pl.BlockSpec((1, 1, 1), lambda e, j: (e, 0, 0)),
            pl.BlockSpec((1, 1, 1), lambda e, j: (e, 0, 0)),
            pl.BlockSpec((1, 1, 1), lambda e, j: (e, 0, 0)),
        ],
        out_shape=[jax.ShapeDtypeStruct((NE, 1, 1), jnp.float32)] * 3,
    )(Wg, Wu, Wd)


def _quant_body(wg_ref, wu_ref, wd_ref, sg_ref, su_ref, sd_ref,
                tg_ref, tu_ref, td_ref):
    def q(w, s):
        return (jnp.clip(jnp.round(w * s), -1.0, 1.0) / s).astype(jnp.bfloat16)

    tg_ref[...] = q(wg_ref[...], sg_ref[...])
    tu_ref[...] = q(wu_ref[...], su_ref[...])
    td_ref[...] = q(wd_ref[...], sd_ref[...])


def _quantize_weights(Wg, Wu, Wd, sg, su, sd):
    return pl.pallas_call(
        _quant_body,
        grid=(NE, NC),
        in_specs=[
            pl.BlockSpec((1, FC, D), lambda e, j: (e, j, 0)),
            pl.BlockSpec((1, FC, D), lambda e, j: (e, j, 0)),
            pl.BlockSpec((1, D, FC), lambda e, j: (e, 0, j)),
            pl.BlockSpec((1, 1, 1), lambda e, j: (e, 0, 0)),
            pl.BlockSpec((1, 1, 1), lambda e, j: (e, 0, 0)),
            pl.BlockSpec((1, 1, 1), lambda e, j: (e, 0, 0)),
        ],
        out_specs=[
            pl.BlockSpec((1, FC, D), lambda e, j: (e, j, 0)),
            pl.BlockSpec((1, FC, D), lambda e, j: (e, j, 0)),
            pl.BlockSpec((1, D, FC), lambda e, j: (e, 0, j)),
        ],
        out_shape=[
            jax.ShapeDtypeStruct((NE, F, D), jnp.bfloat16),
            jax.ShapeDtypeStruct((NE, F, D), jnp.bfloat16),
            jax.ShapeDtypeStruct((NE, D, F), jnp.bfloat16),
        ],
    )(Wg, Wu, Wd, sg, su, sd)


def _lane_prefix(x):
    n = x.shape[1]
    k = 1
    while k < n:
        shifted = jnp.concatenate(
            [jnp.zeros((x.shape[0], k), x.dtype), x[:, :n - k]], axis=1)
        x = x + shifted
        k *= 2
    return x


def _sublane_prefix(x):
    n = x.shape[0]
    k = 1
    while k < n:
        shifted = jnp.concatenate(
            [jnp.zeros((k, x.shape[1]), x.dtype), x[:n - k, :]], axis=0)
        x = x + shifted
        k *= 2
    return x


def _router_body(x_ref, wr_ref, w0_ref, w1_ref, pos_ref, bexp_ref):
    xb = x_ref[...].astype(jnp.bfloat16)
    logits = jax.lax.dot_general(
        xb, wr_ref[...].astype(jnp.bfloat16), (((1,), (1,)), ((), ())),
        preferred_element_type=jnp.float32)
    m = jnp.max(logits, axis=-1, keepdims=True)
    p = jnp.exp(logits - m)
    p = p / jnp.sum(p, axis=-1, keepdims=True)
    cnt = jnp.zeros_like(p)
    eidx = jax.lax.broadcasted_iota(jnp.int32, p.shape, 1)
    for ep in range(NE):
        col = p[:, ep:ep + 1]
        cnt = cnt + (col > p).astype(jnp.float32)
        cnt = cnt + ((col == p) & (eidx > ep)).astype(jnp.float32)
    is0 = cnt == 0.0
    is1 = cnt == 1.0
    v0 = jnp.sum(jnp.where(is0, p, 0.0), axis=1, keepdims=True)
    v1 = jnp.sum(jnp.where(is1, p, 0.0), axis=1, keepdims=True)
    denom = v0 + v1
    w0_ref[...] = v0 / denom
    w1_ref[...] = v1 / denom
    i0 = jnp.sum(jnp.where(is0, eidx, 0), axis=1, keepdims=True)
    i1 = jnp.sum(jnp.where(is1, eidx, 0), axis=1, keepdims=True)

    km = jnp.concatenate(
        [i0.reshape(T // 128, 128), i1.reshape(T // 128, 128)], axis=0)

    pos = jnp.zeros((SLOTS // 128, 128), jnp.int32)
    bexp = jnp.zeros((1, 128), jnp.int32)
    biota = jax.lax.broadcasted_iota(jnp.int32, (1, 128), 1)
    start = jnp.int32(0)
    startb = jnp.int32(0)
    for e in range(NE):
        me = (km == e).astype(jnp.int32)
        pfx = _lane_prefix(me)
        rowsum = pfx[:, 127:128]
        rpfx = _sublane_prefix(rowsum)
        rank0 = pfx + (rpfx - rowsum) - 1
        cnt_e = jnp.sum(me)
        pos = jnp.where(me == 1, start + rank0, pos)
        nb = (cnt_e + TB - 1) // TB
        endb = startb + nb
        bexp = bexp + (biota >= endb).astype(jnp.int32)
        start = start + nb * TB
        startb = endb
    pos_ref[...] = pos
    bexp_ref[...] = jnp.minimum(bexp, NE - 1)


def _route(x, Wr):
    return pl.pallas_call(
        _router_body,
        out_shape=[
            jax.ShapeDtypeStruct((T, 1), jnp.float32),
            jax.ShapeDtypeStruct((T, 1), jnp.float32),
            jax.ShapeDtypeStruct((SLOTS // 128, 128), jnp.int32),
            jax.ShapeDtypeStruct((1, 128), jnp.int32),
        ],
    )(x, Wr)


def _sc_dispatch(x, tok, pos):
    mesh = plsc.VectorSubcoreMesh(core_axis_name="c", subcore_axis_name="s")

    @functools.partial(
        pl.kernel, mesh=mesh,
        out_type=jax.ShapeDtypeStruct((PADT, D), jnp.float32),
        scratch_types=[
            pltpu.VMEM((SPW,), jnp.int32),
            pltpu.VMEM((SPW,), jnp.int32),
            pltpu.VMEM((SPW, D), jnp.float32),
            pltpu.SemaphoreType.DMA,
        ],
    )
    def k(x_hbm, tok_hbm, pos_hbm, xg_hbm, tok_v, pos_v, rows_v, sem):
        wid = lax.axis_index("s") * 2 + lax.axis_index("c")
        base = wid * SPW
        pltpu.sync_copy(tok_hbm.at[pl.ds(base, SPW)], tok_v)
        pltpu.sync_copy(pos_hbm.at[pl.ds(base, SPW)], pos_v)
        pltpu.async_copy(x_hbm.at[tok_v], rows_v, sem).wait()
        pltpu.async_copy(rows_v, xg_hbm.at[pos_v], sem).wait()

    return k(x, tok, pos)


def _sc_collect(y, pos):
    mesh = plsc.VectorSubcoreMesh(core_axis_name="c", subcore_axis_name="s")

    @functools.partial(
        pl.kernel, mesh=mesh,
        out_type=jax.ShapeDtypeStruct((SLOTS, D), jnp.float32),
        scratch_types=[
            pltpu.VMEM((SPW,), jnp.int32),
            pltpu.VMEM((SPW, D), jnp.float32),
            pltpu.SemaphoreType.DMA,
        ],
    )
    def k(y_hbm, pos_hbm, g_hbm, pos_v, rows_v, sem):
        wid = lax.axis_index("s") * 2 + lax.axis_index("c")
        base = wid * SPW
        pltpu.sync_copy(pos_hbm.at[pl.ds(base, SPW)], pos_v)
        pltpu.async_copy(y_hbm.at[pos_v], rows_v, sem).wait()
        pltpu.sync_copy(rows_v, g_hbm.at[pl.ds(base, SPW)])

    return k(y, pos)


def _moe_body(bexp_ref, xg_ref, tg_ref, tu_ref, td_ref, out_ref):
    x = xg_ref[...]
    xmax = jnp.clip(jnp.max(jnp.abs(x), axis=-1, keepdims=True), EPS, None)
    xs = 127.0 / xmax
    xq = (jnp.round(x * xs) / xs).astype(jnp.bfloat16)

    gate = jax.lax.dot_general(
        xq, tg_ref[0], (((1,), (1,)), ((), ())),
        preferred_element_type=jnp.float32)
    up = jax.lax.dot_general(
        xq, tu_ref[0], (((1,), (1,)), ((), ())),
        preferred_element_type=jnp.float32)
    act = up * jnp.maximum(gate, 0.0) ** 2

    amax = jnp.clip(jnp.max(jnp.abs(act), axis=-1, keepdims=True), EPS, None)
    as_ = 127.0 / amax
    aq = (jnp.round(act * as_) / as_).astype(jnp.bfloat16)
    out_ref[...] = jax.lax.dot_general(
        aq, td_ref[0], (((1,), (1,)), ((), ())),
        preferred_element_type=jnp.float32)


def _moe_blocked(xg, Tg, Tu, Td, bexp):
    grid_spec = pltpu.PrefetchScalarGridSpec(
        num_scalar_prefetch=1,
        grid=(NBLK,),
        in_specs=[
            pl.BlockSpec((TB, D), lambda b, be: (b, 0)),
            pl.BlockSpec((1, F, D), lambda b, be: (be[b], 0, 0)),
            pl.BlockSpec((1, F, D), lambda b, be: (be[b], 0, 0)),
            pl.BlockSpec((1, D, F), lambda b, be: (be[b], 0, 0)),
        ],
        out_specs=pl.BlockSpec((TB, D), lambda b, be: (b, 0)),
    )
    return pl.pallas_call(
        _moe_body,
        grid_spec=grid_spec,
        out_shape=jax.ShapeDtypeStruct((PADT, D), jnp.float32),
    )(bexp, xg, Tg, Tu, Td)


def _combine_body(g0_ref, g1_ref, w0_ref, w1_ref, out_ref):
    out_ref[...] = g0_ref[...] * w0_ref[...] + g1_ref[...] * w1_ref[...]


def _combine(g, w0, w1, tb=256):
    nt = T // tb
    return pl.pallas_call(
        _combine_body,
        grid=(nt,),
        in_specs=[
            pl.BlockSpec((tb, D), lambda t: (t, 0)),
            pl.BlockSpec((tb, D), lambda t, _n=T // tb: (t + _n, 0)),
            pl.BlockSpec((tb, 1), lambda t: (t, 0)),
            pl.BlockSpec((tb, 1), lambda t: (t, 0)),
        ],
        out_specs=pl.BlockSpec((tb, D), lambda t: (t, 0)),
        out_shape=jax.ShapeDtypeStruct((T, D), jnp.float32),
    )(g, g, w0, w1)


def kernel(hidden_states, Wr, Wg, Wu, Wd):
    B, S, Dh = hidden_states.shape
    x = hidden_states.reshape(-1, Dh)
    w0, w1, pos2d, bexp2d = _route(x, Wr)
    pos = pos2d.reshape(-1)
    bexp = bexp2d.reshape(-1)[:NBLK]
    tok = jnp.concatenate([jnp.arange(T, dtype=jnp.int32)] * 2)
    xg = _sc_dispatch(x, tok, pos)
    sg, su, sd = _compute_scales(Wg, Wu, Wd)
    Tg, Tu, Td = _quantize_weights(Wg, Wu, Wd, sg, su, sd)
    y = _moe_blocked(xg, Tg, Tu, Td, bexp)
    g = _sc_collect(y, pos)
    out = _combine(g, w0, w1)
    return out.reshape(B, S, Dh)

# --- scband reference (transcript-rebuilt; emitter-appended) ---
"""Pipeline reference for scband-bit-net-mo-effn-87471303951029 (READ-ONLY COPY).

The authoritative reference and input builder live on the scoring server;
editing this copy changes nothing except your own understanding.
"""

import jax, jax.numpy as jnp
import numpy as np

EPS = 1e-5
NUM_EXPERTS = 8
TOP_K = 2
HIDDEN = 768
FF = 3072


def bitlinear(x, w):
    # weight quant: ternary {-1,0,1} * scale, with STE
    ws = 1.0 / jnp.clip(jnp.mean(jnp.abs(w)), EPS, None)
    wq = jnp.clip(jnp.round(w * ws), -1, 1) / ws
    w_q = w + jax.lax.stop_gradient(wq - w)
    # activation quant: per-token int8 absmax, with STE
    xs = 127.0 / jnp.clip(jnp.max(jnp.abs(x), axis=-1, keepdims=True), EPS, None)
    xq = jnp.clip(jnp.round(x * xs), -128, 127) / xs
    x_q = x + jax.lax.stop_gradient(xq - x)
    return x_q @ w_q.T


def expert_ffn(x, wg, wu, wd):
    gate = bitlinear(x, wg)
    up = bitlinear(x, wu)
    activated = up * jnp.maximum(gate, 0.0) ** 2
    return bitlinear(activated, wd)


def setup_inputs(seed: int = 0) -> dict:
    key = jax.random.key(seed)
    k0, k1, k2, k3, k4 = jax.random.split(key, 5)
    hidden_states = jax.random.normal(k0, (1, 2048, HIDDEN), dtype=jnp.float32)
    Wr = jax.random.normal(k1, (NUM_EXPERTS, HIDDEN), dtype=jnp.float32) * 0.02
    Wg = jax.random.normal(k2, (NUM_EXPERTS, FF, HIDDEN), dtype=jnp.float32) * 0.02
    Wu = jax.random.normal(k3, (NUM_EXPERTS, FF, HIDDEN), dtype=jnp.float32) * 0.02
    Wd = jax.random.normal(k4, (NUM_EXPERTS, HIDDEN, FF), dtype=jnp.float32) * 0.02
    return {"hidden_states": hidden_states, "Wr": Wr, "Wg": Wg, "Wu": Wu, "Wd": Wd}


def reference(hidden_states, Wr, Wg, Wu, Wd):
    B, S, D = hidden_states.shape
    x = hidden_states.reshape(-1, D)
    # TopKRouter: logits -> softmax -> top-k -> renormalize
    router_logits = x @ Wr.T  # [T, E]
    probs = jax.nn.softmax(router_logits, axis=-1)
    top_w, top_i = jax.lax.top_k(probs, TOP_K)  # [T, K]
    top_w = top_w / jnp.sum(top_w, axis=-1, keepdims=True)
    out = jnp.zeros_like(x)
    for e in range(NUM_EXPERTS):
        # combined routing weight for expert e per token (0 if not selected)
        w_e = jnp.sum(jnp.where(top_i == e, top_w, 0.0), axis=-1)  # [T]
        eo = expert_ffn(x, Wg[e], Wu[e], Wd[e])
        out = out + eo * w_e[:, None]
    return out.reshape(B, S, D)

if __name__ == "__main__":
    import jax
    _d = setup_inputs()
    print(jax.jit(kernel)(*tuple(_d.values())))

</pallas_src>

<mosaic_0001>
#map = affine_map<(d0, d1) -> (0, 0)>
#map1 = affine_map<(d0, d1) -> (0)>
module attributes {stable_mosaic.version = 14 : i64} {
  func.func @k(%arg0: i32, %arg1: i32, %arg2: memref<6144x768xf32, #tpu.memory_space<hbm>>, %arg3: memref<4096xi32, #tpu.memory_space<hbm>>, %arg4: memref<4096x768xf32, #tpu.memory_space<hbm>>, %arg5: memref<128xi32, #tpu.memory_space<vmem>>, %arg6: memref<128x768xf32, #tpu.memory_space<vmem>>, %arg7: memref<!tpu.dma_semaphore, #tpu.memory_space<semaphore_mem>>) attributes {dimension_semantics = [#tpu.dimension_semantics<core_parallel>, #tpu.dimension_semantics<subcore_parallel>], iteration_bounds = array<i64: 2, 16>, scalar_prefetch = 0 : i64, scratch_operands = 3 : i64, tpu.core_type = #tpu.core_type<sc_vector_subcore>, window_params = [{transform_indices = #map}, {transform_indices = #map1}, {transform_indices = #map}]} {
    %mul3A = arith.constant 2 : i32
    %mul3A_0 = arith.muli %arg1, %mul3A : i32
    %add3A = arith.addi %mul3A_0, %arg0 : i32
    %mul3A_1 = arith.constant 128 : i32
    %mul3A_2 = arith.muli %add3A, %mul3A_1 : i32
    "tpu.region"() ({
      %run_scoped3A = tpu.sem_alloc : memref<!tpu.dma_semaphore, #tpu.memory_space<semaphore_mem>>
      %dma_start3A_7 = tpu.memref_slice %arg3[%mul3A_2] : memref<4096xi32, #tpu.memory_space<hbm>> -> memref<128xi32, #tpu.memory_space<hbm>>
      %dma_start3A_8 = tpu.memref_slice %arg3[%mul3A_2] : memref<4096xi32, #tpu.memory_space<hbm>> -> memref<128xi32, #tpu.memory_space<hbm>>
      tpu.enqueue_dma source(%dma_start3A_8 : memref<128xi32, #tpu.memory_space<hbm>>) target(%arg5 : memref<128xi32, #tpu.memory_space<vmem>>) target_semaphore(%run_scoped3A : memref<!tpu.dma_semaphore, #tpu.memory_space<semaphore_mem>>)
      %dma_wait3A_9 = tpu.memref_slice %arg3[%mul3A_2] : memref<4096xi32, #tpu.memory_space<hbm>> -> memref<128xi32, #tpu.memory_space<hbm>>
      %dma_wait3A_10 = tpu.memref_slice %arg3[%mul3A_2] : memref<4096xi32, #tpu.memory_space<hbm>> -> memref<128xi32, #tpu.memory_space<hbm>>
      tpu.wait_dma2 semaphore(%run_scoped3A : memref<!tpu.dma_semaphore, #tpu.memory_space<semaphore_mem>>) src(%dma_wait3A_10 : memref<128xi32, #tpu.memory_space<hbm>>) dst(%arg5 : memref<128xi32, #tpu.memory_space<vmem>>)
      tpu.yield
    }) : () -> ()
    %dma_start3A = arith.constant 0 : i32
    %dma_start3A_3 = arith.constant 0 : i32
    %dma_start3A_4 = tpu.memref_slice %arg2[%dma_start3A, %dma_start3A_3] : memref<6144x768xf32, #tpu.memory_space<hbm>> -> memref<6144x768xf32, #tpu.memory_space<hbm>>
    tpu.enqueue_indirect_dma source(%dma_start3A_4 : memref<6144x768xf32, #tpu.memory_space<hbm>>) target(%arg6 : memref<128x768xf32, #tpu.memory_space<vmem>>) offsets(%arg5 : memref<128xi32, #tpu.memory_space<vmem>>) semaphore(%arg7 : memref<!tpu.dma_semaphore, #tpu.memory_space<semaphore_mem>>)
    %dma_wait3A = arith.constant 0 : i32
    %dma_wait3A_5 = arith.constant 0 : i32
    %dma_wait3A_6 = tpu.memref_slice %arg2[%dma_wait3A, %dma_wait3A_5] : memref<6144x768xf32, #tpu.memory_space<hbm>> -> memref<6144x768xf32, #tpu.memory_space<hbm>>
    tpu.wait_indirect_dma semaphore(%arg7 : memref<!tpu.dma_semaphore, #tpu.memory_space<semaphore_mem>>) src(%dma_wait3A_6 : memref<6144x768xf32, #tpu.memory_space<hbm>>) dst(%arg6 : memref<128x768xf32, #tpu.memory_space<vmem>>)
    "tpu.region"() ({
      %run_scoped3A = tpu.sem_alloc : memref<!tpu.dma_semaphore, #tpu.memory_space<semaphore_mem>>
      %dma_start3A_7 = arith.constant 0 : i32
      %dma_start3A_8 = tpu.memref_slice %arg4[%mul3A_2, %dma_start3A_7] : memref<4096x768xf32, #tpu.memory_space<hbm>> -> memref<128x768xf32, #tpu.memory_space<hbm>>
      %dma_start3A_9 = arith.constant 0 : i32
      %dma_start3A_10 = tpu.memref_slice %arg4[%mul3A_2, %dma_start3A_9] : memref<4096x768xf32, #tpu.memory_space<hbm>> -> memref<128x768xf32, #tpu.memory_space<hbm>>
      tpu.enqueue_dma source(%arg6 : memref<128x768xf32, #tpu.memory_space<vmem>>) target(%dma_start3A_10 : memref<128x768xf32, #tpu.memory_space<hbm>>) target_semaphore(%run_scoped3A : memref<!tpu.dma_semaphore, #tpu.memory_space<semaphore_mem>>)
      %dma_wait3A_11 = arith.constant 0 : i32
      %dma_wait3A_12 = tpu.memref_slice %arg4[%mul3A_2, %dma_wait3A_11] : memref<4096x768xf32, #tpu.memory_space<hbm>> -> memref<128x768xf32, #tpu.memory_space<hbm>>
      %dma_wait3A_13 = arith.constant 0 : i32
      %dma_wait3A_14 = tpu.memref_slice %arg4[%mul3A_2, %dma_wait3A_13] : memref<4096x768xf32, #tpu.memory_space<hbm>> -> memref<128x768xf32, #tpu.memory_space<hbm>>
      tpu.wait_dma2 semaphore(%run_scoped3A : memref<!tpu.dma_semaphore, #tpu.memory_space<semaphore_mem>>) src(%arg6 : memref<128x768xf32, #tpu.memory_space<vmem>>) dst(%dma_wait3A_14 : memref<128x768xf32, #tpu.memory_space<hbm>>)
      tpu.yield
    }) : () -> ()
    return
  }
}

#map = affine_map<(d0, d1) -> (0, 0)>
#map1 = affine_map<(d0, d1) -> (0)>
module attributes {stable_mosaic.version = 14 : i64} {
  func.func @k(%arg0: i32, %arg1: i32, %arg2: memref<2048x768xf32, #tpu.memory_space<hbm>>, %arg3: memref<4096xi32, #tpu.memory_space<hbm>>, %arg4: memref<4096xi32, #tpu.memory_space<hbm>>, %arg5: memref<6144x768xf32, #tpu.memory_space<hbm>>, %arg6: memref<128xi32, #tpu.memory_space<vmem>>, %arg7: memref<128xi32, #tpu.memory_space<vmem>>, %arg8: memref<128x768xf32, #tpu.memory_space<vmem>>, %arg9: memref<!tpu.dma_semaphore, #tpu.memory_space<semaphore_mem>>) attributes {dimension_semantics = [#tpu.dimension_semantics<core_parallel>, #tpu.dimension_semantics<subcore_parallel>], iteration_bounds = array<i64: 2, 16>, scalar_prefetch = 0 : i64, scratch_operands = 4 : i64, tpu.core_type = #tpu.core_type<sc_vector_subcore>, window_params = [{transform_indices = #map}, {transform_indices = #map1}, {transform_indices = #map1}, {transform_indices = #map}]} {
    %mul3A = arith.constant 2 : i32
    %mul3A_0 = arith.muli %arg1, %mul3A : i32
    %add3A = arith.addi %mul3A_0, %arg0 : i32
    %mul3A_1 = arith.constant 128 : i32
    %mul3A_2 = arith.muli %add3A, %mul3A_1 : i32
    "tpu.region"() ({
      %run_scoped3A = tpu.sem_alloc : memref<!tpu.dma_semaphore, #tpu.memory_space<semaphore_mem>>
      %dma_start3A_13 = tpu.memref_slice %arg3[%mul3A_2] : memref<4096xi32, #tpu.memory_space<hbm>> -> memref<128xi32, #tpu.memory_space<hbm>>
      %dma_start3A_14 = tpu.memref_slice %arg3[%mul3A_2] : memref<4096xi32, #tpu.memory_space<hbm>> -> memref<128xi32, #tpu.memory_space<hbm>>
      tpu.enqueue_dma source(%dma_start3A_14 : memref<128xi32, #tpu.memory_space<hbm>>) target(%arg6 : memref<128xi32, #tpu.memory_space<vmem>>) target_semaphore(%run_scoped3A : memref<!tpu.dma_semaphore, #tpu.memory_space<semaphore_mem>>)
      %dma_wait3A_15 = tpu.memref_slice %arg3[%mul3A_2] : memref<4096xi32, #tpu.memory_space<hbm>> -> memref<128xi32, #tpu.memory_space<hbm>>
      %dma_wait3A_16 = tpu.memref_slice %arg3[%mul3A_2] : memref<4096xi32, #tpu.memory_space<hbm>> -> memref<128xi32, #tpu.memory_space<hbm>>
      tpu.wait_dma2 semaphore(%run_scoped3A : memref<!tpu.dma_semaphore, #tpu.memory_space<semaphore_mem>>) src(%dma_wait3A_16 : memref<128xi32, #tpu.memory_space<hbm>>) dst(%arg6 : memref<128xi32, #tpu.memory_space<vmem>>)
      tpu.yield
    }) : () -> ()
    "tpu.region"() ({
      %run_scoped3A = tpu.sem_alloc : memref<!tpu.dma_semaphore, #tpu.memory_space<semaphore_mem>>
      %dma_start3A_13 = tpu.memref_slice %arg4[%mul3A_2] : memref<4096xi32, #tpu.memory_space<hbm>> -> memref<128xi32, #tpu.memory_space<hbm>>
      %dma_start3A_14 = tpu.memref_slice %arg4[%mul3A_2] : memref<4096xi32, #tpu.memory_space<hbm>> -> memref<128xi32, #tpu.memory_space<hbm>>
      tpu.enqueue_dma source(%dma_start3A_14 : memref<128xi32, #tpu.memory_space<hbm>>) target(%arg7 : memref<128xi32, #tpu.memory_space<vmem>>) target_semaphore(%run_scoped3A : memref<!tpu.dma_semaphore, #tpu.memory_space<semaphore_mem>>)
      %dma_wait3A_15 = tpu.memref_slice %arg4[%mul3A_2] : memref<4096xi32, #tpu.memory_space<hbm>> -> memref<128xi32, #tpu.memory_space<hbm>>
      %dma_wait3A_16 = tpu.memref_slice %arg4[%mul3A_2] : memref<4096xi32, #tpu.memory_space<hbm>> -> memref<128xi32, #tpu.memory_space<hbm>>
      tpu.wait_dma2 semaphore(%run_scoped3A : memref<!tpu.dma_semaphore, #tpu.memory_space<semaphore_mem>>) src(%dma_wait3A_16 : memref<128xi32, #tpu.memory_space<hbm>>) dst(%arg7 : memref<128xi32, #tpu.memory_space<vmem>>)
      tpu.yield
    }) : () -> ()
    %dma_start3A = arith.constant 0 : i32
    %dma_start3A_3 = arith.constant 0 : i32
    %dma_start3A_4 = tpu.memref_slice %arg2[%dma_start3A, %dma_start3A_3] : memref<2048x768xf32, #tpu.memory_space<hbm>> -> memref<2048x768xf32, #tpu.memory_space<hbm>>
    tpu.enqueue_indirect_dma source(%dma_start3A_4 : memref<2048x768xf32, #tpu.memory_space<hbm>>) target(%arg8 : memref<128x768xf32, #tpu.memory_space<vmem>>) offsets(%arg6 : memref<128xi32, #tpu.memory_space<vmem>>) semaphore(%arg9 : memref<!tpu.dma_semaphore, #tpu.memory_space<semaphore_mem>>)
    %dma_wait3A = arith.constant 0 : i32
    %dma_wait3A_5 = arith.constant 0 : i32
    %dma_wait3A_6 = tpu.memref_slice %arg2[%dma_wait3A, %dma_wait3A_5] : memref<2048x768xf32, #tpu.memory_space<hbm>> -> memref<2048x768xf32, #tpu.memory_space<hbm>>
    tpu.wait_indirect_dma semaphore(%arg9 : memref<!tpu.dma_semaphore, #tpu.memory_space<semaphore_mem>>) src(%dma_wait3A_6 : memref<2048x768xf32, #tpu.memory_space<hbm>>) dst(%arg8 : memref<128x768xf32, #tpu.memory_space<vmem>>)
    %dma_start3A_7 = arith.constant 0 : i32
    %dma_start3A_8 = arith.constant 0 : i32
    %dma_start3A_9 = tpu.memref_slice %arg5[%dma_start3A_7, %dma_start3A_8] : memref<6144x768xf32, #tpu.memory_space<hbm>> -> memref<6144x768xf32, #tpu.memory_space<hbm>>
    tpu.enqueue_indirect_dma source(%arg8 : memref<128x768xf32, #tpu.memory_space<vmem>>) target(%dma_start3A_9 : memref<6144x768xf32, #tpu.memory_space<hbm>>) offsets(%arg7 : memref<128xi32, #tpu.memory_space<vmem>>) semaphore(%arg9 : memref<!tpu.dma_semaphore, #tpu.memory_space<semaphore_mem>>)
    %dma_wait3A_10 = arith.constant 0 : i32
    %dma_wait3A_11 = arith.constant 0 : i32
    %dma_wait3A_12 = tpu.memref_slice %arg5[%dma_wait3A_10, %dma_wait3A_11] : memref<6144x768xf32, #tpu.memory_space<hbm>> -> memref<6144x768xf32, #tpu.memory_space<hbm>>
    tpu.wait_indirect_dma semaphore(%arg9 : memref<!tpu.dma_semaphore, #tpu.memory_space<semaphore_mem>>) src(%arg8 : memref<128x768xf32, #tpu.memory_space<vmem>>) dst(%dma_wait3A_12 : memref<6144x768xf32, #tpu.memory_space<hbm>>)
    return
  }
}

module attributes {stable_mosaic.version = 14 : i64} {
  func.func @_quant_body(%arg0: i32, %arg1: i32, %arg2: memref<1x1024x768xf32, #tpu.memory_space<vmem>>, %arg3: memref<1x1024x768xf32, #tpu.memory_space<vmem>>, %arg4: memref<1x768x1024xf32, #tpu.memory_space<vmem>>, %arg5: memref<1x1x1xf32, #tpu.memory_space<vmem>>, %arg6: memref<1x1x1xf32, #tpu.memory_space<vmem>>, %arg7: memref<1x1x1xf32, #tpu.memory_space<vmem>>, %arg8: memref<1x1024x768xbf16, #tpu.memory_space<vmem>>, %arg9: memref<1x1024x768xbf16, #tpu.memory_space<vmem>>, %arg10: memref<1x768x1024xbf16, #tpu.memory_space<vmem>>) attributes {dimension_semantics = [#tpu.dimension_semantics<arbitrary>, #tpu.dimension_semantics<arbitrary>], iteration_bounds = array<i64: 8, 3>, scalar_prefetch = 0 : i64, scratch_operands = 0 : i64, tpu.core_type = #tpu.core_type<tc>, window_params = [{transform_indices = @transform_0, window_bounds = array<i64: 1, 1024, 768>}, {transform_indices = @transform_1, window_bounds = array<i64: 1, 1024, 768>}, {transform_indices = @transform_2, window_bounds = array<i64: 1, 768, 1024>}, {transform_indices = @transform_3, window_bounds = array<i64: 1, 1, 1>}, {transform_indices = @transform_4, window_bounds = array<i64: 1, 1, 1>}, {transform_indices = @transform_5, window_bounds = array<i64: 1, 1, 1>}, {transform_indices = @transform_6, window_bounds = array<i64: 1, 1024, 768>}, {transform_indices = @transform_7, window_bounds = array<i64: 1, 1024, 768>}, {transform_indices = @transform_8, window_bounds = array<i64: 1, 768, 1024>}]} {
    %get3A = arith.constant 0 : index
    %get3A_0 = arith.constant 0 : index
    %get3A_1 = arith.constant 0 : index
    %get3A_2 = vector.load %arg2[%get3A, %get3A_0, %get3A_1] : memref<1x1024x768xf32, #tpu.memory_space<vmem>>, vector<1x1024x768xf32>
    %get3A_3 = arith.constant 0 : index
    %get3A_4 = arith.constant 0 : index
    %get3A_5 = arith.constant 0 : index
    %get3A_6 = vector.load %arg5[%get3A_3, %get3A_4, %get3A_5] : memref<1x1x1xf32, #tpu.memory_space<vmem>>, vector<1x1x1xf32>
    %mul3A = vector.broadcast %get3A_6 : vector<1x1x1xf32> to vector<1x1024x768xf32>
    %mul3A_7 = arith.mulf %get3A_2, %mul3A : vector<1x1024x768xf32>
    %round3A = math.roundeven %mul3A_7 : vector<1x1024x768xf32>
    %jit3A = arith.constant -1.000000e+00 : f32
    %jit3A_8 = arith.constant 1.000000e+00 : f32
    %max3A = vector.broadcast %jit3A : f32 to vector<1x1024x768xf32>
    %max3A_9 = arith.maximumf %max3A, %round3A : vector<1x1024x768xf32>
    %min3A = vector.broadcast %jit3A_8 : f32 to vector<1x1024x768xf32>
    %min3A_10 = arith.minimumf %min3A, %max3A_9 : vector<1x1024x768xf32>
    %div3A = vector.broadcast %get3A_6 : vector<1x1x1xf32> to vector<1x1024x768xf32>
    %div3A_11 = arith.divf %min3A_10, %div3A : vector<1x1024x768xf32>
    %convert_element_type3A = arith.truncf %div3A_11 : vector<1x1024x768xf32> to vector<1x1024x768xbf16>
    %swap3A = arith.constant 0 : index
    %swap3A_12 = arith.constant 0 : index
    %swap3A_13 = arith.constant 0 : index
    %swap3A_14 = vector.load %arg8[%swap3A, %swap3A_12, %swap3A_13] : memref<1x1024x768xbf16, #tpu.memory_space<vmem>>, vector<1x1024x768xbf16>
    tpu.vector_store %arg8[%swap3A, %swap3A_12, %swap3A_13], %convert_element_type3A {strides = array<i32>} : memref<1x1024x768xbf16, #tpu.memory_space<vmem>>, vector<1x1024x768xbf16>,
    %get3A_15 = arith.constant 0 : index
    %get3A_16 = arith.constant 0 : index
    %get3A_17 = arith.constant 0 : index
    %get3A_18 = vector.load %arg3[%get3A_15, %get3A_16, %get3A_17] : memref<1x1024x768xf32, #tpu.memory_space<vmem>>, vector<1x1024x768xf32>
    %get3A_19 = arith.constant 0 : index
    %get3A_20 = arith.constant 0 : index
    %get3A_21 = arith.constant 0 : index
    %get3A_22 = vector.load %arg6[%get3A_19, %get3A_20, %get3A_21] : memref<1x1x1xf32, #tpu.memory_space<vmem>>, vector<1x1x1xf32>
    %mul3A_23 = vector.broadcast %get3A_22 : vector<1x1x1xf32> to vector<1x1024x768xf32>
    %mul3A_24 = arith.mulf %get3A_18, %mul3A_23 : vector<1x1024x768xf32>
    %round3A_25 = math.roundeven %mul3A_24 : vector<1x1024x768xf32>
    %jit3A_26 = arith.constant -1.000000e+00 : f32
    %jit3A_27 = arith.constant 1.000000e+00 : f32
    %max3A_28 = vector.broadcast %jit3A_26 : f32 to vector<1x1024x768xf32>
    %max3A_29 = arith.maximumf %max3A_28, %round3A_25 : vector<1x1024x768xf32>
    %min3A_30 = vector.broadcast %jit3A_27 : f32 to vector<1x1024x768xf32>
    %min3A_31 = arith.minimumf %min3A_30, %max3A_29 : vector<1x1024x768xf32>
    %div3A_32 = vector.broadcast %get3A_22 : vector<1x1x1xf32> to vector<1x1024x768xf32>
    %div3A_33 = arith.divf %min3A_31, %div3A_32 : vector<1x1024x768xf32>
    %convert_element_type3A_34 = arith.truncf %div3A_33 : vector<1x1024x768xf32> to vector<1x1024x768xbf16>
    %swap3A_35 = arith.constant 0 : index
    %swap3A_36 = arith.constant 0 : index
    %swap3A_37 = arith.constant 0 : index
    %swap3A_38 = vector.load %arg9[%swap3A_35, %swap3A_36, %swap3A_37] : memref<1x1024x768xbf16, #tpu.memory_space<vmem>>, vector<1x1024x768xbf16>
    tpu.vector_store %arg9[%swap3A_35, %swap3A_36, %swap3A_37], %convert_element_type3A_34 {strides = array<i32>} : memref<1x1024x768xbf16, #tpu.memory_space<vmem>>, vector<1x1024x768xbf16>,
    %get3A_39 = arith.constant 0 : index
    %get3A_40 = arith.constant 0 : index
    %get3A_41 = arith.constant 0 : index
    %get3A_42 = vector.load %arg4[%get3A_39, %get3A_40, %get3A_41] : memref<1x768x1024xf32, #tpu.memory_space<vmem>>, vector<1x768x1024xf32>
    %get3A_43 = arith.constant 0 : index
    %get3A_44 = arith.constant 0 : index
    %get3A_45 = arith.constant 0 : index
    %get3A_46 = vector.load %arg7[%get3A_43, %get3A_44, %get3A_45] : memref<1x1x1xf32, #tpu.memory_space<vmem>>, vector<1x1x1xf32>
    %mul3A_47 = vector.broadcast %get3A_46 : vector<1x1x1xf32> to vector<1x768x1024xf32>
    %mul3A_48 = arith.mulf %get3A_42, %mul3A_47 : vector<1x768x1024xf32>
    %round3A_49 = math.roundeven %mul3A_48 : vector<1x768x1024xf32>
    %jit3A_50 = arith.constant -1.000000e+00 : f32
    %jit3A_51 = arith.constant 1.000000e+00 : f32
    %max3A_52 = vector.broadcast %jit3A_50 : f32 to vector<1x768x1024xf32>
    %max3A_53 = arith.maximumf %max3A_52, %round3A_49 : vector<1x768x1024xf32>
    %min3A_54 = vector.broadcast %jit3A_51 : f32 to vector<1x768x1024xf32>
    %min3A_55 = arith.minimumf %min3A_54, %max3A_53 : vector<1x768x1024xf32>
    %div3A_56 = vector.broadcast %get3A_46 : vector<1x1x1xf32> to vector<1x768x1024xf32>
    %div3A_57 = arith.divf %min3A_55, %div3A_56 : vector<1x768x1024xf32>
    %convert_element_type3A_58 = arith.truncf %div3A_57 : vector<1x768x1024xf32> to vector<1x768x1024xbf16>
    %swap3A_59 = arith.constant 0 : index
    %swap3A_60 = arith.constant 0 : index
    %swap3A_61 = arith.constant 0 : index
    %swap3A_62 = vector.load %arg10[%swap3A_59, %swap3A_60, %swap3A_61] : memref<1x768x1024xbf16, #tpu.memory_space<vmem>>, vector<1x768x1024xbf16>
    tpu.vector_store %arg10[%swap3A_59, %swap3A_60, %swap3A_61], %convert_element_type3A_58 {strides = array<i32>} : memref<1x768x1024xbf16, #tpu.memory_space<vmem>>, vector<1x768x1024xbf16>,
    return
  }
  func.func @transform_0(%arg0: i32, %arg1: i32) -> (i32, i32, i32) {
    %c0_i32 = arith.constant 0 : i32
    %c0_i32_0 = arith.constant 0 : i32
    return %arg0, %arg1, %c0_i32 : i32, i32, i32
  }
  func.func @transform_1(%arg0: i32, %arg1: i32) -> (i32, i32, i32) {
    %c0_i32 = arith.constant 0 : i32
    %c0_i32_0 = arith.constant 0 : i32
    return %arg0, %arg1, %c0_i32 : i32, i32, i32
  }
  func.func @transform_2(%arg0: i32, %arg1: i32) -> (i32, i32, i32) {
    %c0_i32 = arith.constant 0 : i32
    %c0_i32_0 = arith.constant 0 : i32
    return %arg0, %c0_i32, %arg1 : i32, i32, i32
  }
  func.func @transform_3(%arg0: i32, %arg1: i32) -> (i32, i32, i32) {
    %c0_i32 = arith.constant 0 : i32
    %c0_i32_0 = arith.constant 0 : i32
    %c0_i32_1 = arith.constant 0 : i32
    return %arg0, %c0_i32, %c0_i32_0 : i32, i32, i32
  }
  func.func @transform_4(%arg0: i32, %arg1: i32) -> (i32, i32, i32) {
    %c0_i32 = arith.constant 0 : i32
    %c0_i32_0 = arith.constant 0 : i32
    %c0_i32_1 = arith.constant 0 : i32
    return %arg0, %c0_i32, %c0_i32_0 : i32, i32, i32
  }
  func.func @transform_5(%arg0: i32, %arg1: i32) -> (i32, i32, i32) {
    %c0_i32 = arith.constant 0 : i32
    %c0_i32_0 = arith.constant 0 : i32
    %c0_i32_1 = arith.constant 0 : i32
    return %arg0, %c0_i32, %c0_i32_0 : i32, i32, i32
  }
  func.func @transform_6(%arg0: i32, %arg1: i32) -> (i32, i32, i32) {
    %c0_i32 = arith.constant 0 : i32
    %c0_i32_0 = arith.constant 0 : i32
    return %arg0, %arg1, %c0_i32 : i32, i32, i32
  }
  func.func @transform_7(%arg0: i32, %arg1: i32) -> (i32, i32, i32) {
    %c0_i32 = arith.constant 0 : i32
    %c0_i32_0 = arith.constant 0 : i32
    return %arg0, %arg1, %c0_i32 : i32, i32, i32
  }
  func.func @transform_8(%arg0: i32, %arg1: i32) -> (i32, i32, i32) {
    %c0_i32 = arith.constant 0 : i32
    %c0_i32_0 = arith.constant 0 : i32
    return %arg0, %c0_i32, %arg1 : i32, i32, i32
  }
}

module attributes {stable_mosaic.version = 14 : i64} {
  func.func @_scales_body(%arg0: i32, %arg1: i32, %arg2: memref<1x1024x768xf32, #tpu.memory_space<vmem>>, %arg3: memref<1x1024x768xf32, #tpu.memory_space<vmem>>, %arg4: memref<1x768x1024xf32, #tpu.memory_space<vmem>>, %arg5: memref<1x1x1xf32, #tpu.memory_space<vmem>>, %arg6: memref<1x1x1xf32, #tpu.memory_space<vmem>>, %arg7: memref<1x1x1xf32, #tpu.memory_space<vmem>>) attributes {dimension_semantics = [#tpu.dimension_semantics<arbitrary>, #tpu.dimension_semantics<arbitrary>], iteration_bounds = array<i64: 8, 3>, scalar_prefetch = 0 : i64, scratch_operands = 0 : i64, tpu.core_type = #tpu.core_type<tc>, window_params = [{transform_indices = @transform_0, window_bounds = array<i64: 1, 1024, 768>}, {transform_indices = @transform_1, window_bounds = array<i64: 1, 1024, 768>}, {transform_indices = @transform_2, window_bounds = array<i64: 1, 768, 1024>}, {transform_indices = @transform_3, window_bounds = array<i64: 1, 1, 1>}, {transform_indices = @transform_4, window_bounds = array<i64: 1, 1, 1>}, {transform_indices = @transform_5, window_bounds = array<i64: 1, 1, 1>}]} {
    %eq3A = arith.constant 0 : i32
    %eq3A_0 = arith.cmpi eq, %arg1, %eq3A : i32
    %convert_element_type3A = arith.extui %eq3A_0 : i1 to i32
    %cond3A = arith.constant 0 : i32
    %cond3A_1 = arith.cmpi ne, %convert_element_type3A, %cond3A : i32
    scf.if %cond3A_1 {
      %broadcast_in_dim3A = arith.constant 0.000000e+00 : f32
      %broadcast_in_dim3A_62 = vector.broadcast %broadcast_in_dim3A : f32 to vector<1x1x1xf32>
      %swap3A_63 = arith.constant 0 : index
      %swap3A_64 = arith.constant 0 : index
      %swap3A_65 = arith.constant 0 : index
      %swap3A_66 = vector.load %arg5[%swap3A_63, %swap3A_64, %swap3A_65] : memref<1x1x1xf32, #tpu.memory_space<vmem>>, vector<1x1x1xf32>
      tpu.vector_store %arg5[%swap3A_63, %swap3A_64, %swap3A_65], %broadcast_in_dim3A_62 {strides = array<i32>} : memref<1x1x1xf32, #tpu.memory_space<vmem>>, vector<1x1x1xf32>,
      %broadcast_in_dim3A_67 = arith.constant 0.000000e+00 : f32
      %broadcast_in_dim3A_68 = vector.broadcast %broadcast_in_dim3A_67 : f32 to vector<1x1x1xf32>
      %swap3A_69 = arith.constant 0 : index
      %swap3A_70 = arith.constant 0 : index
      %swap3A_71 = arith.constant 0 : index
      %swap3A_72 = vector.load %arg6[%swap3A_69, %swap3A_70, %swap3A_71] : memref<1x1x1xf32, #tpu.memory_space<vmem>>, vector<1x1x1xf32>
      tpu.vector_store %arg6[%swap3A_69, %swap3A_70, %swap3A_71], %broadcast_in_dim3A_68 {strides = array<i32>} : memref<1x1x1xf32, #tpu.memory_space<vmem>>, vector<1x1x1xf32>,
      %broadcast_in_dim3A_73 = arith.constant 0.000000e+00 : f32
      %broadcast_in_dim3A_74 = vector.broadcast %broadcast_in_dim3A_73 : f32 to vector<1x1x1xf32>
      %swap3A_75 = arith.constant 0 : index
      %swap3A_76 = arith.constant 0 : index
      %swap3A_77 = arith.constant 0 : index
      %swap3A_78 = vector.load %arg7[%swap3A_75, %swap3A_76, %swap3A_77] : memref<1x1x1xf32, #tpu.memory_space<vmem>>, vector<1x1x1xf32>
      tpu.vector_store %arg7[%swap3A_75, %swap3A_76, %swap3A_77], %broadcast_in_dim3A_74 {strides = array<i32>} : memref<1x1x1xf32, #tpu.memory_space<vmem>>, vector<1x1x1xf32>,
    } else {
    }
    %get3A = arith.constant 0 : index
    %get3A_2 = arith.constant 0 : index
    %get3A_3 = arith.constant 0 : index
    %get3A_4 = vector.load %arg5[%get3A, %get3A_2, %get3A_3] : memref<1x1x1xf32, #tpu.memory_space<vmem>>, vector<1x1x1xf32>
    %get3A_5 = arith.constant 0 : index
    %get3A_6 = arith.constant 0 : index
    %get3A_7 = arith.constant 0 : index
    %get3A_8 = vector.load %arg2[%get3A_5, %get3A_6, %get3A_7] : memref<1x1024x768xf32, #tpu.memory_space<vmem>>, vector<1x1024x768xf32>
    %abs3A = math.absf %get3A_8 : vector<1x1024x768xf32>
    %reduce_sum3A = vector.shape_cast %abs3A : vector<1x1024x768xf32> to vector<1x1x1024x768xf32>
    %reduce_sum3A_9 = arith.constant dense<0.000000e+00> : vector<1xf32>
    %reduce_sum3A_10 = vector.multi_reduction <add>, %reduce_sum3A, %reduce_sum3A_9 [1, 2, 3] : vector<1x1x1024x768xf32> to vector<1xf32>
    %reduce_sum3A_11 = vector.shape_cast %reduce_sum3A_10 : vector<1xf32> to vector<1x1x1x1xf32>
    %reduce_sum3A_12 = vector.extract %reduce_sum3A_11[0, 0, 0, 0] : f32 from vector<1x1x1x1xf32>
    %add3A = vector.broadcast %reduce_sum3A_12 : f32 to vector<1x1x1xf32>
    %add3A_13 = arith.addf %get3A_4, %add3A : vector<1x1x1xf32>
    %swap3A = arith.constant 0 : index
    %swap3A_14 = arith.constant 0 : index
    %swap3A_15 = arith.constant 0 : index
    %swap3A_16 = vector.load %arg5[%swap3A, %swap3A_14, %swap3A_15] : memref<1x1x1xf32, #tpu.memory_space<vmem>>, vector<1x1x1xf32>
    tpu.vector_store %arg5[%swap3A, %swap3A_14, %swap3A_15], %add3A_13 {strides = array<i32>} : memref<1x1x1xf32, #tpu.memory_space<vmem>>, vector<1x1x1xf32>,
    %get3A_17 = arith.constant 0 : index
    %get3A_18 = arith.constant 0 : index
    %get3A_19 = arith.constant 0 : index
    %get3A_20 = vector.load %arg6[%get3A_17, %get3A_18, %get3A_19] : memref<1x1x1xf32, #tpu.memory_space<vmem>>, vector<1x1x1xf32>
    %get3A_21 = arith.constant 0 : index
    %get3A_22 = arith.constant 0 : index
    %get3A_23 = arith.constant 0 : index
    %get3A_24 = vector.load %arg3[%get3A_21, %get3A_22, %get3A_23] : memref<1x1024x768xf32, #tpu.memory_space<vmem>>, vector<1x1024x768xf32>
    %abs3A_25 = math.absf %get3A_24 : vector<1x1024x768xf32>
    %reduce_sum3A_26 = vector.shape_cast %abs3A_25 : vector<1x1024x768xf32> to vector<1x1x1024x768xf32>
    %reduce_sum3A_27 = arith.constant dense<0.000000e+00> : vector<1xf32>
    %reduce_sum3A_28 = vector.multi_reduction <add>, %reduce_sum3A_26, %reduce_sum3A_27 [1, 2, 3] : vector<1x1x1024x768xf32> to vector<1xf32>
    %reduce_sum3A_29 = vector.shape_cast %reduce_sum3A_28 : vector<1xf32> to vector<1x1x1x1xf32>
    %reduce_sum3A_30 = vector.extract %reduce_sum3A_29[0, 0, 0, 0] : f32 from vector<1x1x1x1xf32>
    %add3A_31 = vector.broadcast %reduce_sum3A_30 : f32 to vector<1x1x1xf32>
    %add3A_32 = arith.addf %get3A_20, %add3A_31 : vector<1x1x1xf32>
    %swap3A_33 = arith.constant 0 : index
    %swap3A_34 = arith.constant 0 : index
    %swap3A_35 = arith.constant 0 : index
    %swap3A_36 = vector.load %arg6[%swap3A_33, %swap3A_34, %swap3A_35] : memref<1x1x1xf32, #tpu.memory_space<vmem>>, vector<1x1x1xf32>
    tpu.vector_store %arg6[%swap3A_33, %swap3A_34, %swap3A_35], %add3A_32 {strides = array<i32>} : memref<1x1x1xf32, #tpu.memory_space<vmem>>, vector<1x1x1xf32>,
    %get3A_37 = arith.constant 0 : index
    %get3A_38 = arith.constant 0 : index
    %get3A_39 = arith.constant 0 : index
    %get3A_40 = vector.load %arg7[%get3A_37, %get3A_38, %get3A_39] : memref<1x1x1xf32, #tpu.memory_space<vmem>>, vector<1x1x1xf32>
    %get3A_41 = arith.constant 0 : index
    %get3A_42 = arith.constant 0 : index
    %get3A_43 = arith.constant 0 : index
    %get3A_44 = vector.load %arg4[%get3A_41, %get3A_42, %get3A_43] : memref<1x768x1024xf32, #tpu.memory_space<vmem>>, vector<1x768x1024xf32>
    %abs3A_45 = math.absf %get3A_44 : vector<1x768x1024xf32>
    %reduce_sum3A_46 = vector.shape_cast %abs3A_45 : vector<1x768x1024xf32> to vector<1x1x768x1024xf32>
    %reduce_sum3A_47 = arith.constant dense<0.000000e+00> : vector<1xf32>
    %reduce_sum3A_48 = vector.multi_reduction <add>, %reduce_sum3A_46, %reduce_sum3A_47 [1, 2, 3] : vector<1x1x768x1024xf32> to vector<1xf32>
    %reduce_sum3A_49 = vector.shape_cast %reduce_sum3A_48 : vector<1xf32> to vector<1x1x1x1xf32>
    %reduce_sum3A_50 = vector.extract %reduce_sum3A_49[0, 0, 0, 0] : f32 from vector<1x1x1x1xf32>
    %add3A_51 = vector.broadcast %reduce_sum3A_50 : f32 to vector<1x1x1xf32>
    %add3A_52 = arith.addf %get3A_40, %add3A_51 : vector<1x1x1xf32>
    %swap3A_53 = arith.constant 0 : index
    %swap3A_54 = arith.constant 0 : index
    %swap3A_55 = arith.constant 0 : index
    %swap3A_56 = vector.load %arg7[%swap3A_53, %swap3A_54, %swap3A_55] : memref<1x1x1xf32, #tpu.memory_space<vmem>>, vector<1x1x1xf32>
    tpu.vector_store %arg7[%swap3A_53, %swap3A_54, %swap3A_55], %add3A_52 {strides = array<i32>} : memref<1x1x1xf32, #tpu.memory_space<vmem>>, vector<1x1x1xf32>,
    %eq3A_57 = arith.constant 2 : i32
    %eq3A_58 = arith.cmpi eq, %arg1, %eq3A_57 : i32
    %convert_element_type3A_59 = arith.extui %eq3A_58 : i1 to i32
    %cond3A_60 = arith.constant 0 : i32
    %cond3A_61 = arith.cmpi ne, %convert_element_type3A_59, %cond3A_60 : i32
    scf.if %cond3A_61 {
      %get3A_62 = arith.constant 0 : index
      %get3A_63 = arith.constant 0 : index
      %get3A_64 = arith.constant 0 : index
      %get3A_65 = vector.load %arg5[%get3A_62, %get3A_63, %get3A_64] : memref<1x1x1xf32, #tpu.memory_space<vmem>>, vector<1x1x1xf32>
      %div3A = arith.constant 0x4A100000 : f32
      %div3A_66 = vector.broadcast %div3A : f32 to vector<1x1x1xf32>
      %div3A_67 = arith.divf %get3A_65, %div3A_66 : vector<1x1x1xf32>
      %jit3A = arith.constant 9.99999974E-6 : f32
      %max3A = vector.broadcast %jit3A : f32 to vector<1x1x1xf32>
      %max3A_68 = arith.maximumf %max3A, %div3A_67 : vector<1x1x1xf32>
      %div3A_69 = arith.constant 1.000000e+00 : f32
      %div3A_70 = vector.broadcast %div3A_69 : f32 to vector<1x1x1xf32>
      %div3A_71 = arith.divf %div3A_70, %max3A_68 : vector<1x1x1xf32>
      %swap3A_72 = arith.constant 0 : index
      %swap3A_73 = arith.constant 0 : index
      %swap3A_74 = arith.constant 0 : index
      %swap3A_75 = vector.load %arg5[%swap3A_72, %swap3A_73, %swap3A_74] : memref<1x1x1xf32, #tpu.memory_space<vmem>>, vector<1x1x1xf32>
      tpu.vector_store %arg5[%swap3A_72, %swap3A_73, %swap3A_74], %div3A_71 {strides = array<i32>} : memref<1x1x1xf32, #tpu.memory_space<vmem>>, vector<1x1x1xf32>,
      %get3A_76 = arith.constant 0 : index
      %get3A_77 = arith.constant 0 : index
      %get3A_78 = arith.constant 0 : index
      %get3A_79 = vector.load %arg6[%get3A_76, %get3A_77, %get3A_78] : memref<1x1x1xf32, #tpu.memory_space<vmem>>, vector<1x1x1xf32>
      %div3A_80 = arith.constant 0x4A100000 : f32
      %div3A_81 = vector.broadcast %div3A_80 : f32 to vector<1x1x1xf32>
      %div3A_82 = arith.divf %get3A_79, %div3A_81 : vector<1x1x1xf32>
      %jit3A_83 = arith.constant 9.99999974E-6 : f32
      %max3A_84 = vector.broadcast %jit3A_83 : f32 to vector<1x1x1xf32>
      %max3A_85 = arith.maximumf %max3A_84, %div3A_82 : vector<1x1x1xf32>
      %div3A_86 = arith.constant 1.000000e+00 : f32
      %div3A_87 = vector.broadcast %div3A_86 : f32 to vector<1x1x1xf32>
      %div3A_88 = arith.divf %div3A_87, %max3A_85 : vector<1x1x1xf32>
      %swap3A_89 = arith.constant 0 : index
      %swap3A_90 = arith.constant 0 : index
      %swap3A_91 = arith.constant 0 : index
      %swap3A_92 = vector.load %arg6[%swap3A_89, %swap3A_90, %swap3A_91] : memref<1x1x1xf32, #tpu.memory_space<vmem>>, vector<1x1x1xf32>
      tpu.vector_store %arg6[%swap3A_89, %swap3A_90, %swap3A_91], %div3A_88 {strides = array<i32>} : memref<1x1x1xf32, #tpu.memory_space<vmem>>, vector<1x1x1xf32>,
      %get3A_93 = arith.constant 0 : index
      %get3A_94 = arith.constant 0 : index
      %get3A_95 = arith.constant 0 : index
      %get3A_96 = vector.load %arg7[%get3A_93, %get3A_94, %get3A_95] : memref<1x1x1xf32, #tpu.memory_space<vmem>>, vector<1x1x1xf32>
      %div3A_97 = arith.constant 0x4A100000 : f32
      %div3A_98 = vector.broadcast %div3A_97 : f32 to vector<1x1x1xf32>
      %div3A_99 = arith.divf %get3A_96, %div3A_98 : vector<1x1x1xf32>
      %jit3A_100 = arith.constant 9.99999974E-6 : f32
      %max3A_101 = vector.broadcast %jit3A_100 : f32 to vector<1x1x1xf32>
      %max3A_102 = arith.maximumf %max3A_101, %div3A_99 : vector<1x1x1xf32>
      %div3A_103 = arith.constant 1.000000e+00 : f32
      %div3A_104 = vector.broadcast %div3A_103 : f32 to vector<1x1x1xf32>
      %div3A_105 = arith.divf %div3A_104, %max3A_102 : vector<1x1x1xf32>
      %swap3A_106 = arith.constant 0 : index
      %swap3A_107 = arith.constant 0 : index
      %swap3A_108 = arith.constant 0 : index
      %swap3A_109 = vector.load %arg7[%swap3A_106, %swap3A_107, %swap3A_108] : memref<1x1x1xf32, #tpu.memory_space<vmem>>, vector<1x1x1xf32>
      tpu.vector_store %arg7[%swap3A_106, %swap3A_107, %swap3A_108], %div3A_105 {strides = array<i32>} : memref<1x1x1xf32, #tpu.memory_space<vmem>>, vector<1x1x1xf32>,
    } else {
    }
    return
  }
  func.func @transform_0(%arg0: i32, %arg1: i32) -> (i32, i32, i32) {
    %c0_i32 = arith.constant 0 : i32
    %c0_i32_0 = arith.constant 0 : i32
    return %arg0, %arg1, %c0_i32 : i32, i32, i32
  }
  func.func @transform_1(%arg0: i32, %arg1: i32) -> (i32, i32, i32) {
    %c0_i32 = arith.constant 0 : i32
    %c0_i32_0 = arith.constant 0 : i32
    return %arg0, %arg1, %c0_i32 : i32, i32, i32
  }
  func.func @transform_2(%arg0: i32, %arg1: i32) -> (i32, i32, i32) {
    %c0_i32 = arith.constant 0 : i32
    %c0_i32_0 = arith.constant 0 : i32
    return %arg0, %c0_i32, %arg1 : i32, i32, i32
  }
  func.func @transform_3(%arg0: i32, %arg1: i32) -> (i32, i32, i32) {
    %c0_i32 = arith.constant 0 : i32
    %c0_i32_0 = arith.constant 0 : i32
    %c0_i32_1 = arith.constant 0 : i32
    return %arg0, %c0_i32, %c0_i32_0 : i32, i32, i32
  }
  func.func @transform_4(%arg0: i32, %arg1: i32) -> (i32, i32, i32) {
    %c0_i32 = arith.constant 0 : i32
    %c0_i32_0 = arith.constant 0 : i32
    %c0_i32_1 = arith.constant 0 : i32
    return %arg0, %c0_i32, %c0_i32_0 : i32, i32, i32
  }
  func.func @transform_5(%arg0: i32, %arg1: i32) -> (i32, i32, i32) {
    %c0_i32 = arith.constant 0 : i32
    %c0_i32_0 = arith.constant 0 : i32
    %c0_i32_1 = arith.constant 0 : i32
    return %arg0, %c0_i32, %c0_i32_0 : i32, i32, i32
  }
}

module attributes {stable_mosaic.version = 14 : i64} {
  func.func @_moe_body(%arg0: i32, %arg1: memref<24xi32, #tpu.memory_space<smem>>, %arg2: memref<256x768xf32, #tpu.memory_space<vmem>>, %arg3: memref<1x3072x768xbf16, #tpu.memory_space<vmem>>, %arg4: memref<1x3072x768xbf16, #tpu.memory_space<vmem>>, %arg5: memref<1x768x3072xbf16, #tpu.memory_space<vmem>>, %arg6: memref<256x768xf32, #tpu.memory_space<vmem>>) attributes {dimension_semantics = [#tpu.dimension_semantics<arbitrary>], iteration_bounds = array<i64: 24>, scalar_prefetch = 1 : i64, scratch_operands = 0 : i64, tpu.core_type = #tpu.core_type<tc>, window_params = [{transform_indices = @transform_0, window_bounds = array<i64: 256, 768>}, {transform_indices = @transform_1, window_bounds = array<i64: 1, 3072, 768>}, {transform_indices = @transform_2, window_bounds = array<i64: 1, 3072, 768>}, {transform_indices = @transform_3, window_bounds = array<i64: 1, 768, 3072>}, {transform_indices = @transform_4, window_bounds = array<i64: 256, 768>}]} {
    %get3A = arith.constant 0 : index
    %get3A_0 = arith.constant 0 : index
    %get3A_1 = vector.load %arg2[%get3A, %get3A_0] : memref<256x768xf32, #tpu.memory_space<vmem>>, vector<256x768xf32>
    %abs3A = math.absf %get3A_1 : vector<256x768xf32>
    %reduce_max3A = arith.constant dense<0xFF800000> : vector<256xf32>
    %reduce_max3A_2 = vector.multi_reduction <maximumf>, %abs3A, %reduce_max3A [1] : vector<256x768xf32> to vector<256xf32>
    %broadcast_in_dim3A = vector.shape_cast %reduce_max3A_2 : vector<256xf32> to vector<256x1xf32>
    %jit3A = arith.constant 9.99999974E-6 : f32
    %max3A = vector.broadcast %jit3A : f32 to vector<256x1xf32>
    %max3A_3 = arith.maximumf %max3A, %broadcast_in_dim3A : vector<256x1xf32>
    %div3A = arith.constant 1.270000e+02 : f32
    %div3A_4 = vector.broadcast %div3A : f32 to vector<256x1xf32>
    %div3A_5 = arith.divf %div3A_4, %max3A_3 : vector<256x1xf32>
    %mul3A = vector.broadcast %div3A_5 : vector<256x1xf32> to vector<256x768xf32>
    %mul3A_6 = arith.mulf %get3A_1, %mul3A : vector<256x768xf32>
    %round3A = math.roundeven %mul3A_6 : vector<256x768xf32>
    %div3A_7 = vector.broadcast %div3A_5 : vector<256x1xf32> to vector<256x768xf32>
    %div3A_8 = arith.divf %round3A, %div3A_7 : vector<256x768xf32>
    %convert_element_type3A = arith.truncf %div3A_8 : vector<256x768xf32> to vector<256x768xbf16>
    %get3A_9 = arith.constant 0 : index
    %get3A_10 = arith.constant 0 : index
    %get3A_11 = arith.constant 0 : index
    %get3A_12 = vector.load %arg3[%get3A_9, %get3A_10, %get3A_11] : memref<1x3072x768xbf16, #tpu.memory_space<vmem>>, vector<1x3072x768xbf16>
    %get3A_13 = vector.shape_cast %get3A_12 : vector<1x3072x768xbf16> to vector<3072x768xbf16>
    %dot_general3A = arith.constant dense<0.000000e+00> : vector<256x3072xf32>
    %dot_general3A_14 = tpu.matmul %convert_element_type3A, %get3A_13, %dot_general3A {dimension_numbers = #tpu.dot_dimension_numbers<[1], [1], [0], [0], [0, 0, 1, 0], [], []>, transpose_lhs_hint = false} : vector<256x768xbf16>, vector<3072x768xbf16>, vector<256x3072xf32> -> vector<256x3072xf32>
    %get3A_15 = arith.constant 0 : index
    %get3A_16 = arith.constant 0 : index
    %get3A_17 = arith.constant 0 : index
    %get3A_18 = vector.load %arg4[%get3A_15, %get3A_16, %get3A_17] : memref<1x3072x768xbf16, #tpu.memory_space<vmem>>, vector<1x3072x768xbf16>
    %get3A_19 = vector.shape_cast %get3A_18 : vector<1x3072x768xbf16> to vector<3072x768xbf16>
    %dot_general3A_20 = arith.constant dense<0.000000e+00> : vector<256x3072xf32>
    %dot_general3A_21 = tpu.matmul %convert_element_type3A, %get3A_19, %dot_general3A_20 {dimension_numbers = #tpu.dot_dimension_numbers<[1], [1], [0], [0], [0, 0, 1, 0], [], []>, transpose_lhs_hint = false} : vector<256x768xbf16>, vector<3072x768xbf16>, vector<256x3072xf32> -> vector<256x3072xf32>
    %max3A_22 = arith.constant 0.000000e+00 : f32
    %max3A_23 = vector.broadcast %max3A_22 : f32 to vector<256x3072xf32>
    %max3A_24 = arith.maximumf %dot_general3A_14, %max3A_23 : vector<256x3072xf32>
    %integer_pow3A = arith.mulf %max3A_24, %max3A_24 : vector<256x3072xf32>
    %mul3A_25 = arith.mulf %dot_general3A_21, %integer_pow3A : vector<256x3072xf32>
    %abs3A_26 = math.absf %mul3A_25 : vector<256x3072xf32>
    %reduce_max3A_27 = arith.constant dense<0xFF800000> : vector<256xf32>
    %reduce_max3A_28 = vector.multi_reduction <maximumf>, %abs3A_26, %reduce_max3A_27 [1] : vector<256x3072xf32> to vector<256xf32>
    %broadcast_in_dim3A_29 = vector.shape_cast %reduce_max3A_28 : vector<256xf32> to vector<256x1xf32>
    %jit3A_30 = arith.constant 9.99999974E-6 : f32
    %max3A_31 = vector.broadcast %jit3A_30 : f32 to vector<256x1xf32>
    %max3A_32 = arith.maximumf %max3A_31, %broadcast_in_dim3A_29 : vector<256x1xf32>
    %div3A_33 = arith.constant 1.270000e+02 : f32
    %div3A_34 = vector.broadcast %div3A_33 : f32 to vector<256x1xf32>
    %div3A_35 = arith.divf %div3A_34, %max3A_32 : vector<256x1xf32>
    %mul3A_36 = vector.broadcast %div3A_35 : vector<256x1xf32> to vector<256x3072xf32>
    %mul3A_37 = arith.mulf %mul3A_25, %mul3A_36 : vector<256x3072xf32>
    %round3A_38 = math.roundeven %mul3A_37 : vector<256x3072xf32>
    %div3A_39 = vector.broadcast %div3A_35 : vector<256x1xf32> to vector<256x3072xf32>
    %div3A_40 = arith.divf %round3A_38, %div3A_39 : vector<256x3072xf32>
    %convert_element_type3A_41 = arith.truncf %div3A_40 : vector<256x3072xf32> to vector<256x3072xbf16>
    %get3A_42 = arith.constant 0 : index
    %get3A_43 = arith.constant 0 : index
    %get3A_44 = arith.constant 0 : index
    %get3A_45 = vector.load %arg5[%get3A_42, %get3A_43, %get3A_44] : memref<1x768x3072xbf16, #tpu.memory_space<vmem>>, vector<1x768x3072xbf16>
    %get3A_46 = vector.shape_cast %get3A_45 : vector<1x768x3072xbf16> to vector<768x3072xbf16>
    %dot_general3A_47 = arith.constant dense<0.000000e+00> : vector<256x768xf32>
    %dot_general3A_48 = tpu.matmul %convert_element_type3A_41, %get3A_46, %dot_general3A_47 {dimension_numbers = #tpu.dot_dimension_numbers<[1], [1], [0], [0], [0, 0, 1, 0], [], []>, transpose_lhs_hint = false} : vector<256x3072xbf16>, vector<768x3072xbf16>, vector<256x768xf32> -> vector<256x768xf32>
    %swap3A = arith.constant 0 : index
    %swap3A_49 = arith.constant 0 : index
    %swap3A_50 = vector.load %arg6[%swap3A, %swap3A_49] : memref<256x768xf32, #tpu.memory_space<vmem>>, vector<256x768xf32>
    tpu.vector_store %arg6[%swap3A, %swap3A_49], %dot_general3A_48 {strides = array<i32>} : memref<256x768xf32, #tpu.memory_space<vmem>>, vector<256x768xf32>,
    return
  }
  func.func @transform_0(%arg0: i32, %arg1: memref<24xi32, #tpu.memory_space<smem>>) -> (i32, i32) {
    %c0_i32 = arith.constant 0 : i32
    %c0_i32_0 = arith.constant 0 : i32
    return %arg0, %c0_i32 : i32, i32
  }
  func.func @transform_1(%arg0: i32, %arg1: memref<24xi32, #tpu.memory_space<smem>>) -> (i32, i32, i32) {
    %get3A = arith.index_cast %arg0 : i32 to index
    %get3A_0 = memref.load %arg1[%get3A] : memref<24xi32, #tpu.memory_space<smem>>
    %c0_i32 = arith.constant 0 : i32
    %c0_i32_1 = arith.constant 0 : i32
    %c0_i32_2 = arith.constant 0 : i32
    return %get3A_0, %c0_i32, %c0_i32_1 : i32, i32, i32
  }
  func.func @transform_2(%arg0: i32, %arg1: memref<24xi32, #tpu.memory_space<smem>>) -> (i32, i32, i32) {
    %get3A = arith.index_cast %arg0 : i32 to index
    %get3A_0 = memref.load %arg1[%get3A] : memref<24xi32, #tpu.memory_space<smem>>
    %c0_i32 = arith.constant 0 : i32
    %c0_i32_1 = arith.constant 0 : i32
    %c0_i32_2 = arith.constant 0 : i32
    return %get3A_0, %c0_i32, %c0_i32_1 : i32, i32, i32
  }
  func.func @transform_3(%arg0: i32, %arg1: memref<24xi32, #tpu.memory_space<smem>>) -> (i32, i32, i32) {
    %get3A = arith.index_cast %arg0 : i32 to index
    %get3A_0 = memref.load %arg1[%get3A] : memref<24xi32, #tpu.memory_space<smem>>
    %c0_i32 = arith.constant 0 : i32
    %c0_i32_1 = arith.constant 0 : i32
    %c0_i32_2 = arith.constant 0 : i32
    return %get3A_0, %c0_i32, %c0_i32_1 : i32, i32, i32
  }
  func.func @transform_4(%arg0: i32, %arg1: memref<24xi32, #tpu.memory_space<smem>>) -> (i32, i32) {
    %c0_i32 = arith.constant 0 : i32
    %c0_i32_0 = arith.constant 0 : i32
    return %arg0, %c0_i32 : i32, i32
  }
}

module attributes {stable_mosaic.version = 14 : i64} {
  func.func @_router_body(%arg0: memref<2048x768xf32, #tpu.memory_space<vmem>>, %arg1: memref<8x768xf32, #tpu.memory_space<vmem>>, %arg2: memref<2048x1xf32, #tpu.memory_space<vmem>>, %arg3: memref<2048x1xf32, #tpu.memory_space<vmem>>, %arg4: memref<32x128xi32, #tpu.memory_space<vmem>>, %arg5: memref<1x128xi32, #tpu.memory_space<vmem>>) attributes {dimension_semantics = [], scalar_prefetch = 0 : i64, scratch_operands = 0 : i64, tpu.core_type = #tpu.core_type<tc>} {
    %get3A = arith.constant 0 : index
    %get3A_0 = arith.constant 0 : index
    %get3A_1 = vector.load %arg0[%get3A, %get3A_0] : memref<2048x768xf32, #tpu.memory_space<vmem>>, vector<2048x768xf32>
    %convert_element_type3A = arith.truncf %get3A_1 : vector<2048x768xf32> to vector<2048x768xbf16>
    %get3A_2 = arith.constant 0 : index
    %get3A_3 = arith.constant 0 : index
    %get3A_4 = vector.load %arg1[%get3A_2, %get3A_3] : memref<8x768xf32, #tpu.memory_space<vmem>>, vector<8x768xf32>
    %convert_element_type3A_5 = arith.truncf %get3A_4 : vector<8x768xf32> to vector<8x768xbf16>
    %dot_general3A = arith.constant dense<0.000000e+00> : vector<2048x8xf32>
    %dot_general3A_6 = tpu.matmul %convert_element_type3A, %convert_element_type3A_5, %dot_general3A {dimension_numbers = #tpu.dot_dimension_numbers<[1], [1], [0], [0], [0, 0, 1, 0], [], []>, transpose_lhs_hint = false} : vector<2048x768xbf16>, vector<8x768xbf16>, vector<2048x8xf32> -> vector<2048x8xf32>
    %reduce_max3A = arith.constant dense<0xFF800000> : vector<2048xf32>
    %reduce_max3A_7 = vector.multi_reduction <maximumf>, %dot_general3A_6, %reduce_max3A [1] : vector<2048x8xf32> to vector<2048xf32>
    %broadcast_in_dim3A = vector.shape_cast %reduce_max3A_7 : vector<2048xf32> to vector<2048x1xf32>
    %sub3A = vector.broadcast %broadcast_in_dim3A : vector<2048x1xf32> to vector<2048x8xf32>
    %sub3A_8 = arith.subf %dot_general3A_6, %sub3A : vector<2048x8xf32>
    %exp3A = math.exp %sub3A_8 : vector<2048x8xf32>
    %reduce_sum3A = arith.constant dense<0.000000e+00> : vector<2048xf32>
    %reduce_sum3A_9 = vector.multi_reduction <add>, %exp3A, %reduce_sum3A [1] : vector<2048x8xf32> to vector<2048xf32>
    %broadcast_in_dim3A_10 = vector.shape_cast %reduce_sum3A_9 : vector<2048xf32> to vector<2048x1xf32>
    %div3A = vector.broadcast %broadcast_in_dim3A_10 : vector<2048x1xf32> to vector<2048x8xf32>
    %div3A_11 = arith.divf %exp3A, %div3A : vector<2048x8xf32>
    %broadcast_in_dim3A_12 = arith.constant 0.000000e+00 : f32
    %broadcast_in_dim3A_13 = vector.broadcast %broadcast_in_dim3A_12 : f32 to vector<2048x8xf32>
    %iota3A = tpu.iota {dimensions = array<i32: 1>} : vector<2048x8xi32>
    %slice3A = vector.extract_strided_slice %div3A_11 {offsets = [0, 0], sizes = [2048, 1], strides = [1, 1]} : vector<2048x8xf32> to vector<2048x1xf32>
    %gt3A = vector.broadcast %slice3A : vector<2048x1xf32> to vector<2048x8xf32>
    %gt3A_14 = arith.cmpf ogt, %gt3A, %div3A_11 : vector<2048x8xf32>
    %convert_element_type3A_15 = arith.extui %gt3A_14 : vector<2048x8xi1> to vector<2048x8xi32>
    %convert_element_type3A_16 = arith.sitofp %convert_element_type3A_15 : vector<2048x8xi32> to vector<2048x8xf32>
    %add3A = arith.addf %broadcast_in_dim3A_13, %convert_element_type3A_16 : vector<2048x8xf32>
    %eq3A = vector.broadcast %slice3A : vector<2048x1xf32> to vector<2048x8xf32>
    %eq3A_17 = arith.cmpf oeq, %eq3A, %div3A_11 : vector<2048x8xf32>
    %gt3A_18 = arith.constant 0 : i32
    %gt3A_19 = vector.broadcast %gt3A_18 : i32 to vector<2048x8xi32>
    %gt3A_20 = arith.cmpi sgt, %iota3A, %gt3A_19 : vector<2048x8xi32>
    %and3A = arith.andi %eq3A_17, %gt3A_20 : vector<2048x8xi1>
    %convert_element_type3A_21 = arith.extui %and3A : vector<2048x8xi1> to vector<2048x8xi32>
    %convert_element_type3A_22 = arith.sitofp %convert_element_type3A_21 : vector<2048x8xi32> to vector<2048x8xf32>
    %add3A_23 = arith.addf %add3A, %convert_element_type3A_22 : vector<2048x8xf32>
    %slice3A_24 = vector.extract_strided_slice %div3A_11 {offsets = [0, 1], sizes = [2048, 1], strides = [1, 1]} : vector<2048x8xf32> to vector<2048x1xf32>
    %gt3A_25 = vector.broadcast %slice3A_24 : vector<2048x1xf32> to vector<2048x8xf32>
    %gt3A_26 = arith.cmpf ogt, %gt3A_25, %div3A_11 : vector<2048x8xf32>
    %convert_element_type3A_27 = arith.extui %gt3A_26 : vector<2048x8xi1> to vector<2048x8xi32>
    %convert_element_type3A_28 = arith.sitofp %convert_element_type3A_27 : vector<2048x8xi32> to vector<2048x8xf32>
    %add3A_29 = arith.addf %add3A_23, %convert_element_type3A_28 : vector<2048x8xf32>
    %eq3A_30 = vector.broadcast %slice3A_24 : vector<2048x1xf32> to vector<2048x8xf32>
    %eq3A_31 = arith.cmpf oeq, %eq3A_30, %div3A_11 : vector<2048x8xf32>
    %gt3A_32 = arith.constant 1 : i32
    %gt3A_33 = vector.broadcast %gt3A_32 : i32 to vector<2048x8xi32>
    %gt3A_34 = arith.cmpi sgt, %iota3A, %gt3A_33 : vector<2048x8xi32>
    %and3A_35 = arith.andi %eq3A_31, %gt3A_34 : vector<2048x8xi1>
    %convert_element_type3A_36 = arith.extui %and3A_35 : vector<2048x8xi1> to vector<2048x8xi32>
    %convert_element_type3A_37 = arith.sitofp %convert_element_type3A_36 : vector<2048x8xi32> to vector<2048x8xf32>
    %add3A_38 = arith.addf %add3A_29, %convert_element_type3A_37 : vector<2048x8xf32>
    %slice3A_39 = vector.extract_strided_slice %div3A_11 {offsets = [0, 2], sizes = [2048, 1], strides = [1, 1]} : vector<2048x8xf32> to vector<2048x1xf32>
    %gt3A_40 = vector.broadcast %slice3A_39 : vector<2048x1xf32> to vector<2048x8xf32>
    %gt3A_41 = arith.cmpf ogt, %gt3A_40, %div3A_11 : vector<2048x8xf32>
    %convert_element_type3A_42 = arith.extui %gt3A_41 : vector<2048x8xi1> to vector<2048x8xi32>
    %convert_element_type3A_43 = arith.sitofp %convert_element_type3A_42 : vector<2048x8xi32> to vector<2048x8xf32>
    %add3A_44 = arith.addf %add3A_38, %convert_element_type3A_43 : vector<2048x8xf32>
    %eq3A_45 = vector.broadcast %slice3A_39 : vector<2048x1xf32> to vector<2048x8xf32>
    %eq3A_46 = arith.cmpf oeq, %eq3A_45, %div3A_11 : vector<2048x8xf32>
    %gt3A_47 = arith.constant 2 : i32
    %gt3A_48 = vector.broadcast %gt3A_47 : i32 to vector<2048x8xi32>
    %gt3A_49 = arith.cmpi sgt, %iota3A, %gt3A_48 : vector<2048x8xi32>
    %and3A_50 = arith.andi %eq3A_46, %gt3A_49 : vector<2048x8xi1>
    %convert_element_type3A_51 = arith.extui %and3A_50 : vector<2048x8xi1> to vector<2048x8xi32>
    %convert_element_type3A_52 = arith.sitofp %convert_element_type3A_51 : vector<2048x8xi32> to vector<2048x8xf32>
    %add3A_53 = arith.addf %add3A_44, %convert_element_type3A_52 : vector<2048x8xf32>
    %slice3A_54 = vector.extract_strided_slice %div3A_11 {offsets = [0, 3], sizes = [2048, 1], strides = [1, 1]} : vector<2048x8xf32> to vector<2048x1xf32>
    %gt3A_55 = vector.broadcast %slice3A_54 : vector<2048x1xf32> to vector<2048x8xf32>
    %gt3A_56 = arith.cmpf ogt, %gt3A_55, %div3A_11 : vector<2048x8xf32>
    %convert_element_type3A_57 = arith.extui %gt3A_56 : vector<2048x8xi1> to vector<2048x8xi32>
    %convert_element_type3A_58 = arith.sitofp %convert_element_type3A_57 : vector<2048x8xi32> to vector<2048x8xf32>
    %add3A_59 = arith.addf %add3A_53, %convert_element_type3A_58 : vector<2048x8xf32>
    %eq3A_60 = vector.broadcast %slice3A_54 : vector<2048x1xf32> to vector<2048x8xf32>
    %eq3A_61 = arith.cmpf oeq, %eq3A_60, %div3A_11 : vector<2048x8xf32>
    %gt3A_62 = arith.constant 3 : i32
    %gt3A_63 = vector.broadcast %gt3A_62 : i32 to vector<2048x8xi32>
    %gt3A_64 = arith.cmpi sgt, %iota3A, %gt3A_63 : vector<2048x8xi32>
    %and3A_65 = arith.andi %eq3A_61, %gt3A_64 : vector<2048x8xi1>
    %convert_element_type3A_66 = arith.extui %and3A_65 : vector<2048x8xi1> to vector<2048x8xi32>
    %convert_element_type3A_67 = arith.sitofp %convert_element_type3A_66 : vector<2048x8xi32> to vector<2048x8xf32>
    %add3A_68 = arith.addf %add3A_59, %convert_element_type3A_67 : vector<2048x8xf32>
    %slice3A_69 = vector.extract_strided_slice %div3A_11 {offsets = [0, 4], sizes = [2048, 1], strides = [1, 1]} : vector<2048x8xf32> to vector<2048x1xf32>
    %gt3A_70 = vector.broadcast %slice3A_69 : vector<2048x1xf32> to vector<2048x8xf32>
    %gt3A_71 = arith.cmpf ogt, %gt3A_70, %div3A_11 : vector<2048x8xf32>
    %convert_element_type3A_72 = arith.extui %gt3A_71 : vector<2048x8xi1> to vector<2048x8xi32>
    %convert_element_type3A_73 = arith.sitofp %convert_element_type3A_72 : vector<2048x8xi32> to vector<2048x8xf32>
    %add3A_74 = arith.addf %add3A_68, %convert_element_type3A_73 : vector<2048x8xf32>
    %eq3A_75 = vector.broadcast %slice3A_69 : vector<2048x1xf32> to vector<2048x8xf32>
    %eq3A_76 = arith.cmpf oeq, %eq3A_75, %div3A_11 : vector<2048x8xf32>
    %gt3A_77 = arith.constant 4 : i32
    %gt3A_78 = vector.broadcast %gt3A_77 : i32 to vector<2048x8xi32>
    %gt3A_79 = arith.cmpi sgt, %iota3A, %gt3A_78 : vector<2048x8xi32>
    %and3A_80 = arith.andi %eq3A_76, %gt3A_79 : vector<2048x8xi1>
    %convert_element_type3A_81 = arith.extui %and3A_80 : vector<2048x8xi1> to vector<2048x8xi32>
    %convert_element_type3A_82 = arith.sitofp %convert_element_type3A_81 : vector<2048x8xi32> to vector<2048x8xf32>
    %add3A_83 = arith.addf %add3A_74, %convert_element_type3A_82 : vector<2048x8xf32>
    %slice3A_84 = vector.extract_strided_slice %div3A_11 {offsets = [0, 5], sizes = [2048, 1], strides = [1, 1]} : vector<2048x8xf32> to vector<2048x1xf32>
    %gt3A_85 = vector.broadcast %slice3A_84 : vector<2048x1xf32> to vector<2048x8xf32>
    %gt3A_86 = arith.cmpf ogt, %gt3A_85, %div3A_11 : vector<2048x8xf32>
    %convert_element_type3A_87 = arith.extui %gt3A_86 : vector<2048x8xi1> to vector<2048x8xi32>
    %convert_element_type3A_88 = arith.sitofp %convert_element_type3A_87 : vector<2048x8xi32> to vector<2048x8xf32>
    %add3A_89 = arith.addf %add3A_83, %convert_element_type3A_88 : vector<2048x8xf32>
    %eq3A_90 = vector.broadcast %slice3A_84 : vector<2048x1xf32> to vector<2048x8xf32>
    %eq3A_91 = arith.cmpf oeq, %eq3A_90, %div3A_11 : vector<2048x8xf32>
    %gt3A_92 = arith.constant 5 : i32
    %gt3A_93 = vector.broadcast %gt3A_92 : i32 to vector<2048x8xi32>
    %gt3A_94 = arith.cmpi sgt, %iota3A, %gt3A_93 : vector<2048x8xi32>
    %and3A_95 = arith.andi %eq3A_91, %gt3A_94 : vector<2048x8xi1>
    %convert_element_type3A_96 = arith.extui %and3A_95 : vector<2048x8xi1> to vector<2048x8xi32>
    %convert_element_type3A_97 = arith.sitofp %convert_element_type3A_96 : vector<2048x8xi32> to vector<2048x8xf32>
    %add3A_98 = arith.addf %add3A_89, %convert_element_type3A_97 : vector<2048x8xf32>
    %slice3A_99 = vector.extract_strided_slice %div3A_11 {offsets = [0, 6], sizes = [2048, 1], strides = [1, 1]} : vector<2048x8xf32> to vector<2048x1xf32>
    %gt3A_100 = vector.broadcast %slice3A_99 : vector<2048x1xf32> to vector<2048x8xf32>
    %gt3A_101 = arith.cmpf ogt, %gt3A_100, %div3A_11 : vector<2048x8xf32>
    %convert_element_type3A_102 = arith.extui %gt3A_101 : vector<2048x8xi1> to vector<2048x8xi32>
    %convert_element_type3A_103 = arith.sitofp %convert_element_type3A_102 : vector<2048x8xi32> to vector<2048x8xf32>
    %add3A_104 = arith.addf %add3A_98, %convert_element_type3A_103 : vector<2048x8xf32>
    %eq3A_105 = vector.broadcast %slice3A_99 : vector<2048x1xf32> to vector<2048x8xf32>
    %eq3A_106 = arith.cmpf oeq, %eq3A_105, %div3A_11 : vector<2048x8xf32>
    %gt3A_107 = arith.constant 6 : i32
    %gt3A_108 = vector.broadcast %gt3A_107 : i32 to vector<2048x8xi32>
    %gt3A_109 = arith.cmpi sgt, %iota3A, %gt3A_108 : vector<2048x8xi32>
    %and3A_110 = arith.andi %eq3A_106, %gt3A_109 : vector<2048x8xi1>
    %convert_element_type3A_111 = arith.extui %and3A_110 : vector<2048x8xi1> to vector<2048x8xi32>
    %convert_element_type3A_112 = arith.sitofp %convert_element_type3A_111 : vector<2048x8xi32> to vector<2048x8xf32>
    %add3A_113 = arith.addf %add3A_104, %convert_element_type3A_112 : vector<2048x8xf32>
    %slice3A_114 = vector.extract_strided_slice %div3A_11 {offsets = [0, 7], sizes = [2048, 1], strides = [1, 1]} : vector<2048x8xf32> to vector<2048x1xf32>
    %gt3A_115 = vector.broadcast %slice3A_114 : vector<2048x1xf32> to vector<2048x8xf32>
    %gt3A_116 = arith.cmpf ogt, %gt3A_115, %div3A_11 : vector<2048x8xf32>
    %convert_element_type3A_117 = arith.extui %gt3A_116 : vector<2048x8xi1> to vector<2048x8xi32>
    %convert_element_type3A_118 = arith.sitofp %convert_element_type3A_117 : vector<2048x8xi32> to vector<2048x8xf32>
    %add3A_119 = arith.addf %add3A_113, %convert_element_type3A_118 : vector<2048x8xf32>
    %eq3A_120 = vector.broadcast %slice3A_114 : vector<2048x1xf32> to vector<2048x8xf32>
    %eq3A_121 = arith.cmpf oeq, %eq3A_120, %div3A_11 : vector<2048x8xf32>
    %gt3A_122 = arith.constant 7 : i32
    %gt3A_123 = vector.broadcast %gt3A_122 : i32 to vector<2048x8xi32>
    %gt3A_124 = arith.cmpi sgt, %iota3A, %gt3A_123 : vector<2048x8xi32>
    %and3A_125 = arith.andi %eq3A_121, %gt3A_124 : vector<2048x8xi1>
    %convert_element_type3A_126 = arith.extui %and3A_125 : vector<2048x8xi1> to vector<2048x8xi32>
    %convert_element_type3A_127 = arith.sitofp %convert_element_type3A_126 : vector<2048x8xi32> to vector<2048x8xf32>
    %add3A_128 = arith.addf %add3A_119, %convert_element_type3A_127 : vector<2048x8xf32>
    %eq3A_129 = arith.constant 0.000000e+00 : f32
    %eq3A_130 = vector.broadcast %eq3A_129 : f32 to vector<2048x8xf32>
    %eq3A_131 = arith.cmpf oeq, %add3A_128, %eq3A_130 : vector<2048x8xf32>
    %eq3A_132 = arith.constant 1.000000e+00 : f32
    %eq3A_133 = vector.broadcast %eq3A_132 : f32 to vector<2048x8xf32>
    %eq3A_134 = arith.cmpf oeq, %add3A_128, %eq3A_133 : vector<2048x8xf32>
    %jit3A = arith.constant 0.000000e+00 : f32
    %broadcast_in_dim3A_135 = vector.broadcast %jit3A : f32 to vector<2048x8xf32>
    %select_n3A = arith.select %eq3A_131, %div3A_11, %broadcast_in_dim3A_135 : vector<2048x8xi1>, vector<2048x8xf32>
    %reduce_sum3A_136 = arith.constant dense<0.000000e+00> : vector<2048xf32>
    %reduce_sum3A_137 = vector.multi_reduction <add>, %select_n3A, %reduce_sum3A_136 [1] : vector<2048x8xf32> to vector<2048xf32>
    %broadcast_in_dim3A_138 = vector.shape_cast %reduce_sum3A_137 : vector<2048xf32> to vector<2048x1xf32>
    %jit3A_139 = arith.constant 0.000000e+00 : f32
    %broadcast_in_dim3A_140 = vector.broadcast %jit3A_139 : f32 to vector<2048x8xf32>
    %select_n3A_141 = arith.select %eq3A_134, %div3A_11, %broadcast_in_dim3A_140 : vector<2048x8xi1>, vector<2048x8xf32>
    %reduce_sum3A_142 = arith.constant dense<0.000000e+00> : vector<2048xf32>
    %reduce_sum3A_143 = vector.multi_reduction <add>, %select_n3A_141, %reduce_sum3A_142 [1] : vector<2048x8xf32> to vector<2048xf32>
    %broadcast_in_dim3A_144 = vector.shape_cast %reduce_sum3A_143 : vector<2048xf32> to vector<2048x1xf32>
    %add3A_145 = arith.addf %broadcast_in_dim3A_138, %broadcast_in_dim3A_144 : vector<2048x1xf32>
    %div3A_146 = arith.divf %broadcast_in_dim3A_138, %add3A_145 : vector<2048x1xf32>
    %swap3A = arith.constant 0 : index
    %swap3A_147 = arith.constant 0 : index
    %swap3A_148 = vector.load %arg2[%swap3A, %swap3A_147] : memref<2048x1xf32, #tpu.memory_space<vmem>>, vector<2048x1xf32>
    tpu.vector_store %arg2[%swap3A, %swap3A_147], %div3A_146 {strides = array<i32>} : memref<2048x1xf32, #tpu.memory_space<vmem>>, vector<2048x1xf32>,
    %div3A_149 = arith.divf %broadcast_in_dim3A_144, %add3A_145 : vector<2048x1xf32>
    %swap3A_150 = arith.constant 0 : index
    %swap3A_151 = arith.constant 0 : index
    %swap3A_152 = vector.load %arg3[%swap3A_150, %swap3A_151] : memref<2048x1xf32, #tpu.memory_space<vmem>>, vector<2048x1xf32>
    tpu.vector_store %arg3[%swap3A_150, %swap3A_151], %div3A_149 {strides = array<i32>} : memref<2048x1xf32, #tpu.memory_space<vmem>>, vector<2048x1xf32>,
    %jit3A_153 = arith.constant 0 : i32
    %broadcast_in_dim3A_154 = vector.broadcast %jit3A_153 : i32 to vector<2048x8xi32>
    %select_n3A_155 = arith.select %eq3A_131, %iota3A, %broadcast_in_dim3A_154 : vector<2048x8xi1>, vector<2048x8xi32>
    %reduce_sum3A_156 = arith.constant dense<0> : vector<2048xi32>
    %reduce_sum3A_157 = vector.multi_reduction <add>, %select_n3A_155, %reduce_sum3A_156 [1] : vector<2048x8xi32> to vector<2048xi32>
    %broadcast_in_dim3A_158 = vector.shape_cast %reduce_sum3A_157 : vector<2048xi32> to vector<2048x1xi32>
    %jit3A_159 = arith.constant 0 : i32
    %broadcast_in_dim3A_160 = vector.broadcast %jit3A_159 : i32 to vector<2048x8xi32>
    %select_n3A_161 = arith.select %eq3A_134, %iota3A, %broadcast_in_dim3A_160 : vector<2048x8xi1>, vector<2048x8xi32>
    %reduce_sum3A_162 = arith.constant dense<0> : vector<2048xi32>
    %reduce_sum3A_163 = vector.multi_reduction <add>, %select_n3A_161, %reduce_sum3A_162 [1] : vector<2048x8xi32> to vector<2048xi32>
    %broadcast_in_dim3A_164 = vector.shape_cast %reduce_sum3A_163 : vector<2048xi32> to vector<2048x1xi32>
    %reshape3A = vector.shape_cast %broadcast_in_dim3A_158 : vector<2048x1xi32> to vector<16x128xi32>
    %reshape3A_165 = vector.shape_cast %broadcast_in_dim3A_164 : vector<2048x1xi32> to vector<16x128xi32>
    %concatenate3A = tpu.concatenate %reshape3A, %reshape3A_165 in 0 : vector<16x128xi32>, vector<16x128xi32> -> vector<32x128xi32>
    %broadcast_in_dim3A_166 = arith.constant 0 : i32
    %broadcast_in_dim3A_167 = vector.broadcast %broadcast_in_dim3A_166 : i32 to vector<32x128xi32>
    %broadcast_in_dim3A_168 = arith.constant 0 : i32
    %broadcast_in_dim3A_169 = vector.broadcast %broadcast_in_dim3A_168 : i32 to vector<1x128xi32>
    %iota3A_170 = tpu.iota {dimensions = array<i32: 1>} : vector<1x128xi32>
    %eq3A_171 = arith.constant 0 : i32
    %eq3A_172 = vector.broadcast %eq3A_171 : i32 to vector<32x128xi32>
    %eq3A_173 = arith.cmpi eq, %concatenate3A, %eq3A_172 : vector<32x128xi32>
    %convert_element_type3A_174 = arith.extui %eq3A_173 : vector<32x128xi1> to vector<32x128xi32>
    %broadcast_in_dim3A_175 = arith.constant 0 : i32
    %broadcast_in_dim3A_176 = vector.broadcast %broadcast_in_dim3A_175 : i32 to vector<32x1xi32>
    %slice3A_177 = vector.extract_strided_slice %convert_element_type3A_174 {offsets = [0, 0], sizes = [32, 127], strides = [1, 1]} : vector<32x128xi32> to vector<32x127xi32>
    %concatenate3A_178 = tpu.concatenate %broadcast_in_dim3A_176, %slice3A_177 in 1 : vector<32x1xi32>, vector<32x127xi32> -> vector<32x128xi32>
    %add3A_179 = arith.addi %convert_element_type3A_174, %concatenate3A_178 : vector<32x128xi32>
    %broadcast_in_dim3A_180 = arith.constant 0 : i32
    %broadcast_in_dim3A_181 = vector.broadcast %broadcast_in_dim3A_180 : i32 to vector<32x2xi32>
    %slice3A_182 = vector.extract_strided_slice %add3A_179 {offsets = [0, 0], sizes = [32, 126], strides = [1, 1]} : vector<32x128xi32> to vector<32x126xi32>
    %concatenate3A_183 = tpu.concatenate %broadcast_in_dim3A_181, %slice3A_182 in 1 : vector<32x2xi32>, vector<32x126xi32> -> vector<32x128xi32>
    %add3A_184 = arith.addi %add3A_179, %concatenate3A_183 : vector<32x128xi32>
    %broadcast_in_dim3A_185 = arith.constant 0 : i32
    %broadcast_in_dim3A_186 = vector.broadcast %broadcast_in_dim3A_185 : i32 to vector<32x4xi32>
    %slice3A_187 = vector.extract_strided_slice %add3A_184 {offsets = [0, 0], sizes = [32, 124], strides = [1, 1]} : vector<32x128xi32> to vector<32x124xi32>
    %concatenate3A_188 = tpu.concatenate %broadcast_in_dim3A_186, %slice3A_187 in 1 : vector<32x4xi32>, vector<32x124xi32> -> vector<32x128xi32>
    %add3A_189 = arith.addi %add3A_184, %concatenate3A_188 : vector<32x128xi32>
    %broadcast_in_dim3A_190 = arith.constant 0 : i32
    %broadcast_in_dim3A_191 = vector.broadcast %broadcast_in_dim3A_190 : i32 to vector<32x8xi32>
    %slice3A_192 = vector.extract_strided_slice %add3A_189 {offsets = [0, 0], sizes = [32, 120], strides = [1, 1]} : vector<32x128xi32> to vector<32x120xi32>
    %concatenate3A_193 = tpu.concatenate %broadcast_in_dim3A_191, %slice3A_192 in 1 : vector<32x8xi32>, vector<32x120xi32> -> vector<32x128xi32>
    %add3A_194 = arith.addi %add3A_189, %concatenate3A_193 : vector<32x128xi32>
    %broadcast_in_dim3A_195 = arith.constant 0 : i32
    %broadcast_in_dim3A_196 = vector.broadcast %broadcast_in_dim3A_195 : i32 to vector<32x16xi32>
    %slice3A_197 = vector.extract_strided_slice %add3A_194 {offsets = [0, 0], sizes = [32, 112], strides = [1, 1]} : vector<32x128xi32> to vector<32x112xi32>
    %concatenate3A_198 = tpu.concatenate %broadcast_in_dim3A_196, %slice3A_197 in 1 : vector<32x16xi32>, vector<32x112xi32> -> vector<32x128xi32>
    %add3A_199 = arith.addi %add3A_194, %concatenate3A_198 : vector<32x128xi32>
    %broadcast_in_dim3A_200 = arith.constant 0 : i32
    %broadcast_in_dim3A_201 = vector.broadcast %broadcast_in_dim3A_200 : i32 to vector<32x32xi32>
    %slice3A_202 = vector.extract_strided_slice %add3A_199 {offsets = [0, 0], sizes = [32, 96], strides = [1, 1]} : vector<32x128xi32> to vector<32x96xi32>
    %concatenate3A_203 = tpu.concatenate %broadcast_in_dim3A_201, %slice3A_202 in 1 : vector<32x32xi32>, vector<32x96xi32> -> vector<32x128xi32>
    %add3A_204 = arith.addi %add3A_199, %concatenate3A_203 : vector<32x128xi32>
    %broadcast_in_dim3A_205 = arith.constant 0 : i32
    %broadcast_in_dim3A_206 = vector.broadcast %broadcast_in_dim3A_205 : i32 to vector<32x64xi32>
    %slice3A_207 = vector.extract_strided_slice %add3A_204 {offsets = [0, 0], sizes = [32, 64], strides = [1, 1]} : vector<32x128xi32> to vector<32x64xi32>
    %concatenate3A_208 = tpu.concatenate %broadcast_in_dim3A_206, %slice3A_207 in 1 : vector<32x64xi32>, vector<32x64xi32> -> vector<32x128xi32>
    %add3A_209 = arith.addi %add3A_204, %concatenate3A_208 : vector<32x128xi32>
    %slice3A_210 = vector.extract_strided_slice %add3A_209 {offsets = [0, 127], sizes = [32, 1], strides = [1, 1]} : vector<32x128xi32> to vector<32x1xi32>
    %broadcast_in_dim3A_211 = arith.constant 0 : i32
    %broadcast_in_dim3A_212 = vector.broadcast %broadcast_in_dim3A_211 : i32 to vector<1x1xi32>
    %slice3A_213 = vector.extract_strided_slice %slice3A_210 {offsets = [0, 0], sizes = [31, 1], strides = [1, 1]} : vector<32x1xi32> to vector<31x1xi32>
    %concatenate3A_214 = tpu.concatenate %broadcast_in_dim3A_212, %slice3A_213 in 0 : vector<1x1xi32>, vector<31x1xi32> -> vector<32x1xi32>
    %add3A_215 = arith.addi %slice3A_210, %concatenate3A_214 : vector<32x1xi32>
    %broadcast_in_dim3A_216 = arith.constant 0 : i32
    %broadcast_in_dim3A_217 = vector.broadcast %broadcast_in_dim3A_216 : i32 to vector<2x1xi32>
    %slice3A_218 = vector.extract_strided_slice %add3A_215 {offsets = [0, 0], sizes = [30, 1], strides = [1, 1]} : vector<32x1xi32> to vector<30x1xi32>
    %concatenate3A_219 = tpu.concatenate %broadcast_in_dim3A_217, %slice3A_218 in 0 : vector<2x1xi32>, vector<30x1xi32> -> vector<32x1xi32>
    %add3A_220 = arith.addi %add3A_215, %concatenate3A_219 : vector<32x1xi32>
    %broadcast_in_dim3A_221 = arith.constant 0 : i32
    %broadcast_in_dim3A_222 = vector.broadcast %broadcast_in_dim3A_221 : i32 to vector<4x1xi32>
    %slice3A_223 = vector.extract_strided_slice %add3A_220 {offsets = [0, 0], sizes = [28, 1], strides = [1, 1]} : vector<32x1xi32> to vector<28x1xi32>
    %concatenate3A_224 = tpu.concatenate %broadcast_in_dim3A_222, %slice3A_223 in 0 : vector<4x1xi32>, vector<28x1xi32> -> vector<32x1xi32>
    %add3A_225 = arith.addi %add3A_220, %concatenate3A_224 : vector<32x1xi32>
    %broadcast_in_dim3A_226 = arith.constant 0 : i32
    %broadcast_in_dim3A_227 = vector.broadcast %broadcast_in_dim3A_226 : i32 to vector<8x1xi32>
    %slice3A_228 = vector.extract_strided_slice %add3A_225 {offsets = [0, 0], sizes = [24, 1], strides = [1, 1]} : vector<32x1xi32> to vector<24x1xi32>
    %concatenate3A_229 = tpu.concatenate %broadcast_in_dim3A_227, %slice3A_228 in 0 : vector<8x1xi32>, vector<24x1xi32> -> vector<32x1xi32>
    %add3A_230 = arith.addi %add3A_225, %concatenate3A_229 : vector<32x1xi32>
    %broadcast_in_dim3A_231 = arith.constant 0 : i32
    %broadcast_in_dim3A_232 = vector.broadcast %broadcast_in_dim3A_231 : i32 to vector<16x1xi32>
    %slice3A_233 = vector.extract_strided_slice %add3A_230 {offsets = [0, 0], sizes = [16, 1], strides = [1, 1]} : vector<32x1xi32> to vector<16x1xi32>
    %concatenate3A_234 = tpu.concatenate %broadcast_in_dim3A_232, %slice3A_233 in 0 : vector<16x1xi32>, vector<16x1xi32> -> vector<32x1xi32>
    %add3A_235 = arith.addi %add3A_230, %concatenate3A_234 : vector<32x1xi32>
    %sub3A_236 = arith.subi %add3A_235, %slice3A_210 : vector<32x1xi32>
    %add3A_237 = vector.broadcast %sub3A_236 : vector<32x1xi32> to vector<32x128xi32>
    %add3A_238 = arith.addi %add3A_209, %add3A_237 : vector<32x128xi32>
    %sub3A_239 = arith.constant 1 : i32
    %sub3A_240 = vector.broadcast %sub3A_239 : i32 to vector<32x128xi32>
    %sub3A_241 = arith.subi %add3A_238, %sub3A_240 : vector<32x128xi32>
    %reduce_sum3A_242 = vector.shape_cast %convert_element_type3A_174 : vector<32x128xi32> to vector<1x32x128xi32>
    %reduce_sum3A_243 = arith.constant dense<0> : vector<1xi32>
    %reduce_sum3A_244 = vector.multi_reduction <add>, %reduce_sum3A_242, %reduce_sum3A_243 [1, 2] : vector<1x32x128xi32> to vector<1xi32>
    %reduce_sum3A_245 = vector.shape_cast %reduce_sum3A_244 : vector<1xi32> to vector<1x1x1xi32>
    %reduce_sum3A_246 = vector.extract %reduce_sum3A_245[0, 0, 0] : i32 from vector<1x1x1xi32>
    %eq3A_247 = arith.constant 1 : i32
    %eq3A_248 = vector.broadcast %eq3A_247 : i32 to vector<32x128xi32>
    %eq3A_249 = arith.cmpi eq, %convert_element_type3A_174, %eq3A_248 : vector<32x128xi32>
    %add3A_250 = arith.constant 0 : i32
    %add3A_251 = vector.broadcast %add3A_250 : i32 to vector<32x128xi32>
    %add3A_252 = arith.addi %add3A_251, %sub3A_241 : vector<32x128xi32>
    %select_n3A_253 = arith.select %eq3A_249, %add3A_252, %broadcast_in_dim3A_167 : vector<32x128xi1>, vector<32x128xi32>
    %add3A_254 = arith.constant 256 : i32
    %add3A_255 = arith.addi %reduce_sum3A_246, %add3A_254 : i32
    %sub3A_256 = arith.constant 1 : i32
    %sub3A_257 = arith.subi %add3A_255, %sub3A_256 : i32
    %jit3A_258 = arith.constant 256 : i32
    %div3A_259 = arith.divsi %sub3A_257, %jit3A_258 : i32
    %sign3A = arith.constant 0 : i32
    %sign3A_260 = arith.cmpi sgt, %sub3A_257, %sign3A : i32
    %sign3A_261 = arith.extui %sign3A_260 : i1 to i32
    %sign3A_262 = arith.constant 0 : i32
    %sign3A_263 = arith.cmpi slt, %sub3A_257, %sign3A_262 : i32
    %sign3A_264 = arith.extui %sign3A_263 : i1 to i32
    %sign3A_265 = arith.subi %sign3A_261, %sign3A_264 : i32
    %sign3A_266 = arith.constant 0 : i32
    %sign3A_267 = arith.cmpi sgt, %jit3A_258, %sign3A_266 : i32
    %sign3A_268 = arith.extui %sign3A_267 : i1 to i32
    %sign3A_269 = arith.constant 0 : i32
    %sign3A_270 = arith.cmpi slt, %jit3A_258, %sign3A_269 : i32
    %sign3A_271 = arith.extui %sign3A_270 : i1 to i32
    %sign3A_272 = arith.subi %sign3A_268, %sign3A_271 : i32
    %ne3A = arith.cmpi ne, %sign3A_265, %sign3A_272 : i32
    %rem3A = arith.remsi %sub3A_257, %jit3A_258 : i32
    %ne3A_273 = arith.constant 0 : i32
    %ne3A_274 = arith.cmpi ne, %rem3A, %ne3A_273 : i32
    %and3A_275 = arith.andi %ne3A, %ne3A_274 : i1
    %sub3A_276 = arith.constant 1 : i32
    %sub3A_277 = arith.subi %div3A_259, %sub3A_276 : i32
    %select_n3A_278 = arith.select %and3A_275, %sub3A_277, %div3A_259 : i32
    %add3A_279 = arith.constant 0 : i32
    %add3A_280 = arith.addi %add3A_279, %select_n3A_278 : i32
    %ge3A = vector.broadcast %add3A_280 : i32 to vector<1x128xi32>
    %ge3A_281 = arith.cmpi sge, %iota3A_170, %ge3A : vector<1x128xi32>
    %convert_element_type3A_282 = arith.extui %ge3A_281 : vector<1x128xi1> to vector<1x128xi32>
    %add3A_283 = arith.addi %broadcast_in_dim3A_169, %convert_element_type3A_282 : vector<1x128xi32>
    %mul3A = arith.constant 256 : i32
    %mul3A_284 = arith.muli %select_n3A_278, %mul3A : i32
    %add3A_285 = arith.constant 0 : i32
    %add3A_286 = arith.addi %add3A_285, %mul3A_284 : i32
    %eq3A_287 = arith.constant 1 : i32
    %eq3A_288 = vector.broadcast %eq3A_287 : i32 to vector<32x128xi32>
    %eq3A_289 = arith.cmpi eq, %concatenate3A, %eq3A_288 : vector<32x128xi32>
    %convert_element_type3A_290 = arith.extui %eq3A_289 : vector<32x128xi1> to vector<32x128xi32>
    %broadcast_in_dim3A_291 = arith.constant 0 : i32
    %broadcast_in_dim3A_292 = vector.broadcast %broadcast_in_dim3A_291 : i32 to vector<32x1xi32>
    %slice3A_293 = vector.extract_strided_slice %convert_element_type3A_290 {offsets = [0, 0], sizes = [32, 127], strides = [1, 1]} : vector<32x128xi32> to vector<32x127xi32>
    %concatenate3A_294 = tpu.concatenate %broadcast_in_dim3A_292, %slice3A_293 in 1 : vector<32x1xi32>, vector<32x127xi32> -> vector<32x128xi32>
    %add3A_295 = arith.addi %convert_element_type3A_290, %concatenate3A_294 : vector<32x128xi32>
    %broadcast_in_dim3A_296 = arith.constant 0 : i32
    %broadcast_in_dim3A_297 = vector.broadcast %broadcast_in_dim3A_296 : i32 to vector<32x2xi32>
    %slice3A_298 = vector.extract_strided_slice %add3A_295 {offsets = [0, 0], sizes = [32, 126], strides = [1, 1]} : vector<32x128xi32> to vector<32x126xi32>
    %concatenate3A_299 = tpu.concatenate %broadcast_in_dim3A_297, %slice3A_298 in 1 : vector<32x2xi32>, vector<32x126xi32> -> vector<32x128xi32>
    %add3A_300 = arith.addi %add3A_295, %concatenate3A_299 : vector<32x128xi32>
    %broadcast_in_dim3A_301 = arith.constant 0 : i32
    %broadcast_in_dim3A_302 = vector.broadcast %broadcast_in_dim3A_301 : i32 to vector<32x4xi32>
    %slice3A_303 = vector.extract_strided_slice %add3A_300 {offsets = [0, 0], sizes = [32, 124], strides = [1, 1]} : vector<32x128xi32> to vector<32x124xi32>
    %concatenate3A_304 = tpu.concatenate %broadcast_in_dim3A_302, %slice3A_303 in 1 : vector<32x4xi32>, vector<32x124xi32> -> vector<32x128xi32>
    %add3A_305 = arith.addi %add3A_300, %concatenate3A_304 : vector<32x128xi32>
    %broadcast_in_dim3A_306 = arith.constant 0 : i32
    %broadcast_in_dim3A_307 = vector.broadcast %broadcast_in_dim3A_306 : i32 to vector<32x8xi32>
    %slice3A_308 = vector.extract_strided_slice %add3A_305 {offsets = [0, 0], sizes = [32, 120], strides = [1, 1]} : vector<32x128xi32> to vector<32x120xi32>
    %concatenate3A_309 = tpu.concatenate %broadcast_in_dim3A_307, %slice3A_308 in 1 : vector<32x8xi32>, vector<32x120xi32> -> vector<32x128xi32>
    %add3A_310 = arith.addi %add3A_305, %concatenate3A_309 : vector<32x128xi32>
    %broadcast_in_dim3A_311 = arith.constant 0 : i32
    %broadcast_in_dim3A_312 = vector.broadcast %broadcast_in_dim3A_311 : i32 to vector<32x16xi32>
    %slice3A_313 = vector.extract_strided_slice %add3A_310 {offsets = [0, 0], sizes = [32, 112], strides = [1, 1]} : vector<32x128xi32> to vector<32x112xi32>
    %concatenate3A_314 = tpu.concatenate %broadcast_in_dim3A_312, %slice3A_313 in 1 : vector<32x16xi32>, vector<32x112xi32> -> vector<32x128xi32>
    %add3A_315 = arith.addi %add3A_310, %concatenate3A_314 : vector<32x128xi32>
    %broadcast_in_dim3A_316 = arith.constant 0 : i32
    %broadcast_in_dim3A_317 = vector.broadcast %broadcast_in_dim3A_316 : i32 to vector<32x32xi32>
    %slice3A_318 = vector.extract_strided_slice %add3A_315 {offsets = [0, 0], sizes = [32, 96], strides = [1, 1]} : vector<32x128xi32> to vector<32x96xi32>
    %concatenate3A_319 = tpu.concatenate %broadcast_in_dim3A_317, %slice3A_318 in 1 : vector<32x32xi32>, vector<32x96xi32> -> vector<32x128xi32>
    %add3A_320 = arith.addi %add3A_315, %concatenate3A_319 : vector<32x128xi32>
    %broadcast_in_dim3A_321 = arith.constant 0 : i32
    %broadcast_in_dim3A_322 = vector.broadcast %broadcast_in_dim3A_321 : i32 to vector<32x64xi32>
    %slice3A_323 = vector.extract_strided_slice %add3A_320 {offsets = [0, 0], sizes = [32, 64], strides = [1, 1]} : vector<32x128xi32> to vector<32x64xi32>
    %concatenate3A_324 = tpu.concatenate %broadcast_in_dim3A_322, %slice3A_323 in 1 : vector<32x64xi32>, vector<32x64xi32> -> vector<32x128xi32>
    %add3A_325 = arith.addi %add3A_320, %concatenate3A_324 : vector<32x128xi32>
    %slice3A_326 = vector.extract_strided_slice %add3A_325 {offsets = [0, 127], sizes = [32, 1], strides = [1, 1]} : vector<32x128xi32> to vector<32x1xi32>
    %broadcast_in_dim3A_327 = arith.constant 0 : i32
    %broadcast_in_dim3A_328 = vector.broadcast %broadcast_in_dim3A_327 : i32 to vector<1x1xi32>
    %slice3A_329 = vector.extract_strided_slice %slice3A_326 {offsets = [0, 0], sizes = [31, 1], strides = [1, 1]} : vector<32x1xi32> to vector<31x1xi32>
    %concatenate3A_330 = tpu.concatenate %broadcast_in_dim3A_328, %slice3A_329 in 0 : vector<1x1xi32>, vector<31x1xi32> -> vector<32x1xi32>
    %add3A_331 = arith.addi %slice3A_326, %concatenate3A_330 : vector<32x1xi32>
    %broadcast_in_dim3A_332 = arith.constant 0 : i32
    %broadcast_in_dim3A_333 = vector.broadcast %broadcast_in_dim3A_332 : i32 to vector<2x1xi32>
    %slice3A_334 = vector.extract_strided_slice %add3A_331 {offsets = [0, 0], sizes = [30, 1], strides = [1, 1]} : vector<32x1xi32> to vector<30x1xi32>
    %concatenate3A_335 = tpu.concatenate %broadcast_in_dim3A_333, %slice3A_334 in 0 : vector<2x1xi32>, vector<30x1xi32> -> vector<32x1xi32>
    %add3A_336 = arith.addi %add3A_331, %concatenate3A_335 : vector<32x1xi32>
    %broadcast_in_dim3A_337 = arith.constant 0 : i32
    %broadcast_in_dim3A_338 = vector.broadcast %broadcast_in_dim3A_337 : i32 to vector<4x1xi32>
    %slice3A_339 = vector.extract_strided_slice %add3A_336 {offsets = [0, 0], sizes = [28, 1], strides = [1, 1]} : vector<32x1xi32> to vector<28x1xi32>
    %concatenate3A_340 = tpu.concatenate %broadcast_in_dim3A_338, %slice3A_339 in 0 : vector<4x1xi32>, vector<28x1xi32> -> vector<32x1xi32>
    %add3A_341 = arith.addi %add3A_336, %concatenate3A_340 : vector<32x1xi32>
    %broadcast_in_dim3A_342 = arith.constant 0 : i32
    %broadcast_in_dim3A_343 = vector.broadcast %broadcast_in_dim3A_342 : i32 to vector<8x1xi32>
    %slice3A_344 = vector.extract_strided_slice %add3A_341 {offsets = [0, 0], sizes = [24, 1], strides = [1, 1]} : vector<32x1xi32> to vector<24x1xi32>
    %concatenate3A_345 = tpu.concatenate %broadcast_in_dim3A_343, %slice3A_344 in 0 : vector<8x1xi32>, vector<24x1xi32> -> vector<32x1xi32>
    %add3A_346 = arith.addi %add3A_341, %concatenate3A_345 : vector<32x1xi32>
    %broadcast_in_dim3A_347 = arith.constant 0 : i32
    %broadcast_in_dim3A_348 = vector.broadcast %broadcast_in_dim3A_347 : i32 to vector<16x1xi32>
    %slice3A_349 = vector.extract_strided_slice %add3A_346 {offsets = [0, 0], sizes = [16, 1], strides = [1, 1]} : vector<32x1xi32> to vector<16x1xi32>
    %concatenate3A_350 = tpu.concatenate %broadcast_in_dim3A_348, %slice3A_349 in 0 : vector<16x1xi32>, vector<16x1xi32> -> vector<32x1xi32>
    %add3A_351 = arith.addi %add3A_346, %concatenate3A_350 : vector<32x1xi32>
    %sub3A_352 = arith.subi %add3A_351, %slice3A_326 : vector<32x1xi32>
    %add3A_353 = vector.broadcast %sub3A_352 : vector<32x1xi32> to vector<32x128xi32>
    %add3A_354 = arith.addi %add3A_325, %add3A_353 : vector<32x128xi32>
    %sub3A_355 = arith.constant 1 : i32
    %sub3A_356 = vector.broadcast %sub3A_355 : i32 to vector<32x128xi32>
    %sub3A_357 = arith.subi %add3A_354, %sub3A_356 : vector<32x128xi32>
    %reduce_sum3A_358 = vector.shape_cast %convert_element_type3A_290 : vector<32x128xi32> to vector<1x32x128xi32>
    %reduce_sum3A_359 = arith.constant dense<0> : vector<1xi32>
    %reduce_sum3A_360 = vector.multi_reduction <add>, %reduce_sum3A_358, %reduce_sum3A_359 [1, 2] : vector<1x32x128xi32> to vector<1xi32>
    %reduce_sum3A_361 = vector.shape_cast %reduce_sum3A_360 : vector<1xi32> to vector<1x1x1xi32>
    %reduce_sum3A_362 = vector.extract %reduce_sum3A_361[0, 0, 0] : i32 from vector<1x1x1xi32>
    %eq3A_363 = arith.constant 1 : i32
    %eq3A_364 = vector.broadcast %eq3A_363 : i32 to vector<32x128xi32>
    %eq3A_365 = arith.cmpi eq, %convert_element_type3A_290, %eq3A_364 : vector<32x128xi32>
    %add3A_366 = vector.broadcast %add3A_286 : i32 to vector<32x128xi32>
    %add3A_367 = arith.addi %add3A_366, %sub3A_357 : vector<32x128xi32>
    %select_n3A_368 = arith.select %eq3A_365, %add3A_367, %select_n3A_253 : vector<32x128xi1>, vector<32x128xi32>
    %add3A_369 = arith.constant 256 : i32
    %add3A_370 = arith.addi %reduce_sum3A_362, %add3A_369 : i32
    %sub3A_371 = arith.constant 1 : i32
    %sub3A_372 = arith.subi %add3A_370, %sub3A_371 : i32
    %jit3A_373 = arith.constant 256 : i32
    %div3A_374 = arith.divsi %sub3A_372, %jit3A_373 : i32
    %sign3A_375 = arith.constant 0 : i32
    %sign3A_376 = arith.cmpi sgt, %sub3A_372, %sign3A_375 : i32
    %sign3A_377 = arith.extui %sign3A_376 : i1 to i32
    %sign3A_378 = arith.constant 0 : i32
    %sign3A_379 = arith.cmpi slt, %sub3A_372, %sign3A_378 : i32
    %sign3A_380 = arith.extui %sign3A_379 : i1 to i32
    %sign3A_381 = arith.subi %sign3A_377, %sign3A_380 : i32
    %sign3A_382 = arith.constant 0 : i32
    %sign3A_383 = arith.cmpi sgt, %jit3A_373, %sign3A_382 : i32
    %sign3A_384 = arith.extui %sign3A_383 : i1 to i32
    %sign3A_385 = arith.constant 0 : i32
    %sign3A_386 = arith.cmpi slt, %jit3A_373, %sign3A_385 : i32
    %sign3A_387 = arith.extui %sign3A_386 : i1 to i32
    %sign3A_388 = arith.subi %sign3A_384, %sign3A_387 : i32
    %ne3A_389 = arith.cmpi ne, %sign3A_381, %sign3A_388 : i32
    %rem3A_390 = arith.remsi %sub3A_372, %jit3A_373 : i32
    %ne3A_391 = arith.constant 0 : i32
    %ne3A_392 = arith.cmpi ne, %rem3A_390, %ne3A_391 : i32
    %and3A_393 = arith.andi %ne3A_389, %ne3A_392 : i1
    %sub3A_394 = arith.constant 1 : i32
    %sub3A_395 = arith.subi %div3A_374, %sub3A_394 : i32
    %select_n3A_396 = arith.select %and3A_393, %sub3A_395, %div3A_374 : i32
    %add3A_397 = arith.addi %add3A_280, %select_n3A_396 : i32
    %ge3A_398 = vector.broadcast %add3A_397 : i32 to vector<1x128xi32>
    %ge3A_399 = arith.cmpi sge, %iota3A_170, %ge3A_398 : vector<1x128xi32>
    %convert_element_type3A_400 = arith.extui %ge3A_399 : vector<1x128xi1> to vector<1x128xi32>
    %add3A_401 = arith.addi %add3A_283, %convert_element_type3A_400 : vector<1x128xi32>
    %mul3A_402 = arith.constant 256 : i32
    %mul3A_403 = arith.muli %select_n3A_396, %mul3A_402 : i32
    %add3A_404 = arith.addi %add3A_286, %mul3A_403 : i32
    %eq3A_405 = arith.constant 2 : i32
    %eq3A_406 = vector.broadcast %eq3A_405 : i32 to vector<32x128xi32>
    %eq3A_407 = arith.cmpi eq, %concatenate3A, %eq3A_406 : vector<32x128xi32>
    %convert_element_type3A_408 = arith.extui %eq3A_407 : vector<32x128xi1> to vector<32x128xi32>
    %broadcast_in_dim3A_409 = arith.constant 0 : i32
    %broadcast_in_dim3A_410 = vector.broadcast %broadcast_in_dim3A_409 : i32 to vector<32x1xi32>
    %slice3A_411 = vector.extract_strided_slice %convert_element_type3A_408 {offsets = [0, 0], sizes = [32, 127], strides = [1, 1]} : vector<32x128xi32> to vector<32x127xi32>
    %concatenate3A_412 = tpu.concatenate %broadcast_in_dim3A_410, %slice3A_411 in 1 : vector<32x1xi32>, vector<32x127xi32> -> vector<32x128xi32>
    %add3A_413 = arith.addi %convert_element_type3A_408, %concatenate3A_412 : vector<32x128xi32>
    %broadcast_in_dim3A_414 = arith.constant 0 : i32
    %broadcast_in_dim3A_415 = vector.broadcast %broadcast_in_dim3A_414 : i32 to vector<32x2xi32>
    %slice3A_416 = vector.extract_strided_slice %add3A_413 {offsets = [0, 0], sizes = [32, 126], strides = [1, 1]} : vector<32x128xi32> to vector<32x126xi32>
    %concatenate3A_417 = tpu.concatenate %broadcast_in_dim3A_415, %slice3A_416 in 1 : vector<32x2xi32>, vector<32x126xi32> -> vector<32x128xi32>
    %add3A_418 = arith.addi %add3A_413, %concatenate3A_417 : vector<32x128xi32>
    %broadcast_in_dim3A_419 = arith.constant 0 : i32
    %broadcast_in_dim3A_420 = vector.broadcast %broadcast_in_dim3A_419 : i32 to vector<32x4xi32>
    %slice3A_421 = vector.extract_strided_slice %add3A_418 {offsets = [0, 0], sizes = [32, 124], strides = [1, 1]} : vector<32x128xi32> to vector<32x124xi32>
    %concatenate3A_422 = tpu.concatenate %broadcast_in_dim3A_420, %slice3A_421 in 1 : vector<32x4xi32>, vector<32x124xi32> -> vector<32x128xi32>
    %add3A_423 = arith.addi %add3A_418, %concatenate3A_422 : vector<32x128xi32>
    %broadcast_in_dim3A_424 = arith.constant 0 : i32
    %broadcast_in_dim3A_425 = vector.broadcast %broadcast_in_dim3A_424 : i32 to vector<32x8xi32>
    %slice3A_426 = vector.extract_strided_slice %add3A_423 {offsets = [0, 0], sizes = [32, 120], strides = [1, 1]} : vector<32x128xi32> to vector<32x120xi32>
    %concatenate3A_427 = tpu.concatenate %broadcast_in_dim3A_425, %slice3A_426 in 1 : vector<32x8xi32>, vector<32x120xi32> -> vector<32x128xi32>
    %add3A_428 = arith.addi %add3A_423, %concatenate3A_427 : vector<32x128xi32>
    %broadcast_in_dim3A_429 = arith.constant 0 : i32
    %broadcast_in_dim3A_430 = vector.broadcast %broadcast_in_dim3A_429 : i32 to vector<32x16xi32>
    %slice3A_431 = vector.extract_strided_slice %add3A_428 {offsets = [0, 0], sizes = [32, 112], strides = [1, 1]} : vector<32x128xi32> to vector<32x112xi32>
    %concatenate3A_432 = tpu.concatenate %broadcast_in_dim3A_430, %slice3A_431 in 1 : vector<32x16xi32>, vector<32x112xi32> -> vector<32x128xi32>
    %add3A_433 = arith.addi %add3A_428, %concatenate3A_432 : vector<32x128xi32>
    %broadcast_in_dim3A_434 = arith.constant 0 : i32
    %broadcast_in_dim3A_435 = vector.broadcast %broadcast_in_dim3A_434 : i32 to vector<32x32xi32>
    %slice3A_436 = vector.extract_strided_slice %add3A_433 {offsets = [0, 0], sizes = [32, 96], strides = [1, 1]} : vector<32x128xi32> to vector<32x96xi32>
    %concatenate3A_437 = tpu.concatenate %broadcast_in_dim3A_435, %slice3A_436 in 1 : vector<32x32xi32>, vector<32x96xi32> -> vector<32x128xi32>
    %add3A_438 = arith.addi %add3A_433, %concatenate3A_437 : vector<32x128xi32>
    %broadcast_in_dim3A_439 = arith.constant 0 : i32
    %broadcast_in_dim3A_440 = vector.broadcast %broadcast_in_dim3A_439 : i32 to vector<32x64xi32>
    %slice3A_441 = vector.extract_strided_slice %add3A_438 {offsets = [0, 0], sizes = [32, 64], strides = [1, 1]} : vector<32x128xi32> to vector<32x64xi32>
    %concatenate3A_442 = tpu.concatenate %broadcast_in_dim3A_440, %slice3A_441 in 1 : vector<32x64xi32>, vector<32x64xi32> -> vector<32x128xi32>
    %add3A_443 = arith.addi %add3A_438, %concatenate3A_442 : vector<32x128xi32>
    %slice3A_444 = vector.extract_strided_slice %add3A_443 {offsets = [0, 127], sizes = [32, 1], strides = [1, 1]} : vector<32x128xi32> to vector<32x1xi32>
    %broadcast_in_dim3A_445 = arith.constant 0 : i32
    %broadcast_in_dim3A_446 = vector.broadcast %broadcast_in_dim3A_445 : i32 to vector<1x1xi32>
    %slice3A_447 = vector.extract_strided_slice %slice3A_444 {offsets = [0, 0], sizes = [31, 1], strides = [1, 1]} : vector<32x1xi32> to vector<31x1xi32>
    %concatenate3A_448 = tpu.concatenate %broadcast_in_dim3A_446, %slice3A_447 in 0 : vector<1x1xi32>, vector<31x1xi32> -> vector<32x1xi32>
    %add3A_449 = arith.addi %slice3A_444, %concatenate3A_448 : vector<32x1xi32>
    %broadcast_in_dim3A_450 = arith.constant 0 : i32
    %broadcast_in_dim3A_451 = vector.broadcast %broadcast_in_dim3A_450 : i32 to vector<2x1xi32>
    %slice3A_452 = vector.extract_strided_slice %add3A_449 {offsets = [0, 0], sizes = [30, 1], strides = [1, 1]} : vector<32x1xi32> to vector<30x1xi32>
    %concatenate3A_453 = tpu.concatenate %broadcast_in_dim3A_451, %slice3A_452 in 0 : vector<2x1xi32>, vector<30x1xi32> -> vector<32x1xi32>
    %add3A_454 = arith.addi %add3A_449, %concatenate3A_453 : vector<32x1xi32>
    %broadcast_in_dim3A_455 = arith.constant 0 : i32
    %broadcast_in_dim3A_456 = vector.broadcast %broadcast_in_dim3A_455 : i32 to vector<4x1xi32>
    %slice3A_457 = vector.extract_strided_slice %add3A_454 {offsets = [0, 0], sizes = [28, 1], strides = [1, 1]} : vector<32x1xi32> to vector<28x1xi32>
    %concatenate3A_458 = tpu.concatenate %broadcast_in_dim3A_456, %slice3A_457 in 0 : vector<4x1xi32>, vector<28x1xi32> -> vector<32x1xi32>
    %add3A_459 = arith.addi %add3A_454, %concatenate3A_458 : vector<32x1xi32>
    %broadcast_in_dim3A_460 = arith.constant 0 : i32
    %broadcast_in_dim3A_461 = vector.broadcast %broadcast_in_dim3A_460 : i32 to vector<8x1xi32>
    %slice3A_462 = vector.extract_strided_slice %add3A_459 {offsets = [0, 0], sizes = [24, 1], strides = [1, 1]} : vector<32x1xi32> to vector<24x1xi32>
    %concatenate3A_463 = tpu.concatenate %broadcast_in_dim3A_461, %slice3A_462 in 0 : vector<8x1xi32>, vector<24x1xi32> -> vector<32x1xi32>
    %add3A_464 = arith.addi %add3A_459, %concatenate3A_463 : vector<32x1xi32>
    %broadcast_in_dim3A_465 = arith.constant 0 : i32
    %broadcast_in_dim3A_466 = vector.broadcast %broadcast_in_dim3A_465 : i32 to vector<16x1xi32>
    %slice3A_467 = vector.extract_strided_slice %add3A_464 {offsets = [0, 0], sizes = [16, 1], strides = [1, 1]} : vector<32x1xi32> to vector<16x1xi32>
    %concatenate3A_468 = tpu.concatenate %broadcast_in_dim3A_466, %slice3A_467 in 0 : vector<16x1xi32>, vector<16x1xi32> -> vector<32x1xi32>
    %add3A_469 = arith.addi %add3A_464, %concatenate3A_468 : vector<32x1xi32>
    %sub3A_470 = arith.subi %add3A_469, %slice3A_444 : vector<32x1xi32>
    %add3A_471 = vector.broadcast %sub3A_470 : vector<32x1xi32> to vector<32x128xi32>
    %add3A_472 = arith.addi %add3A_443, %add3A_471 : vector<32x128xi32>
    %sub3A_473 = arith.constant 1 : i32
    %sub3A_474 = vector.broadcast %sub3A_473 : i32 to vector<32x128xi32>
    %sub3A_475 = arith.subi %add3A_472, %sub3A_474 : vector<32x128xi32>
    %reduce_sum3A_476 = vector.shape_cast %convert_element_type3A_408 : vector<32x128xi32> to vector<1x32x128xi32>
    %reduce_sum3A_477 = arith.constant dense<0> : vector<1xi32>
    %reduce_sum3A_478 = vector.multi_reduction <add>, %reduce_sum3A_476, %reduce_sum3A_477 [1, 2] : vector<1x32x128xi32> to vector<1xi32>
    %reduce_sum3A_479 = vector.shape_cast %reduce_sum3A_478 : vector<1xi32> to vector<1x1x1xi32>
    %reduce_sum3A_480 = vector.extract %reduce_sum3A_479[0, 0, 0] : i32 from vector<1x1x1xi32>
    %eq3A_481 = arith.constant 1 : i32
    %eq3A_482 = vector.broadcast %eq3A_481 : i32 to vector<32x128xi32>
    %eq3A_483 = arith.cmpi eq, %convert_element_type3A_408, %eq3A_482 : vector<32x128xi32>
    %add3A_484 = vector.broadcast %add3A_404 : i32 to vector<32x128xi32>
    %add3A_485 = arith.addi %add3A_484, %sub3A_475 : vector<32x128xi32>
    %select_n3A_486 = arith.select %eq3A_483, %add3A_485, %select_n3A_368 : vector<32x128xi1>, vector<32x128xi32>
    %add3A_487 = arith.constant 256 : i32
    %add3A_488 = arith.addi %reduce_sum3A_480, %add3A_487 : i32
    %sub3A_489 = arith.constant 1 : i32
    %sub3A_490 = arith.subi %add3A_488, %sub3A_489 : i32
    %jit3A_491 = arith.constant 256 : i32
    %div3A_492 = arith.divsi %sub3A_490, %jit3A_491 : i32
    %sign3A_493 = arith.constant 0 : i32
    %sign3A_494 = arith.cmpi sgt, %sub3A_490, %sign3A_493 : i32
    %sign3A_495 = arith.extui %sign3A_494 : i1 to i32
    %sign3A_496 = arith.constant 0 : i32
    %sign3A_497 = arith.cmpi slt, %sub3A_490, %sign3A_496 : i32
    %sign3A_498 = arith.extui %sign3A_497 : i1 to i32
    %sign3A_499 = arith.subi %sign3A_495, %sign3A_498 : i32
    %sign3A_500 = arith.constant 0 : i32
    %sign3A_501 = arith.cmpi sgt, %jit3A_491, %sign3A_500 : i32
    %sign3A_502 = arith.extui %sign3A_501 : i1 to i32
    %sign3A_503 = arith.constant 0 : i32
    %sign3A_504 = arith.cmpi slt, %jit3A_491, %sign3A_503 : i32
    %sign3A_505 = arith.extui %sign3A_504 : i1 to i32
    %sign3A_506 = arith.subi %sign3A_502, %sign3A_505 : i32
    %ne3A_507 = arith.cmpi ne, %sign3A_499, %sign3A_506 : i32
    %rem3A_508 = arith.remsi %sub3A_490, %jit3A_491 : i32
    %ne3A_509 = arith.constant 0 : i32
    %ne3A_510 = arith.cmpi ne, %rem3A_508, %ne3A_509 : i32
    %and3A_511 = arith.andi %ne3A_507, %ne3A_510 : i1
    %sub3A_512 = arith.constant 1 : i32
    %sub3A_513 = arith.subi %div3A_492, %sub3A_512 : i32
    %select_n3A_514 = arith.select %and3A_511, %sub3A_513, %div3A_492 : i32
    %add3A_515 = arith.addi %add3A_397, %select_n3A_514 : i32
    %ge3A_516 = vector.broadcast %add3A_515 : i32 to vector<1x128xi32>
    %ge3A_517 = arith.cmpi sge, %iota3A_170, %ge3A_516 : vector<1x128xi32>
    %convert_element_type3A_518 = arith.extui %ge3A_517 : vector<1x128xi1> to vector<1x128xi32>
    %add3A_519 = arith.addi %add3A_401, %convert_element_type3A_518 : vector<1x128xi32>
    %mul3A_520 = arith.constant 256 : i32
    %mul3A_521 = arith.muli %select_n3A_514, %mul3A_520 : i32
    %add3A_522 = arith.addi %add3A_404, %mul3A_521 : i32
    %eq3A_523 = arith.constant 3 : i32
    %eq3A_524 = vector.broadcast %eq3A_523 : i32 to vector<32x128xi32>
    %eq3A_525 = arith.cmpi eq, %concatenate3A, %eq3A_524 : vector<32x128xi32>
    %convert_element_type3A_526 = arith.extui %eq3A_525 : vector<32x128xi1> to vector<32x128xi32>
    %broadcast_in_dim3A_527 = arith.constant 0 : i32
    %broadcast_in_dim3A_528 = vector.broadcast %broadcast_in_dim3A_527 : i32 to vector<32x1xi32>
    %slice3A_529 = vector.extract_strided_slice %convert_element_type3A_526 {offsets = [0, 0], sizes = [32, 127], strides = [1, 1]} : vector<32x128xi32> to vector<32x127xi32>
    %concatenate3A_530 = tpu.concatenate %broadcast_in_dim3A_528, %slice3A_529 in 1 : vector<32x1xi32>, vector<32x127xi32> -> vector<32x128xi32>
    %add3A_531 = arith.addi %convert_element_type3A_526, %concatenate3A_530 : vector<32x128xi32>
    %broadcast_in_dim3A_532 = arith.constant 0 : i32
    %broadcast_in_dim3A_533 = vector.broadcast %broadcast_in_dim3A_532 : i32 to vector<32x2xi32>
    %slice3A_534 = vector.extract_strided_slice %add3A_531 {offsets = [0, 0], sizes = [32, 126], strides = [1, 1]} : vector<32x128xi32> to vector<32x126xi32>
    %concatenate3A_535 = tpu.concatenate %broadcast_in_dim3A_533, %slice3A_534 in 1 : vector<32x2xi32>, vector<32x126xi32> -> vector<32x128xi32>
    %add3A_536 = arith.addi %add3A_531, %concatenate3A_535 : vector<32x128xi32>
    %broadcast_in_dim3A_537 = arith.constant 0 : i32
    %broadcast_in_dim3A_538 = vector.broadcast %broadcast_in_dim3A_537 : i32 to vector<32x4xi32>
    %slice3A_539 = vector.extract_strided_slice %add3A_536 {offsets = [0, 0], sizes = [32, 124], strides = [1, 1]} : vector<32x128xi32> to vector<32x124xi32>
    %concatenate3A_540 = tpu.concatenate %broadcast_in_dim3A_538, %slice3A_539 in 1 : vector<32x4xi32>, vector<32x124xi32> -> vector<32x128xi32>
    %add3A_541 = arith.addi %add3A_536, %concatenate3A_540 : vector<32x128xi32>
    %broadcast_in_dim3A_542 = arith.constant 0 : i32
    %broadcast_in_dim3A_543 = vector.broadcast %broadcast_in_dim3A_542 : i32 to vector<32x8xi32>
    %slice3A_544 = vector.extract_strided_slice %add3A_541 {offsets = [0, 0], sizes = [32, 120], strides = [1, 1]} : vector<32x128xi32> to vector<32x120xi32>
    %concatenate3A_545 = tpu.concatenate %broadcast_in_dim3A_543, %slice3A_544 in 1 : vector<32x8xi32>, vector<32x120xi32> -> vector<32x128xi32>
    %add3A_546 = arith.addi %add3A_541, %concatenate3A_545 : vector<32x128xi32>
    %broadcast_in_dim3A_547 = arith.constant 0 : i32
    %broadcast_in_dim3A_548 = vector.broadcast %broadcast_in_dim3A_547 : i32 to vector<32x16xi32>
    %slice3A_549 = vector.extract_strided_slice %add3A_546 {offsets = [0, 0], sizes = [32, 112], strides = [1, 1]} : vector<32x128xi32> to vector<32x112xi32>
    %concatenate3A_550 = tpu.concatenate %broadcast_in_dim3A_548, %slice3A_549 in 1 : vector<32x16xi32>, vector<32x112xi32> -> vector<32x128xi32>
    %add3A_551 = arith.addi %add3A_546, %concatenate3A_550 : vector<32x128xi32>
    %broadcast_in_dim3A_552 = arith.constant 0 : i32
    %broadcast_in_dim3A_553 = vector.broadcast %broadcast_in_dim3A_552 : i32 to vector<32x32xi32>
    %slice3A_554 = vector.extract_strided_slice %add3A_551 {offsets = [0, 0], sizes = [32, 96], strides = [1, 1]} : vector<32x128xi32> to vector<32x96xi32>
    %concatenate3A_555 = tpu.concatenate %broadcast_in_dim3A_553, %slice3A_554 in 1 : vector<32x32xi32>, vector<32x96xi32> -> vector<32x128xi32>
    %add3A_556 = arith.addi %add3A_551, %concatenate3A_555 : vector<32x128xi32>
    %broadcast_in_dim3A_557 = arith.constant 0 : i32
    %broadcast_in_dim3A_558 = vector.broadcast %broadcast_in_dim3A_557 : i32 to vector<32x64xi32>
    %slice3A_559 = vector.extract_strided_slice %add3A_556 {offsets = [0, 0], sizes = [32, 64], strides = [1, 1]} : vector<32x128xi32> to vector<32x64xi32>
    %concatenate3A_560 = tpu.concatenate %broadcast_in_dim3A_558, %slice3A_559 in 1 : vector<32x64xi32>, vector<32x64xi32> -> vector<32x128xi32>
    %add3A_561 = arith.addi %add3A_556, %concatenate3A_560 : vector<32x128xi32>
    %slice3A_562 = vector.extract_strided_slice %add3A_561 {offsets = [0, 127], sizes = [32, 1], strides = [1, 1]} : vector<32x128xi32> to vector<32x1xi32>
    %broadcast_in_dim3A_563 = arith.constant 0 : i32
    %broadcast_in_dim3A_564 = vector.broadcast %broadcast_in_dim3A_563 : i32 to vector<1x1xi32>
    %slice3A_565 = vector.extract_strided_slice %slice3A_562 {offsets = [0, 0], sizes = [31, 1], strides = [1, 1]} : vector<32x1xi32> to vector<31x1xi32>
    %concatenate3A_566 = tpu.concatenate %broadcast_in_dim3A_564, %slice3A_565 in 0 : vector<1x1xi32>, vector<31x1xi32> -> vector<32x1xi32>
    %add3A_567 = arith.addi %slice3A_562, %concatenate3A_566 : vector<32x1xi32>
    %broadcast_in_dim3A_568 = arith.constant 0 : i32
    %broadcast_in_dim3A_569 = vector.broadcast %broadcast_in_dim3A_568 : i32 to vector<2x1xi32>
    %slice3A_570 = vector.extract_strided_slice %add3A_567 {offsets = [0, 0], sizes = [30, 1], strides = [1, 1]} : vector<32x1xi32> to vector<30x1xi32>
    %concatenate3A_571 = tpu.concatenate %broadcast_in_dim3A_569, %slice3A_570 in 0 : vector<2x1xi32>, vector<30x1xi32> -> vector<32x1xi32>
    %add3A_572 = arith.addi %add3A_567, %concatenate3A_571 : vector<32x1xi32>
    %broadcast_in_dim3A_573 = arith.constant 0 : i32
    %broadcast_in_dim3A_574 = vector.broadcast %broadcast_in_dim3A_573 : i32 to vector<4x1xi32>
    %slice3A_575 = vector.extract_strided_slice %add3A_572 {offsets = [0, 0], sizes = [28, 1], strides = [1, 1]} : vector<32x1xi32> to vector<28x1xi32>
    %concatenate3A_576 = tpu.concatenate %broadcast_in_dim3A_574, %slice3A_575 in 0 : vector<4x1xi32>, vector<28x1xi32> -> vector<32x1xi32>
    %add3A_577 = arith.addi %add3A_572, %concatenate3A_576 : vector<32x1xi32>
    %broadcast_in_dim3A_578 = arith.constant 0 : i32
    %broadcast_in_dim3A_579 = vector.broadcast %broadcast_in_dim3A_578 : i32 to vector<8x1xi32>
    %slice3A_580 = vector.extract_strided_slice %add3A_577 {offsets = [0, 0], sizes = [24, 1], strides = [1, 1]} : vector<32x1xi32> to vector<24x1xi32>
    %concatenate3A_581 = tpu.concatenate %broadcast_in_dim3A_579, %slice3A_580 in 0 : vector<8x1xi32>, vector<24x1xi32> -> vector<32x1xi32>
    %add3A_582 = arith.addi %add3A_577, %concatenate3A_581 : vector<32x1xi32>
    %broadcast_in_dim3A_583 = arith.constant 0 : i32
    %broadcast_in_dim3A_584 = vector.broadcast %broadcast_in_dim3A_583 : i32 to vector<16x1xi32>
    %slice3A_585 = vector.extract_strided_slice %add3A_582 {offsets = [0, 0], sizes = [16, 1], strides = [1, 1]} : vector<32x1xi32> to vector<16x1xi32>
    %concatenate3A_586 = tpu.concatenate %broadcast_in_dim3A_584, %slice3A_585 in 0 : vector<16x1xi32>, vector<16x1xi32> -> vector<32x1xi32>
    %add3A_587 = arith.addi %add3A_582, %concatenate3A_586 : vector<32x1xi32>
    %sub3A_588 = arith.subi %add3A_587, %slice3A_562 : vector<32x1xi32>
    %add3A_589 = vector.broadcast %sub3A_588 : vector<32x1xi32> to vector<32x128xi32>
    %add3A_590 = arith.addi %add3A_561, %add3A_589 : vector<32x128xi32>
    %sub3A_591 = arith.constant 1 : i32
    %sub3A_592 = vector.broadcast %sub3A_591 : i32 to vector<32x128xi32>
    %sub3A_593 = arith.subi %add3A_590, %sub3A_592 : vector<32x128xi32>
    %reduce_sum3A_594 = vector.shape_cast %convert_element_type3A_526 : vector<32x128xi32> to vector<1x32x128xi32>
    %reduce_sum3A_595 = arith.constant dense<0> : vector<1xi32>
    %reduce_sum3A_596 = vector.multi_reduction <add>, %reduce_sum3A_594, %reduce_sum3A_595 [1, 2] : vector<1x32x128xi32> to vector<1xi32>
    %reduce_sum3A_597 = vector.shape_cast %reduce_sum3A_596 : vector<1xi32> to vector<1x1x1xi32>
    %reduce_sum3A_598 = vector.extract %reduce_sum3A_597[0, 0, 0] : i32 from vector<1x1x1xi32>
    %eq3A_599 = arith.constant 1 : i32
    %eq3A_600 = vector.broadcast %eq3A_599 : i32 to vector<32x128xi32>
    %eq3A_601 = arith.cmpi eq, %convert_element_type3A_526, %eq3A_600 : vector<32x128xi32>
    %add3A_602 = vector.broadcast %add3A_522 : i32 to vector<32x128xi32>
    %add3A_603 = arith.addi %add3A_602, %sub3A_593 : vector<32x128xi32>
    %select_n3A_604 = arith.select %eq3A_601, %add3A_603, %select_n3A_486 : vector<32x128xi1>, vector<32x128xi32>
    %add3A_605 = arith.constant 256 : i32
    %add3A_606 = arith.addi %reduce_sum3A_598, %add3A_605 : i32
    %sub3A_607 = arith.constant 1 : i32
    %sub3A_608 = arith.subi %add3A_606, %sub3A_607 : i32
    %jit3A_609 = arith.constant 256 : i32
    %div3A_610 = arith.divsi %sub3A_608, %jit3A_609 : i32
    %sign3A_611 = arith.constant 0 : i32
    %sign3A_612 = arith.cmpi sgt, %sub3A_608, %sign3A_611 : i32
    %sign3A_613 = arith.extui %sign3A_612 : i1 to i32
    %sign3A_614 = arith.constant 0 : i32
    %sign3A_615 = arith.cmpi slt, %sub3A_608, %sign3A_614 : i32
    %sign3A_616 = arith.extui %sign3A_615 : i1 to i32
    %sign3A_617 = arith.subi %sign3A_613, %sign3A_616 : i32
    %sign3A_618 = arith.constant 0 : i32
    %sign3A_619 = arith.cmpi sgt, %jit3A_609, %sign3A_618 : i32
    %sign3A_620 = arith.extui %sign3A_619 : i1 to i32
    %sign3A_621 = arith.constant 0 : i32
    %sign3A_622 = arith.cmpi slt, %jit3A_609, %sign3A_621 : i32
    %sign3A_623 = arith.extui %sign3A_622 : i1 to i32
    %sign3A_624 = arith.subi %sign3A_620, %sign3A_623 : i32
    %ne3A_625 = arith.cmpi ne, %sign3A_617, %sign3A_624 : i32
    %rem3A_626 = arith.remsi %sub3A_608, %jit3A_609 : i32
    %ne3A_627 = arith.constant 0 : i32
    %ne3A_628 = arith.cmpi ne, %rem3A_626, %ne3A_627 : i32
    %and3A_629 = arith.andi %ne3A_625, %ne3A_628 : i1
    %sub3A_630 = arith.constant 1 : i32
    %sub3A_631 = arith.subi %div3A_610, %sub3A_630 : i32
    %select_n3A_632 = arith.select %and3A_629, %sub3A_631, %div3A_610 : i32
    %add3A_633 = arith.addi %add3A_515, %select_n3A_632 : i32
    %ge3A_634 = vector.broadcast %add3A_633 : i32 to vector<1x128xi32>
    %ge3A_635 = arith.cmpi sge, %iota3A_170, %ge3A_634 : vector<1x128xi32>
    %convert_element_type3A_636 = arith.extui %ge3A_635 : vector<1x128xi1> to vector<1x128xi32>
    %add3A_637 = arith.addi %add3A_519, %convert_element_type3A_636 : vector<1x128xi32>
    %mul3A_638 = arith.constant 256 : i32
    %mul3A_639 = arith.muli %select_n3A_632, %mul3A_638 : i32
    %add3A_640 = arith.addi %add3A_522, %mul3A_639 : i32
    %eq3A_641 = arith.constant 4 : i32
    %eq3A_642 = vector.broadcast %eq3A_641 : i32 to vector<32x128xi32>
    %eq3A_643 = arith.cmpi eq, %concatenate3A, %eq3A_642 : vector<32x128xi32>
    %convert_element_type3A_644 = arith.extui %eq3A_643 : vector<32x128xi1> to vector<32x128xi32>
    %broadcast_in_dim3A_645 = arith.constant 0 : i32
    %broadcast_in_dim3A_646 = vector.broadcast %broadcast_in_dim3A_645 : i32 to vector<32x1xi32>
    %slice3A_647 = vector.extract_strided_slice %convert_element_type3A_644 {offsets = [0, 0], sizes = [32, 127], strides = [1, 1]} : vector<32x128xi32> to vector<32x127xi32>
    %concatenate3A_648 = tpu.concatenate %broadcast_in_dim3A_646, %slice3A_647 in 1 : vector<32x1xi32>, vector<32x127xi32> -> vector<32x128xi32>
    %add3A_649 = arith.addi %convert_element_type3A_644, %concatenate3A_648 : vector<32x128xi32>
    %broadcast_in_dim3A_650 = arith.constant 0 : i32
    %broadcast_in_dim3A_651 = vector.broadcast %broadcast_in_dim3A_650 : i32 to vector<32x2xi32>
    %slice3A_652 = vector.extract_strided_slice %add3A_649 {offsets = [0, 0], sizes = [32, 126], strides = [1, 1]} : vector<32x128xi32> to vector<32x126xi32>
    %concatenate3A_653 = tpu.concatenate %broadcast_in_dim3A_651, %slice3A_652 in 1 : vector<32x2xi32>, vector<32x126xi32> -> vector<32x128xi32>
    %add3A_654 = arith.addi %add3A_649, %concatenate3A_653 : vector<32x128xi32>
    %broadcast_in_dim3A_655 = arith.constant 0 : i32
    %broadcast_in_dim3A_656 = vector.broadcast %broadcast_in_dim3A_655 : i32 to vector<32x4xi32>
    %slice3A_657 = vector.extract_strided_slice %add3A_654 {offsets = [0, 0], sizes = [32, 124], strides = [1, 1]} : vector<32x128xi32> to vector<32x124xi32>
    %concatenate3A_658 = tpu.concatenate %broadcast_in_dim3A_656, %slice3A_657 in 1 : vector<32x4xi32>, vector<32x124xi32> -> vector<32x128xi32>
    %add3A_659 = arith.addi %add3A_654, %concatenate3A_658 : vector<32x128xi32>
    %broadcast_in_dim3A_660 = arith.constant 0 : i32
    %broadcast_in_dim3A_661 = vector.broadcast %broadcast_in_dim3A_660 : i32 to vector<32x8xi32>
    %slice3A_662 = vector.extract_strided_slice %add3A_659 {offsets = [0, 0], sizes = [32, 120], strides = [1, 1]} : vector<32x128xi32> to vector<32x120xi32>
    %concatenate3A_663 = tpu.concatenate %broadcast_in_dim3A_661, %slice3A_662 in 1 : vector<32x8xi32>, vector<32x120xi32> -> vector<32x128xi32>
    %add3A_664 = arith.addi %add3A_659, %concatenate3A_663 : vector<32x128xi32>
    %broadcast_in_dim3A_665 = arith.constant 0 : i32
    %broadcast_in_dim3A_666 = vector.broadcast %broadcast_in_dim3A_665 : i32 to vector<32x16xi32>
    %slice3A_667 = vector.extract_strided_slice %add3A_664 {offsets = [0, 0], sizes = [32, 112], strides = [1, 1]} : vector<32x128xi32> to vector<32x112xi32>
    %concatenate3A_668 = tpu.concatenate %broadcast_in_dim3A_666, %slice3A_667 in 1 : vector<32x16xi32>, vector<32x112xi32> -> vector<32x128xi32>
    %add3A_669 = arith.addi %add3A_664, %concatenate3A_668 : vector<32x128xi32>
    %broadcast_in_dim3A_670 = arith.constant 0 : i32
    %broadcast_in_dim3A_671 = vector.broadcast %broadcast_in_dim3A_670 : i32 to vector<32x32xi32>
    %slice3A_672 = vector.extract_strided_slice %add3A_669 {offsets = [0, 0], sizes = [32, 96], strides = [1, 1]} : vector<32x128xi32> to vector<32x96xi32>
    %concatenate3A_673 = tpu.concatenate %broadcast_in_dim3A_671, %slice3A_672 in 1 : vector<32x32xi32>, vector<32x96xi32> -> vector<32x128xi32>
    %add3A_674 = arith.addi %add3A_669, %concatenate3A_673 : vector<32x128xi32>
    %broadcast_in_dim3A_675 = arith.constant 0 : i32
    %broadcast_in_dim3A_676 = vector.broadcast %broadcast_in_dim3A_675 : i32 to vector<32x64xi32>
    %slice3A_677 = vector.extract_strided_slice %add3A_674 {offsets = [0, 0], sizes = [32, 64], strides = [1, 1]} : vector<32x128xi32> to vector<32x64xi32>
    %concatenate3A_678 = tpu.concatenate %broadcast_in_dim3A_676, %slice3A_677 in 1 : vector<32x64xi32>, vector<32x64xi32> -> vector<32x128xi32>
    %add3A_679 = arith.addi %add3A_674, %concatenate3A_678 : vector<32x128xi32>
    %slice3A_680 = vector.extract_strided_slice %add3A_679 {offsets = [0, 127], sizes = [32, 1], strides = [1, 1]} : vector<32x128xi32> to vector<32x1xi32>
    %broadcast_in_dim3A_681 = arith.constant 0 : i32
    %broadcast_in_dim3A_682 = vector.broadcast %broadcast_in_dim3A_681 : i32 to vector<1x1xi32>
    %slice3A_683 = vector.extract_strided_slice %slice3A_680 {offsets = [0, 0], sizes = [31, 1], strides = [1, 1]} : vector<32x1xi32> to vector<31x1xi32>
    %concatenate3A_684 = tpu.concatenate %broadcast_in_dim3A_682, %slice3A_683 in 0 : vector<1x1xi32>, vector<31x1xi32> -> vector<32x1xi32>
    %add3A_685 = arith.addi %slice3A_680, %concatenate3A_684 : vector<32x1xi32>
    %broadcast_in_dim3A_686 = arith.constant 0 : i32
    %broadcast_in_dim3A_687 = vector.broadcast %broadcast_in_dim3A_686 : i32 to vector<2x1xi32>
    %slice3A_688 = vector.extract_strided_slice %add3A_685 {offsets = [0, 0], sizes = [30, 1], strides = [1, 1]} : vector<32x1xi32> to vector<30x1xi32>
    %concatenate3A_689 = tpu.concatenate %broadcast_in_dim3A_687, %slice3A_688 in 0 : vector<2x1xi32>, vector<30x1xi32> -> vector<32x1xi32>
    %add3A_690 = arith.addi %add3A_685, %concatenate3A_689 : vector<32x1xi32>
    %broadcast_in_dim3A_691 = arith.constant 0 : i32
    %broadcast_in_dim3A_692 = vector.broadcast %broadcast_in_dim3A_691 : i32 to vector<4x1xi32>
    %slice3A_693 = vector.extract_strided_slice %add3A_690 {offsets = [0, 0], sizes = [28, 1], strides = [1, 1]} : vector<32x1xi32> to vector<28x1xi32>
    %concatenate3A_694 = tpu.concatenate %broadcast_in_dim3A_692, %slice3A_693 in 0 : vector<4x1xi32>, vector<28x1xi32> -> vector<32x1xi32>
    %add3A_695 = arith.addi %add3A_690, %concatenate3A_694 : vector<32x1xi32>
    %broadcast_in_dim3A_696 = arith.constant 0 : i32
    %broadcast_in_dim3A_697 = vector.broadcast %broadcast_in_dim3A_696 : i32 to vector<8x1xi32>
    %slice3A_698 = vector.extract_strided_slice %add3A_695 {offsets = [0, 0], sizes = [24, 1], strides = [1, 1]} : vector<32x1xi32> to vector<24x1xi32>
    %concatenate3A_699 = tpu.concatenate %broadcast_in_dim3A_697, %slice3A_698 in 0 : vector<8x1xi32>, vector<24x1xi32> -> vector<32x1xi32>
    %add3A_700 = arith.addi %add3A_695, %concatenate3A_699 : vector<32x1xi32>
    %broadcast_in_dim3A_701 = arith.constant 0 : i32
    %broadcast_in_dim3A_702 = vector.broadcast %broadcast_in_dim3A_701 : i32 to vector<16x1xi32>
    %slice3A_703 = vector.extract_strided_slice %add3A_700 {offsets = [0, 0], sizes = [16, 1], strides = [1, 1]} : vector<32x1xi32> to vector<16x1xi32>
    %concatenate3A_704 = tpu.concatenate %broadcast_in_dim3A_702, %slice3A_703 in 0 : vector<16x1xi32>, vector<16x1xi32> -> vector<32x1xi32>
    %add3A_705 = arith.addi %add3A_700, %concatenate3A_704 : vector<32x1xi32>
    %sub3A_706 = arith.subi %add3A_705, %slice3A_680 : vector<32x1xi32>
    %add3A_707 = vector.broadcast %sub3A_706 : vector<32x1xi32> to vector<32x128xi32>
    %add3A_708 = arith.addi %add3A_679, %add3A_707 : vector<32x128xi32>
    %sub3A_709 = arith.constant 1 : i32
    %sub3A_710 = vector.broadcast %sub3A_709 : i32 to vector<32x128xi32>
    %sub3A_711 = arith.subi %add3A_708, %sub3A_710 : vector<32x128xi32>
    %reduce_sum3A_712 = vector.shape_cast %convert_element_type3A_644 : vector<32x128xi32> to vector<1x32x128xi32>
    %reduce_sum3A_713 = arith.constant dense<0> : vector<1xi32>
    %reduce_sum3A_714 = vector.multi_reduction <add>, %reduce_sum3A_712, %reduce_sum3A_713 [1, 2] : vector<1x32x128xi32> to vector<1xi32>
    %reduce_sum3A_715 = vector.shape_cast %reduce_sum3A_714 : vector<1xi32> to vector<1x1x1xi32>
    %reduce_sum3A_716 = vector.extract %reduce_sum3A_715[0, 0, 0] : i32 from vector<1x1x1xi32>
    %eq3A_717 = arith.constant 1 : i32
    %eq3A_718 = vector.broadcast %eq3A_717 : i32 to vector<32x128xi32>
    %eq3A_719 = arith.cmpi eq, %convert_element_type3A_644, %eq3A_718 : vector<32x128xi32>
    %add3A_720 = vector.broadcast %add3A_640 : i32 to vector<32x128xi32>
    %add3A_721 = arith.addi %add3A_720, %sub3A_711 : vector<32x128xi32>
    %select_n3A_722 = arith.select %eq3A_719, %add3A_721, %select_n3A_604 : vector<32x128xi1>, vector<32x128xi32>
    %add3A_723 = arith.constant 256 : i32
    %add3A_724 = arith.addi %reduce_sum3A_716, %add3A_723 : i32
    %sub3A_725 = arith.constant 1 : i32
    %sub3A_726 = arith.subi %add3A_724, %sub3A_725 : i32
    %jit3A_727 = arith.constant 256 : i32
    %div3A_728 = arith.divsi %sub3A_726, %jit3A_727 : i32
    %sign3A_729 = arith.constant 0 : i32
    %sign3A_730 = arith.cmpi sgt, %sub3A_726, %sign3A_729 : i32
    %sign3A_731 = arith.extui %sign3A_730 : i1 to i32
    %sign3A_732 = arith.constant 0 : i32
    %sign3A_733 = arith.cmpi slt, %sub3A_726, %sign3A_732 : i32
    %sign3A_734 = arith.extui %sign3A_733 : i1 to i32
    %sign3A_735 = arith.subi %sign3A_731, %sign3A_734 : i32
    %sign3A_736 = arith.constant 0 : i32
    %sign3A_737 = arith.cmpi sgt, %jit3A_727, %sign3A_736 : i32
    %sign3A_738 = arith.extui %sign3A_737 : i1 to i32
    %sign3A_739 = arith.constant 0 : i32
    %sign3A_740 = arith.cmpi slt, %jit3A_727, %sign3A_739 : i32
    %sign3A_741 = arith.extui %sign3A_740 : i1 to i32
    %sign3A_742 = arith.subi %sign3A_738, %sign3A_741 : i32
    %ne3A_743 = arith.cmpi ne, %sign3A_735, %sign3A_742 : i32
    %rem3A_744 = arith.remsi %sub3A_726, %jit3A_727 : i32
    %ne3A_745 = arith.constant 0 : i32
    %ne3A_746 = arith.cmpi ne, %rem3A_744, %ne3A_745 : i32
    %and3A_747 = arith.andi %ne3A_743, %ne3A_746 : i1
    %sub3A_748 = arith.constant 1 : i32
    %sub3A_749 = arith.subi %div3A_728, %sub3A_748 : i32
    %select_n3A_750 = arith.select %and3A_747, %sub3A_749, %div3A_728 : i32
    %add3A_751 = arith.addi %add3A_633, %select_n3A_750 : i32
    %ge3A_752 = vector.broadcast %add3A_751 : i32 to vector<1x128xi32>
    %ge3A_753 = arith.cmpi sge, %iota3A_170, %ge3A_752 : vector<1x128xi32>
    %convert_element_type3A_754 = arith.extui %ge3A_753 : vector<1x128xi1> to vector<1x128xi32>
    %add3A_755 = arith.addi %add3A_637, %convert_element_type3A_754 : vector<1x128xi32>
    %mul3A_756 = arith.constant 256 : i32
    %mul3A_757 = arith.muli %select_n3A_750, %mul3A_756 : i32
    %add3A_758 = arith.addi %add3A_640, %mul3A_757 : i32
    %eq3A_759 = arith.constant 5 : i32
    %eq3A_760 = vector.broadcast %eq3A_759 : i32 to vector<32x128xi32>
    %eq3A_761 = arith.cmpi eq, %concatenate3A, %eq3A_760 : vector<32x128xi32>
    %convert_element_type3A_762 = arith.extui %eq3A_761 : vector<32x128xi1> to vector<32x128xi32>
    %broadcast_in_dim3A_763 = arith.constant 0 : i32
    %broadcast_in_dim3A_764 = vector.broadcast %broadcast_in_dim3A_763 : i32 to vector<32x1xi32>
    %slice3A_765 = vector.extract_strided_slice %convert_element_type3A_762 {offsets = [0, 0], sizes = [32, 127], strides = [1, 1]} : vector<32x128xi32> to vector<32x127xi32>
    %concatenate3A_766 = tpu.concatenate %broadcast_in_dim3A_764, %slice3A_765 in 1 : vector<32x1xi32>, vector<32x127xi32> -> vector<32x128xi32>
    %add3A_767 = arith.addi %convert_element_type3A_762, %concatenate3A_766 : vector<32x128xi32>
    %broadcast_in_dim3A_768 = arith.constant 0 : i32
    %broadcast_in_dim3A_769 = vector.broadcast %broadcast_in_dim3A_768 : i32 to vector<32x2xi32>
    %slice3A_770 = vector.extract_strided_slice %add3A_767 {offsets = [0, 0], sizes = [32, 126], strides = [1, 1]} : vector<32x128xi32> to vector<32x126xi32>
    %concatenate3A_771 = tpu.concatenate %broadcast_in_dim3A_769, %slice3A_770 in 1 : vector<32x2xi32>, vector<32x126xi32> -> vector<32x128xi32>
    %add3A_772 = arith.addi %add3A_767, %concatenate3A_771 : vector<32x128xi32>
    %broadcast_in_dim3A_773 = arith.constant 0 : i32
    %broadcast_in_dim3A_774 = vector.broadcast %broadcast_in_dim3A_773 : i32 to vector<32x4xi32>
    %slice3A_775 = vector.extract_strided_slice %add3A_772 {offsets = [0, 0], sizes = [32, 124], strides = [1, 1]} : vector<32x128xi32> to vector<32x124xi32>
    %concatenate3A_776 = tpu.concatenate %broadcast_in_dim3A_774, %slice3A_775 in 1 : vector<32x4xi32>, vector<32x124xi32> -> vector<32x128xi32>
    %add3A_777 = arith.addi %add3A_772, %concatenate3A_776 : vector<32x128xi32>
    %broadcast_in_dim3A_778 = arith.constant 0 : i32
    %broadcast_in_dim3A_779 = vector.broadcast %broadcast_in_dim3A_778 : i32 to vector<32x8xi32>
    %slice3A_780 = vector.extract_strided_slice %add3A_777 {offsets = [0, 0], sizes = [32, 120], strides = [1, 1]} : vector<32x128xi32> to vector<32x120xi32>
    %concatenate3A_781 = tpu.concatenate %broadcast_in_dim3A_779, %slice3A_780 in 1 : vector<32x8xi32>, vector<32x120xi32> -> vector<32x128xi32>
    %add3A_782 = arith.addi %add3A_777, %concatenate3A_781 : vector<32x128xi32>
    %broadcast_in_dim3A_783 = arith.constant 0 : i32
    %broadcast_in_dim3A_784 = vector.broadcast %broadcast_in_dim3A_783 : i32 to vector<32x16xi32>
    %slice3A_785 = vector.extract_strided_slice %add3A_782 {offsets = [0, 0], sizes = [32, 112], strides = [1, 1]} : vector<32x128xi32> to vector<32x112xi32>
    %concatenate3A_786 = tpu.concatenate %broadcast_in_dim3A_784, %slice3A_785 in 1 : vector<32x16xi32>, vector<32x112xi32> -> vector<32x128xi32>
    %add3A_787 = arith.addi %add3A_782, %concatenate3A_786 : vector<32x128xi32>
    %broadcast_in_dim3A_788 = arith.constant 0 : i32
    %broadcast_in_dim3A_789 = vector.broadcast %broadcast_in_dim3A_788 : i32 to vector<32x32xi32>
    %slice3A_790 = vector.extract_strided_slice %add3A_787 {offsets = [0, 0], sizes = [32, 96], strides = [1, 1]} : vector<32x128xi32> to vector<32x96xi32>
    %concatenate3A_791 = tpu.concatenate %broadcast_in_dim3A_789, %slice3A_790 in 1 : vector<32x32xi32>, vector<32x96xi32> -> vector<32x128xi32>
    %add3A_792 = arith.addi %add3A_787, %concatenate3A_791 : vector<32x128xi32>
    %broadcast_in_dim3A_793 = arith.constant 0 : i32
    %broadcast_in_dim3A_794 = vector.broadcast %broadcast_in_dim3A_793 : i32 to vector<32x64xi32>
    %slice3A_795 = vector.extract_strided_slice %add3A_792 {offsets = [0, 0], sizes = [32, 64], strides = [1, 1]} : vector<32x128xi32> to vector<32x64xi32>
    %concatenate3A_796 = tpu.concatenate %broadcast_in_dim3A_794, %slice3A_795 in 1 : vector<32x64xi32>, vector<32x64xi32> -> vector<32x128xi32>
    %add3A_797 = arith.addi %add3A_792, %concatenate3A_796 : vector<32x128xi32>
    %slice3A_798 = vector.extract_strided_slice %add3A_797 {offsets = [0, 127], sizes = [32, 1], strides = [1, 1]} : vector<32x128xi32> to vector<32x1xi32>
    %broadcast_in_dim3A_799 = arith.constant 0 : i32
    %broadcast_in_dim3A_800 = vector.broadcast %broadcast_in_dim3A_799 : i32 to vector<1x1xi32>
    %slice3A_801 = vector.extract_strided_slice %slice3A_798 {offsets = [0, 0], sizes = [31, 1], strides = [1, 1]} : vector<32x1xi32> to vector<31x1xi32>
    %concatenate3A_802 = tpu.concatenate %broadcast_in_dim3A_800, %slice3A_801 in 0 : vector<1x1xi32>, vector<31x1xi32> -> vector<32x1xi32>
    %add3A_803 = arith.addi %slice3A_798, %concatenate3A_802 : vector<32x1xi32>
    %broadcast_in_dim3A_804 = arith.constant 0 : i32
    %broadcast_in_dim3A_805 = vector.broadcast %broadcast_in_dim3A_804 : i32 to vector<2x1xi32>
    %slice3A_806 = vector.extract_strided_slice %add3A_803 {offsets = [0, 0], sizes = [30, 1], strides = [1, 1]} : vector<32x1xi32> to vector<30x1xi32>
    %concatenate3A_807 = tpu.concatenate %broadcast_in_dim3A_805, %slice3A_806 in 0 : vector<2x1xi32>, vector<30x1xi32> -> vector<32x1xi32>
    %add3A_808 = arith.addi %add3A_803, %concatenate3A_807 : vector<32x1xi32>
    %broadcast_in_dim3A_809 = arith.constant 0 : i32
    %broadcast_in_dim3A_810 = vector.broadcast %broadcast_in_dim3A_809 : i32 to vector<4x1xi32>
    %slice3A_811 = vector.extract_strided_slice %add3A_808 {offsets = [0, 0], sizes = [28, 1], strides = [1, 1]} : vector<32x1xi32> to vector<28x1xi32>
    %concatenate3A_812 = tpu.concatenate %broadcast_in_dim3A_810, %slice3A_811 in 0 : vector<4x1xi32>, vector<28x1xi32> -> vector<32x1xi32>
    %add3A_813 = arith.addi %add3A_808, %concatenate3A_812 : vector<32x1xi32>
    %broadcast_in_dim3A_814 = arith.constant 0 : i32
    %broadcast_in_dim3A_815 = vector.broadcast %broadcast_in_dim3A_814 : i32 to vector<8x1xi32>
    %slice3A_816 = vector.extract_strided_slice %add3A_813 {offsets = [0, 0], sizes = [24, 1], strides = [1, 1]} : vector<32x1xi32> to vector<24x1xi32>
    %concatenate3A_817 = tpu.concatenate %broadcast_in_dim3A_815, %slice3A_816 in 0 : vector<8x1xi32>, vector<24x1xi32> -> vector<32x1xi32>
    %add3A_818 = arith.addi %add3A_813, %concatenate3A_817 : vector<32x1xi32>
    %broadcast_in_dim3A_819 = arith.constant 0 : i32
    %broadcast_in_dim3A_820 = vector.broadcast %broadcast_in_dim3A_819 : i32 to vector<16x1xi32>
    %slice3A_821 = vector.extract_strided_slice %add3A_818 {offsets = [0, 0], sizes = [16, 1], strides = [1, 1]} : vector<32x1xi32> to vector<16x1xi32>
    %concatenate3A_822 = tpu.concatenate %broadcast_in_dim3A_820, %slice3A_821 in 0 : vector<16x1xi32>, vector<16x1xi32> -> vector<32x1xi32>
    %add3A_823 = arith.addi %add3A_818, %concatenate3A_822 : vector<32x1xi32>
    %sub3A_824 = arith.subi %add3A_823, %slice3A_798 : vector<32x1xi32>
    %add3A_825 = vector.broadcast %sub3A_824 : vector<32x1xi32> to vector<32x128xi32>
    %add3A_826 = arith.addi %add3A_797, %add3A_825 : vector<32x128xi32>
    %sub3A_827 = arith.constant 1 : i32
    %sub3A_828 = vector.broadcast %sub3A_827 : i32 to vector<32x128xi32>
    %sub3A_829 = arith.subi %add3A_826, %sub3A_828 : vector<32x128xi32>
    %reduce_sum3A_830 = vector.shape_cast %convert_element_type3A_762 : vector<32x128xi32> to vector<1x32x128xi32>
    %reduce_sum3A_831 = arith.constant dense<0> : vector<1xi32>
    %reduce_sum3A_832 = vector.multi_reduction <add>, %reduce_sum3A_830, %reduce_sum3A_831 [1, 2] : vector<1x32x128xi32> to vector<1xi32>
    %reduce_sum3A_833 = vector.shape_cast %reduce_sum3A_832 : vector<1xi32> to vector<1x1x1xi32>
    %reduce_sum3A_834 = vector.extract %reduce_sum3A_833[0, 0, 0] : i32 from vector<1x1x1xi32>
    %eq3A_835 = arith.constant 1 : i32
    %eq3A_836 = vector.broadcast %eq3A_835 : i32 to vector<32x128xi32>
    %eq3A_837 = arith.cmpi eq, %convert_element_type3A_762, %eq3A_836 : vector<32x128xi32>
    %add3A_838 = vector.broadcast %add3A_758 : i32 to vector<32x128xi32>
    %add3A_839 = arith.addi %add3A_838, %sub3A_829 : vector<32x128xi32>
    %select_n3A_840 = arith.select %eq3A_837, %add3A_839, %select_n3A_722 : vector<32x128xi1>, vector<32x128xi32>
    %add3A_841 = arith.constant 256 : i32
    %add3A_842 = arith.addi %reduce_sum3A_834, %add3A_841 : i32
    %sub3A_843 = arith.constant 1 : i32
    %sub3A_844 = arith.subi %add3A_842, %sub3A_843 : i32
    %jit3A_845 = arith.constant 256 : i32
    %div3A_846 = arith.divsi %sub3A_844, %jit3A_845 : i32
    %sign3A_847 = arith.constant 0 : i32
    %sign3A_848 = arith.cmpi sgt, %sub3A_844, %sign3A_847 : i32
    %sign3A_849 = arith.extui %sign3A_848 : i1 to i32
    %sign3A_850 = arith.constant 0 : i32
    %sign3A_851 = arith.cmpi slt, %sub3A_844, %sign3A_850 : i32
    %sign3A_852 = arith.extui %sign3A_851 : i1 to i32
    %sign3A_853 = arith.subi %sign3A_849, %sign3A_852 : i32
    %sign3A_854 = arith.constant 0 : i32
    %sign3A_855 = arith.cmpi sgt, %jit3A_845, %sign3A_854 : i32
    %sign3A_856 = arith.extui %sign3A_855 : i1 to i32
    %sign3A_857 = arith.constant 0 : i32
    %sign3A_858 = arith.cmpi slt, %jit3A_845, %sign3A_857 : i32
    %sign3A_859 = arith.extui %sign3A_858 : i1 to i32
    %sign3A_860 = arith.subi %sign3A_856, %sign3A_859 : i32
    %ne3A_861 = arith.cmpi ne, %sign3A_853, %sign3A_860 : i32
    %rem3A_862 = arith.remsi %sub3A_844, %jit3A_845 : i32
    %ne3A_863 = arith.constant 0 : i32
    %ne3A_864 = arith.cmpi ne, %rem3A_862, %ne3A_863 : i32
    %and3A_865 = arith.andi %ne3A_861, %ne3A_864 : i1
    %sub3A_866 = arith.constant 1 : i32
    %sub3A_867 = arith.subi %div3A_846, %sub3A_866 : i32
    %select_n3A_868 = arith.select %and3A_865, %sub3A_867, %div3A_846 : i32
    %add3A_869 = arith.addi %add3A_751, %select_n3A_868 : i32
    %ge3A_870 = vector.broadcast %add3A_869 : i32 to vector<1x128xi32>
    %ge3A_871 = arith.cmpi sge, %iota3A_170, %ge3A_870 : vector<1x128xi32>
    %convert_element_type3A_872 = arith.extui %ge3A_871 : vector<1x128xi1> to vector<1x128xi32>
    %add3A_873 = arith.addi %add3A_755, %convert_element_type3A_872 : vector<1x128xi32>
    %mul3A_874 = arith.constant 256 : i32
    %mul3A_875 = arith.muli %select_n3A_868, %mul3A_874 : i32
    %add3A_876 = arith.addi %add3A_758, %mul3A_875 : i32
    %eq3A_877 = arith.constant 6 : i32
    %eq3A_878 = vector.broadcast %eq3A_877 : i32 to vector<32x128xi32>
    %eq3A_879 = arith.cmpi eq, %concatenate3A, %eq3A_878 : vector<32x128xi32>
    %convert_element_type3A_880 = arith.extui %eq3A_879 : vector<32x128xi1> to vector<32x128xi32>
    %broadcast_in_dim3A_881 = arith.constant 0 : i32
    %broadcast_in_dim3A_882 = vector.broadcast %broadcast_in_dim3A_881 : i32 to vector<32x1xi32>
    %slice3A_883 = vector.extract_strided_slice %convert_element_type3A_880 {offsets = [0, 0], sizes = [32, 127], strides = [1, 1]} : vector<32x128xi32> to vector<32x127xi32>
    %concatenate3A_884 = tpu.concatenate %broadcast_in_dim3A_882, %slice3A_883 in 1 : vector<32x1xi32>, vector<32x127xi32> -> vector<32x128xi32>
    %add3A_885 = arith.addi %convert_element_type3A_880, %concatenate3A_884 : vector<32x128xi32>
    %broadcast_in_dim3A_886 = arith.constant 0 : i32
    %broadcast_in_dim3A_887 = vector.broadcast %broadcast_in_dim3A_886 : i32 to vector<32x2xi32>
    %slice3A_888 = vector.extract_strided_slice %add3A_885 {offsets = [0, 0], sizes = [32, 126], strides = [1, 1]} : vector<32x128xi32> to vector<32x126xi32>
    %concatenate3A_889 = tpu.concatenate %broadcast_in_dim3A_887, %slice3A_888 in 1 : vector<32x2xi32>, vector<32x126xi32> -> vector<32x128xi32>
    %add3A_890 = arith.addi %add3A_885, %concatenate3A_889 : vector<32x128xi32>
    %broadcast_in_dim3A_891 = arith.constant 0 : i32
    %broadcast_in_dim3A_892 = vector.broadcast %broadcast_in_dim3A_891 : i32 to vector<32x4xi32>
    %slice3A_893 = vector.extract_strided_slice %add3A_890 {offsets = [0, 0], sizes = [32, 124], strides = [1, 1]} : vector<32x128xi32> to vector<32x124xi32>
    %concatenate3A_894 = tpu.concatenate %broadcast_in_dim3A_892, %slice3A_893 in 1 : vector<32x4xi32>, vector<32x124xi32> -> vector<32x128xi32>
    %add3A_895 = arith.addi %add3A_890, %concatenate3A_894 : vector<32x128xi32>
    %broadcast_in_dim3A_896 = arith.constant 0 : i32
    %broadcast_in_dim3A_897 = vector.broadcast %broadcast_in_dim3A_896 : i32 to vector<32x8xi32>
    %slice3A_898 = vector.extract_strided_slice %add3A_895 {offsets = [0, 0], sizes = [32, 120], strides = [1, 1]} : vector<32x128xi32> to vector<32x120xi32>
    %concatenate3A_899 = tpu.concatenate %broadcast_in_dim3A_897, %slice3A_898 in 1 : vector<32x8xi32>, vector<32x120xi32> -> vector<32x128xi32>
    %add3A_900 = arith.addi %add3A_895, %concatenate3A_899 : vector<32x128xi32>
    %broadcast_in_dim3A_901 = arith.constant 0 : i32
    %broadcast_in_dim3A_902 = vector.broadcast %broadcast_in_dim3A_901 : i32 to vector<32x16xi32>
    %slice3A_903 = vector.extract_strided_slice %add3A_900 {offsets = [0, 0], sizes = [32, 112], strides = [1, 1]} : vector<32x128xi32> to vector<32x112xi32>
    %concatenate3A_904 = tpu.concatenate %broadcast_in_dim3A_902, %slice3A_903 in 1 : vector<32x16xi32>, vector<32x112xi32> -> vector<32x128xi32>
    %add3A_905 = arith.addi %add3A_900, %concatenate3A_904 : vector<32x128xi32>
    %broadcast_in_dim3A_906 = arith.constant 0 : i32
    %broadcast_in_dim3A_907 = vector.broadcast %broadcast_in_dim3A_906 : i32 to vector<32x32xi32>
    %slice3A_908 = vector.extract_strided_slice %add3A_905 {offsets = [0, 0], sizes = [32, 96], strides = [1, 1]} : vector<32x128xi32> to vector<32x96xi32>
    %concatenate3A_909 = tpu.concatenate %broadcast_in_dim3A_907, %slice3A_908 in 1 : vector<32x32xi32>, vector<32x96xi32> -> vector<32x128xi32>
    %add3A_910 = arith.addi %add3A_905, %concatenate3A_909 : vector<32x128xi32>
    %broadcast_in_dim3A_911 = arith.constant 0 : i32
    %broadcast_in_dim3A_912 = vector.broadcast %broadcast_in_dim3A_911 : i32 to vector<32x64xi32>
    %slice3A_913 = vector.extract_strided_slice %add3A_910 {offsets = [0, 0], sizes = [32, 64], strides = [1, 1]} : vector<32x128xi32> to vector<32x64xi32>
    %concatenate3A_914 = tpu.concatenate %broadcast_in_dim3A_912, %slice3A_913 in 1 : vector<32x64xi32>, vector<32x64xi32> -> vector<32x128xi32>
    %add3A_915 = arith.addi %add3A_910, %concatenate3A_914 : vector<32x128xi32>
    %slice3A_916 = vector.extract_strided_slice %add3A_915 {offsets = [0, 127], sizes = [32, 1], strides = [1, 1]} : vector<32x128xi32> to vector<32x1xi32>
    %broadcast_in_dim3A_917 = arith.constant 0 : i32
    %broadcast_in_dim3A_918 = vector.broadcast %broadcast_in_dim3A_917 : i32 to vector<1x1xi32>
    %slice3A_919 = vector.extract_strided_slice %slice3A_916 {offsets = [0, 0], sizes = [31, 1], strides = [1, 1]} : vector<32x1xi32> to vector<31x1xi32>
    %concatenate3A_920 = tpu.concatenate %broadcast_in_dim3A_918, %slice3A_919 in 0 : vector<1x1xi32>, vector<31x1xi32> -> vector<32x1xi32>
    %add3A_921 = arith.addi %slice3A_916, %concatenate3A_920 : vector<32x1xi32>
    %broadcast_in_dim3A_922 = arith.constant 0 : i32
    %broadcast_in_dim3A_923 = vector.broadcast %broadcast_in_dim3A_922 : i32 to vector<2x1xi32>
    %slice3A_924 = vector.extract_strided_slice %add3A_921 {offsets = [0, 0], sizes = [30, 1], strides = [1, 1]} : vector<32x1xi32> to vector<30x1xi32>
    %concatenate3A_925 = tpu.concatenate %broadcast_in_dim3A_923, %slice3A_924 in 0 : vector<2x1xi32>, vector<30x1xi32> -> vector<32x1xi32>
    %add3A_926 = arith.addi %add3A_921, %concatenate3A_925 : vector<32x1xi32>
    %broadcast_in_dim3A_927 = arith.constant 0 : i32
    %broadcast_in_dim3A_928 = vector.broadcast %broadcast_in_dim3A_927 : i32 to vector<4x1xi32>
    %slice3A_929 = vector.extract_strided_slice %add3A_926 {offsets = [0, 0], sizes = [28, 1], strides = [1, 1]} : vector<32x1xi32> to vector<28x1xi32>
    %concatenate3A_930 = tpu.concatenate %broadcast_in_dim3A_928, %slice3A_929 in 0 : vector<4x1xi32>, vector<28x1xi32> -> vector<32x1xi32>
    %add3A_931 = arith.addi %add3A_926, %concatenate3A_930 : vector<32x1xi32>
    %broadcast_in_dim3A_932 = arith.constant 0 : i32
    %broadcast_in_dim3A_933 = vector.broadcast %broadcast_in_dim3A_932 : i32 to vector<8x1xi32>
    %slice3A_934 = vector.extract_strided_slice %add3A_931 {offsets = [0, 0], sizes = [24, 1], strides = [1, 1]} : vector<32x1xi32> to vector<24x1xi32>
    %concatenate3A_935 = tpu.concatenate %broadcast_in_dim3A_933, %slice3A_934 in 0 : vector<8x1xi32>, vector<24x1xi32> -> vector<32x1xi32>
    %add3A_936 = arith.addi %add3A_931, %concatenate3A_935 : vector<32x1xi32>
    %broadcast_in_dim3A_937 = arith.constant 0 : i32
    %broadcast_in_dim3A_938 = vector.broadcast %broadcast_in_dim3A_937 : i32 to vector<16x1xi32>
    %slice3A_939 = vector.extract_strided_slice %add3A_936 {offsets = [0, 0], sizes = [16, 1], strides = [1, 1]} : vector<32x1xi32> to vector<16x1xi32>
    %concatenate3A_940 = tpu.concatenate %broadcast_in_dim3A_938, %slice3A_939 in 0 : vector<16x1xi32>, vector<16x1xi32> -> vector<32x1xi32>
    %add3A_941 = arith.addi %add3A_936, %concatenate3A_940 : vector<32x1xi32>
    %sub3A_942 = arith.subi %add3A_941, %slice3A_916 : vector<32x1xi32>
    %add3A_943 = vector.broadcast %sub3A_942 : vector<32x1xi32> to vector<32x128xi32>
    %add3A_944 = arith.addi %add3A_915, %add3A_943 : vector<32x128xi32>
    %sub3A_945 = arith.constant 1 : i32
    %sub3A_946 = vector.broadcast %sub3A_945 : i32 to vector<32x128xi32>
    %sub3A_947 = arith.subi %add3A_944, %sub3A_946 : vector<32x128xi32>
    %reduce_sum3A_948 = vector.shape_cast %convert_element_type3A_880 : vector<32x128xi32> to vector<1x32x128xi32>
    %reduce_sum3A_949 = arith.constant dense<0> : vector<1xi32>
    %reduce_sum3A_950 = vector.multi_reduction <add>, %reduce_sum3A_948, %reduce_sum3A_949 [1, 2] : vector<1x32x128xi32> to vector<1xi32>
    %reduce_sum3A_951 = vector.shape_cast %reduce_sum3A_950 : vector<1xi32> to vector<1x1x1xi32>
    %reduce_sum3A_952 = vector.extract %reduce_sum3A_951[0, 0, 0] : i32 from vector<1x1x1xi32>
    %eq3A_953 = arith.constant 1 : i32
    %eq3A_954 = vector.broadcast %eq3A_953 : i32 to vector<32x128xi32>
    %eq3A_955 = arith.cmpi eq, %convert_element_type3A_880, %eq3A_954 : vector<32x128xi32>
    %add3A_956 = vector.broadcast %add3A_876 : i32 to vector<32x128xi32>
    %add3A_957 = arith.addi %add3A_956, %sub3A_947 : vector<32x128xi32>
    %select_n3A_958 = arith.select %eq3A_955, %add3A_957, %select_n3A_840 : vector<32x128xi1>, vector<32x128xi32>
    %add3A_959 = arith.constant 256 : i32
    %add3A_960 = arith.addi %reduce_sum3A_952, %add3A_959 : i32
    %sub3A_961 = arith.constant 1 : i32
    %sub3A_962 = arith.subi %add3A_960, %sub3A_961 : i32
    %jit3A_963 = arith.constant 256 : i32
    %div3A_964 = arith.divsi %sub3A_962, %jit3A_963 : i32
    %sign3A_965 = arith.constant 0 : i32
    %sign3A_966 = arith.cmpi sgt, %sub3A_962, %sign3A_965 : i32
    %sign3A_967 = arith.extui %sign3A_966 : i1 to i32
    %sign3A_968 = arith.constant 0 : i32
    %sign3A_969 = arith.cmpi slt, %sub3A_962, %sign3A_968 : i32
    %sign3A_970 = arith.extui %sign3A_969 : i1 to i32
    %sign3A_971 = arith.subi %sign3A_967, %sign3A_970 : i32
    %sign3A_972 = arith.constant 0 : i32
    %sign3A_973 = arith.cmpi sgt, %jit3A_963, %sign3A_972 : i32
    %sign3A_974 = arith.extui %sign3A_973 : i1 to i32
    %sign3A_975 = arith.constant 0 : i32
    %sign3A_976 = arith.cmpi slt, %jit3A_963, %sign3A_975 : i32
    %sign3A_977 = arith.extui %sign3A_976 : i1 to i32
    %sign3A_978 = arith.subi %sign3A_974, %sign3A_977 : i32
    %ne3A_979 = arith.cmpi ne, %sign3A_971, %sign3A_978 : i32
    %rem3A_980 = arith.remsi %sub3A_962, %jit3A_963 : i32
    %ne3A_981 = arith.constant 0 : i32
    %ne3A_982 = arith.cmpi ne, %rem3A_980, %ne3A_981 : i32
    %and3A_983 = arith.andi %ne3A_979, %ne3A_982 : i1
    %sub3A_984 = arith.constant 1 : i32
    %sub3A_985 = arith.subi %div3A_964, %sub3A_984 : i32
    %select_n3A_986 = arith.select %and3A_983, %sub3A_985, %div3A_964 : i32
    %add3A_987 = arith.addi %add3A_869, %select_n3A_986 : i32
    %ge3A_988 = vector.broadcast %add3A_987 : i32 to vector<1x128xi32>
    %ge3A_989 = arith.cmpi sge, %iota3A_170, %ge3A_988 : vector<1x128xi32>
    %convert_element_type3A_990 = arith.extui %ge3A_989 : vector<1x128xi1> to vector<1x128xi32>
    %add3A_991 = arith.addi %add3A_873, %convert_element_type3A_990 : vector<1x128xi32>
    %mul3A_992 = arith.constant 256 : i32
    %mul3A_993 = arith.muli %select_n3A_986, %mul3A_992 : i32
    %add3A_994 = arith.addi %add3A_876, %mul3A_993 : i32
    %eq3A_995 = arith.constant 7 : i32
    %eq3A_996 = vector.broadcast %eq3A_995 : i32 to vector<32x128xi32>
    %eq3A_997 = arith.cmpi eq, %concatenate3A, %eq3A_996 : vector<32x128xi32>
    %convert_element_type3A_998 = arith.extui %eq3A_997 : vector<32x128xi1> to vector<32x128xi32>
    %broadcast_in_dim3A_999 = arith.constant 0 : i32
    %broadcast_in_dim3A_1000 = vector.broadcast %broadcast_in_dim3A_999 : i32 to vector<32x1xi32>
    %slice3A_1001 = vector.extract_strided_slice %convert_element_type3A_998 {offsets = [0, 0], sizes = [32, 127], strides = [1, 1]} : vector<32x128xi32> to vector<32x127xi32>
    %concatenate3A_1002 = tpu.concatenate %broadcast_in_dim3A_1000, %slice3A_1001 in 1 : vector<32x1xi32>, vector<32x127xi32> -> vector<32x128xi32>
    %add3A_1003 = arith.addi %convert_element_type3A_998, %concatenate3A_1002 : vector<32x128xi32>
    %broadcast_in_dim3A_1004 = arith.constant 0 : i32
    %broadcast_in_dim3A_1005 = vector.broadcast %broadcast_in_dim3A_1004 : i32 to vector<32x2xi32>
    %slice3A_1006 = vector.extract_strided_slice %add3A_1003 {offsets = [0, 0], sizes = [32, 126], strides = [1, 1]} : vector<32x128xi32> to vector<32x126xi32>
    %concatenate3A_1007 = tpu.concatenate %broadcast_in_dim3A_1005, %slice3A_1006 in 1 : vector<32x2xi32>, vector<32x126xi32> -> vector<32x128xi32>
    %add3A_1008 = arith.addi %add3A_1003, %concatenate3A_1007 : vector<32x128xi32>
    %broadcast_in_dim3A_1009 = arith.constant 0 : i32
    %broadcast_in_dim3A_1010 = vector.broadcast %broadcast_in_dim3A_1009 : i32 to vector<32x4xi32>
    %slice3A_1011 = vector.extract_strided_slice %add3A_1008 {offsets = [0, 0], sizes = [32, 124], strides = [1, 1]} : vector<32x128xi32> to vector<32x124xi32>
    %concatenate3A_1012 = tpu.concatenate %broadcast_in_dim3A_1010, %slice3A_1011 in 1 : vector<32x4xi32>, vector<32x124xi32> -> vector<32x128xi32>
    %add3A_1013 = arith.addi %add3A_1008, %concatenate3A_1012 : vector<32x128xi32>
    %broadcast_in_dim3A_1014 = arith.constant 0 : i32
    %broadcast_in_dim3A_1015 = vector.broadcast %broadcast_in_dim3A_1014 : i32 to vector<32x8xi32>
    %slice3A_1016 = vector.extract_strided_slice %add3A_1013 {offsets = [0, 0], sizes = [32, 120], strides = [1, 1]} : vector<32x128xi32> to vector<32x120xi32>
    %concatenate3A_1017 = tpu.concatenate %broadcast_in_dim3A_1015, %slice3A_1016 in 1 : vector<32x8xi32>, vector<32x120xi32> -> vector<32x128xi32>
    %add3A_1018 = arith.addi %add3A_1013, %concatenate3A_1017 : vector<32x128xi32>
    %broadcast_in_dim3A_1019 = arith.constant 0 : i32
    %broadcast_in_dim3A_1020 = vector.broadcast %broadcast_in_dim3A_1019 : i32 to vector<32x16xi32>
    %slice3A_1021 = vector.extract_strided_slice %add3A_1018 {offsets = [0, 0], sizes = [32, 112], strides = [1, 1]} : vector<32x128xi32> to vector<32x112xi32>
    %concatenate3A_1022 = tpu.concatenate %broadcast_in_dim3A_1020, %slice3A_1021 in 1 : vector<32x16xi32>, vector<32x112xi32> -> vector<32x128xi32>
    %add3A_1023 = arith.addi %add3A_1018, %concatenate3A_1022 : vector<32x128xi32>
    %broadcast_in_dim3A_1024 = arith.constant 0 : i32
    %broadcast_in_dim3A_1025 = vector.broadcast %broadcast_in_dim3A_1024 : i32 to vector<32x32xi32>
    %slice3A_1026 = vector.extract_strided_slice %add3A_1023 {offsets = [0, 0], sizes = [32, 96], strides = [1, 1]} : vector<32x128xi32> to vector<32x96xi32>
    %concatenate3A_1027 = tpu.concatenate %broadcast_in_dim3A_1025, %slice3A_1026 in 1 : vector<32x32xi32>, vector<32x96xi32> -> vector<32x128xi32>
    %add3A_1028 = arith.addi %add3A_1023, %concatenate3A_1027 : vector<32x128xi32>
    %broadcast_in_dim3A_1029 = arith.constant 0 : i32
    %broadcast_in_dim3A_1030 = vector.broadcast %broadcast_in_dim3A_1029 : i32 to vector<32x64xi32>
    %slice3A_1031 = vector.extract_strided_slice %add3A_1028 {offsets = [0, 0], sizes = [32, 64], strides = [1, 1]} : vector<32x128xi32> to vector<32x64xi32>
    %concatenate3A_1032 = tpu.concatenate %broadcast_in_dim3A_1030, %slice3A_1031 in 1 : vector<32x64xi32>, vector<32x64xi32> -> vector<32x128xi32>
    %add3A_1033 = arith.addi %add3A_1028, %concatenate3A_1032 : vector<32x128xi32>
    %slice3A_1034 = vector.extract_strided_slice %add3A_1033 {offsets = [0, 127], sizes = [32, 1], strides = [1, 1]} : vector<32x128xi32> to vector<32x1xi32>
    %broadcast_in_dim3A_1035 = arith.constant 0 : i32
    %broadcast_in_dim3A_1036 = vector.broadcast %broadcast_in_dim3A_1035 : i32 to vector<1x1xi32>
    %slice3A_1037 = vector.extract_strided_slice %slice3A_1034 {offsets = [0, 0], sizes = [31, 1], strides = [1, 1]} : vector<32x1xi32> to vector<31x1xi32>
    %concatenate3A_1038 = tpu.concatenate %broadcast_in_dim3A_1036, %slice3A_1037 in 0 : vector<1x1xi32>, vector<31x1xi32> -> vector<32x1xi32>
    %add3A_1039 = arith.addi %slice3A_1034, %concatenate3A_1038 : vector<32x1xi32>
    %broadcast_in_dim3A_1040 = arith.constant 0 : i32
    %broadcast_in_dim3A_1041 = vector.broadcast %broadcast_in_dim3A_1040 : i32 to vector<2x1xi32>
    %slice3A_1042 = vector.extract_strided_slice %add3A_1039 {offsets = [0, 0], sizes = [30, 1], strides = [1, 1]} : vector<32x1xi32> to vector<30x1xi32>
    %concatenate3A_1043 = tpu.concatenate %broadcast_in_dim3A_1041, %slice3A_1042 in 0 : vector<2x1xi32>, vector<30x1xi32> -> vector<32x1xi32>
    %add3A_1044 = arith.addi %add3A_1039, %concatenate3A_1043 : vector<32x1xi32>
    %broadcast_in_dim3A_1045 = arith.constant 0 : i32
    %broadcast_in_dim3A_1046 = vector.broadcast %broadcast_in_dim3A_1045 : i32 to vector<4x1xi32>
    %slice3A_1047 = vector.extract_strided_slice %add3A_1044 {offsets = [0, 0], sizes = [28, 1], strides = [1, 1]} : vector<32x1xi32> to vector<28x1xi32>
    %concatenate3A_1048 = tpu.concatenate %broadcast_in_dim3A_1046, %slice3A_1047 in 0 : vector<4x1xi32>, vector<28x1xi32> -> vector<32x1xi32>
    %add3A_1049 = arith.addi %add3A_1044, %concatenate3A_1048 : vector<32x1xi32>
    %broadcast_in_dim3A_1050 = arith.constant 0 : i32
    %broadcast_in_dim3A_1051 = vector.broadcast %broadcast_in_dim3A_1050 : i32 to vector<8x1xi32>
    %slice3A_1052 = vector.extract_strided_slice %add3A_1049 {offsets = [0, 0], sizes = [24, 1], strides = [1, 1]} : vector<32x1xi32> to vector<24x1xi32>
    %concatenate3A_1053 = tpu.concatenate %broadcast_in_dim3A_1051, %slice3A_1052 in 0 : vector<8x1xi32>, vector<24x1xi32> -> vector<32x1xi32>
    %add3A_1054 = arith.addi %add3A_1049, %concatenate3A_1053 : vector<32x1xi32>
    %broadcast_in_dim3A_1055 = arith.constant 0 : i32
    %broadcast_in_dim3A_1056 = vector.broadcast %broadcast_in_dim3A_1055 : i32 to vector<16x1xi32>
    %slice3A_1057 = vector.extract_strided_slice %add3A_1054 {offsets = [0, 0], sizes = [16, 1], strides = [1, 1]} : vector<32x1xi32> to vector<16x1xi32>
    %concatenate3A_1058 = tpu.concatenate %broadcast_in_dim3A_1056, %slice3A_1057 in 0 : vector<16x1xi32>, vector<16x1xi32> -> vector<32x1xi32>
    %add3A_1059 = arith.addi %add3A_1054, %concatenate3A_1058 : vector<32x1xi32>
    %sub3A_1060 = arith.subi %add3A_1059, %slice3A_1034 : vector<32x1xi32>
    %add3A_1061 = vector.broadcast %sub3A_1060 : vector<32x1xi32> to vector<32x128xi32>
    %add3A_1062 = arith.addi %add3A_1033, %add3A_1061 : vector<32x128xi32>
    %sub3A_1063 = arith.constant 1 : i32
    %sub3A_1064 = vector.broadcast %sub3A_1063 : i32 to vector<32x128xi32>
    %sub3A_1065 = arith.subi %add3A_1062, %sub3A_1064 : vector<32x128xi32>
    %reduce_sum3A_1066 = vector.shape_cast %convert_element_type3A_998 : vector<32x128xi32> to vector<1x32x128xi32>
    %reduce_sum3A_1067 = arith.constant dense<0> : vector<1xi32>
    %reduce_sum3A_1068 = vector.multi_reduction <add>, %reduce_sum3A_1066, %reduce_sum3A_1067 [1, 2] : vector<1x32x128xi32> to vector<1xi32>
    %reduce_sum3A_1069 = vector.shape_cast %reduce_sum3A_1068 : vector<1xi32> to vector<1x1x1xi32>
    %reduce_sum3A_1070 = vector.extract %reduce_sum3A_1069[0, 0, 0] : i32 from vector<1x1x1xi32>
    %eq3A_1071 = arith.constant 1 : i32
    %eq3A_1072 = vector.broadcast %eq3A_1071 : i32 to vector<32x128xi32>
    %eq3A_1073 = arith.cmpi eq, %convert_element_type3A_998, %eq3A_1072 : vector<32x128xi32>
    %add3A_1074 = vector.broadcast %add3A_994 : i32 to vector<32x128xi32>
    %add3A_1075 = arith.addi %add3A_1074, %sub3A_1065 : vector<32x128xi32>
    %select_n3A_1076 = arith.select %eq3A_1073, %add3A_1075, %select_n3A_958 : vector<32x128xi1>, vector<32x128xi32>
    %add3A_1077 = arith.constant 256 : i32
    %add3A_1078 = arith.addi %reduce_sum3A_1070, %add3A_1077 : i32
    %sub3A_1079 = arith.constant 1 : i32
    %sub3A_1080 = arith.subi %add3A_1078, %sub3A_1079 : i32
    %jit3A_1081 = arith.constant 256 : i32
    %div3A_1082 = arith.divsi %sub3A_1080, %jit3A_1081 : i32
    %sign3A_1083 = arith.constant 0 : i32
    %sign3A_1084 = arith.cmpi sgt, %sub3A_1080, %sign3A_1083 : i32
    %sign3A_1085 = arith.extui %sign3A_1084 : i1 to i32
    %sign3A_1086 = arith.constant 0 : i32
    %sign3A_1087 = arith.cmpi slt, %sub3A_1080, %sign3A_1086 : i32
    %sign3A_1088 = arith.extui %sign3A_1087 : i1 to i32
    %sign3A_1089 = arith.subi %sign3A_1085, %sign3A_1088 : i32
    %sign3A_1090 = arith.constant 0 : i32
    %sign3A_1091 = arith.cmpi sgt, %jit3A_1081, %sign3A_1090 : i32
    %sign3A_1092 = arith.extui %sign3A_1091 : i1 to i32
    %sign3A_1093 = arith.constant 0 : i32
    %sign3A_1094 = arith.cmpi slt, %jit3A_1081, %sign3A_1093 : i32
    %sign3A_1095 = arith.extui %sign3A_1094 : i1 to i32
    %sign3A_1096 = arith.subi %sign3A_1092, %sign3A_1095 : i32
    %ne3A_1097 = arith.cmpi ne, %sign3A_1089, %sign3A_1096 : i32
    %rem3A_1098 = arith.remsi %sub3A_1080, %jit3A_1081 : i32
    %ne3A_1099 = arith.constant 0 : i32
    %ne3A_1100 = arith.cmpi ne, %rem3A_1098, %ne3A_1099 : i32
    %and3A_1101 = arith.andi %ne3A_1097, %ne3A_1100 : i1
    %sub3A_1102 = arith.constant 1 : i32
    %sub3A_1103 = arith.subi %div3A_1082, %sub3A_1102 : i32
    %select_n3A_1104 = arith.select %and3A_1101, %sub3A_1103, %div3A_1082 : i32
    %add3A_1105 = arith.addi %add3A_987, %select_n3A_1104 : i32
    %ge3A_1106 = vector.broadcast %add3A_1105 : i32 to vector<1x128xi32>
    %ge3A_1107 = arith.cmpi sge, %iota3A_170, %ge3A_1106 : vector<1x128xi32>
    %convert_element_type3A_1108 = arith.extui %ge3A_1107 : vector<1x128xi1> to vector<1x128xi32>
    %add3A_1109 = arith.addi %add3A_991, %convert_element_type3A_1108 : vector<1x128xi32>
    %swap3A_1110 = arith.constant 0 : index
    %swap3A_1111 = arith.constant 0 : index
    %swap3A_1112 = vector.load %arg4[%swap3A_1110, %swap3A_1111] : memref<32x128xi32, #tpu.memory_space<vmem>>, vector<32x128xi32>
    tpu.vector_store %arg4[%swap3A_1110, %swap3A_1111], %select_n3A_1076 {strides = array<i32>} : memref<32x128xi32, #tpu.memory_space<vmem>>, vector<32x128xi32>,
    %min3A = arith.constant 7 : i32
    %min3A_1113 = vector.broadcast %min3A : i32 to vector<1x128xi32>
    %min3A_1114 = arith.minsi %add3A_1109, %min3A_1113 : vector<1x128xi32>
    %swap3A_1115 = arith.constant 0 : index
    %swap3A_1116 = arith.constant 0 : index
    %swap3A_1117 = vector.load %arg5[%swap3A_1115, %swap3A_1116] : memref<1x128xi32, #tpu.memory_space<vmem>>, vector<1x128xi32>
    tpu.vector_store %arg5[%swap3A_1115, %swap3A_1116], %min3A_1114 {strides = array<i32>} : memref<1x128xi32, #tpu.memory_space<vmem>>, vector<1x128xi32>,
    return
  }
}

module attributes {stable_mosaic.version = 14 : i64} {
  func.func @_combine_body(%arg0: i32, %arg1: memref<256x768xf32, #tpu.memory_space<vmem>>, %arg2: memref<256x768xf32, #tpu.memory_space<vmem>>, %arg3: memref<256x1xf32, #tpu.memory_space<vmem>>, %arg4: memref<256x1xf32, #tpu.memory_space<vmem>>, %arg5: memref<256x768xf32, #tpu.memory_space<vmem>>) attributes {dimension_semantics = [#tpu.dimension_semantics<arbitrary>], iteration_bounds = array<i64: 8>, scalar_prefetch = 0 : i64, scratch_operands = 0 : i64, tpu.core_type = #tpu.core_type<tc>, window_params = [{transform_indices = @transform_0, window_bounds = array<i64: 256, 768>}, {transform_indices = @transform_1, window_bounds = array<i64: 256, 768>}, {transform_indices = @transform_2, window_bounds = array<i64: 256, 1>}, {transform_indices = @transform_3, window_bounds = array<i64: 256, 1>}, {transform_indices = @transform_4, window_bounds = array<i64: 256, 768>}]} {
    %get3A = arith.constant 0 : index
    %get3A_0 = arith.constant 0 : index
    %get3A_1 = vector.load %arg1[%get3A, %get3A_0] : memref<256x768xf32, #tpu.memory_space<vmem>>, vector<256x768xf32>
    %get3A_2 = arith.constant 0 : index
    %get3A_3 = arith.constant 0 : index
    %get3A_4 = vector.load %arg3[%get3A_2, %get3A_3] : memref<256x1xf32, #tpu.memory_space<vmem>>, vector<256x1xf32>
    %mul3A = vector.broadcast %get3A_4 : vector<256x1xf32> to vector<256x768xf32>
    %mul3A_5 = arith.mulf %get3A_1, %mul3A : vector<256x768xf32>
    %get3A_6 = arith.constant 0 : index
    %get3A_7 = arith.constant 0 : index
    %get3A_8 = vector.load %arg2[%get3A_6, %get3A_7] : memref<256x768xf32, #tpu.memory_space<vmem>>, vector<256x768xf32>
    %get3A_9 = arith.constant 0 : index
    %get3A_10 = arith.constant 0 : index
    %get3A_11 = vector.load %arg4[%get3A_9, %get3A_10] : memref<256x1xf32, #tpu.memory_space<vmem>>, vector<256x1xf32>
    %mul3A_12 = vector.broadcast %get3A_11 : vector<256x1xf32> to vector<256x768xf32>
    %mul3A_13 = arith.mulf %get3A_8, %mul3A_12 : vector<256x768xf32>
    %add3A = arith.addf %mul3A_5, %mul3A_13 : vector<256x768xf32>
    %swap3A = arith.constant 0 : index
    %swap3A_14 = arith.constant 0 : index
    %swap3A_15 = vector.load %arg5[%swap3A, %swap3A_14] : memref<256x768xf32, #tpu.memory_space<vmem>>, vector<256x768xf32>
    tpu.vector_store %arg5[%swap3A, %swap3A_14], %add3A {strides = array<i32>} : memref<256x768xf32, #tpu.memory_space<vmem>>, vector<256x768xf32>,
    return
  }
  func.func @transform_0(%arg0: i32) -> (i32, i32) {
    %c0_i32 = arith.constant 0 : i32
    %c0_i32_0 = arith.constant 0 : i32
    return %arg0, %c0_i32 : i32, i32
  }
  func.func @transform_1(%arg0: i32) -> (i32, i32) {
    %add3A = arith.constant 8 : i32
    %add3A_0 = arith.addi %arg0, %add3A : i32
    %c0_i32 = arith.constant 0 : i32
    %c0_i32_1 = arith.constant 0 : i32
    return %add3A_0, %c0_i32 : i32, i32
  }
  func.func @transform_2(%arg0: i32) -> (i32, i32) {
    %c0_i32 = arith.constant 0 : i32
    %c0_i32_0 = arith.constant 0 : i32
    return %arg0, %c0_i32 : i32, i32
  }
  func.func @transform_3(%arg0: i32) -> (i32, i32) {
    %c0_i32 = arith.constant 0 : i32
    %c0_i32_0 = arith.constant 0 : i32
    return %arg0, %c0_i32 : i32, i32
  }
  func.func @transform_4(%arg0: i32) -> (i32, i32) {
    %c0_i32 = arith.constant 0 : i32
    %c0_i32_0 = arith.constant 0 : i32
    return %arg0, %c0_i32 : i32, i32
  }
}

</mosaic_0001>

<sc_bundles>
// kernel: kernel.12.cloned.1.call-start
scs
__scs_entry_jumppad:
0x0: {  	(pc) =	sbr.rel $0x88, $3  }
0x1: {  	(tag) =	ssettag $0x0;
	lr =	simm.s32 $0x1  }
0x2: {  	[smem:$0x3F9C] =	sst lr;
	_ =	strace $0xD0000000  }
0x3: {  	_ = 	snop  }
0x4: {  	_ = 	snop  }
0x5: {  	_ = 	snop  }
0x6: {  	_ = 	snop  }
0x7: {  	_ = 	snop  }
__scs_overlays_trampoline_lowered:
0x8: {  	[smem:$0x3FAB] =	sst s0  }
0x9: {  	[smem:$0x3FAC] =	sst s1  }
0xa: {  	[smem:$0x3FAD] =	sst s2  }
0xb: {  	[smem:$0x3FAE] =	sst s3  }
0xc: {  	[smem:$0x3FAF] =	sst s4  }
0xd: {  	[smem:$0x3FB0] =	sst s5  }
0xe: {  	[smem:$0x3FB1] =	sst s6  }
0xf: {  	[smem:$0x3FB2] =	sst s7  }
0x10: {  	[smem:$0x3FB3] =	sst s8  }
0x11: {  	[smem:$0x3FB4] =	sst s9;
	s0 =	simm.s32 @!p0 $0x0  }
0x12: {  	s1 =	sld [smem:$0x3F9A];
	s0 =	simm.s32 @p0 $0x1  }
0x13: {  	[smem:$0x3FB5] =	sst s0;
	s0 =	simm.s32 @!p1 $0x0  }
0x14: {  	s2 =	sld [smem:$0x3F99];
	s0 =	simm.s32 @p1 $0x1  }
0x15: {  	[smem:$0x3FB6] =	sst s0;
	s0 =	simm.s32 @!p2 $0x0  }
0x16: {  	s3 =	sld [smem:$0x3FDB];
	s0 =	simm.s32 @p2 $0x1  }
0x17: {  	s4 =	simm.s32 $0x1BF5;
	[smem:$0x3FB8] =	sst s0  }
0x18: {  	s0 =	sld [smem:$0x3F9B];
	_ =	swait.ge [sflag:s4], $0x0  }
0x19: {  	s7 =	sld [smem:$0x3F9C]  }
0x1a: {  	s8 =	sadd.s32 $0xFFFFE003, lr  }
0x1b: {  	s9 =	sadd.s32 $0xFFFFFEF7, lr;
	s5 =	simm.s32 $0xFFFFFFFF;
	p2 =	slt.u32 s8, $0xFFFFF086  }
0x1c: {  	p1 =	slt.u32 s9, $0xF7A;
	s5 =	simm.s32 @!p2 $0x0  }
0x1d: {  	s5 =	simm.s32 @p1 $0x1;
	p0 =	seq.s32 s7, s2  }
0x1e: {  	s7 =	smul.u32 @!p0 $0xF7A, s2;
	p2 =	seq.s32 @!p0 s5, $0x0  }
0x1f: {  	s9 =	smul.u32 $0xF7A, s1;
	s8 =	simm.s32 @!p0 $0x1BF5;
	p2 =	por !p2, p0  }
0x20: {  	[sflag:s8] =	ssyncset.s32 @!p0 $0xFFFFF086;
	s6 =	sadd.s32 @!p0 s3, s7;
	s7 =	simm.s32 @!p0 $0x108  }
0x21: {  	s3 =	sadd.s32 s3, s9;
	s6 =	sadd.s32 @!p0 $0x88, s6;
	s7 =	simm.s32 @p2 $0x1082  }
0x22: {  	[simem:s7], [sflag:s8] =	dma.local @!p0 [hbm:s6], $0xF7A  }
0x23: {  	s9 =	sor.u32 $0xD0000000, s2;
	s6 =	simm.s32 $0x108;
	_ =	swait.ge @!p0 [sflag:s8], $0x0  }
0x24: {  	s3 =	sadd.s32 $0x88, s3;
	s6 =	simm.s32 @!p1 $0x1082;
	[sflag:s4] =	ssyncset.s32 $0xFFFFF086  }
0x25: {  	[simem:s6], [sflag:s4] =	dma.local [hbm:s3], $0xF7A  }
0x26: {  	[smem:$0x3F9C] =	sst s1;
	(tag) =	ssettag s2;
	_ =	strace s9  }
0x27: {  	s1 =	sld [smem:$0x3FAC]  }
0x28: {  	s2 =	sld [smem:$0x3FAD]  }
0x29: {  	s4 =	sld [smem:$0x3FAF]  }
0x2a: {  	p0 =	seq.s32 s5, $0x0;
	s5 =	sld [smem:$0x3FB0]  }
0x2b: {  	s6 =	sld [smem:$0x3FB1]  }
0x2c: {  	s7 =	sld [smem:$0x3FB2]  }
0x2d: {  	s3 =	simm.s32 $0x108;
	s8 =	sld [smem:$0x3FB3]  }
0x2e: {  	s3 =	simm.s32 @!p0 $0x1082;
	s9 =	sld [smem:$0x3FB4]  }
0x2f: {  	lr =	sadd.s32 s0, s3;
	s0 =	sld [smem:$0x3FAB]  }
0x30: {  	s3 =	sld [smem:$0x3FAE]  }
0x31: {  	[smem:$0x3FB7] =	sst s10  }
0x32: {  	s10 =	sld [smem:$0x3FB5];
	_ =	sdelay $0x3  }
0x33: {  	p0 =	seq.s32 s10, $0x1;
	s10 =	sld [smem:$0x3FB7];
	_ =	sdelay $0x3  }
0x34: {  	[smem:$0x3FB7] =	sst s10  }
0x35: {  	s10 =	sld [smem:$0x3FB6];
	_ =	sdelay $0x3  }
0x36: {  	p1 =	seq.s32 s10, $0x1;
	s10 =	sld [smem:$0x3FB7];
	_ =	sdelay $0x3  }
0x37: {  	[smem:$0x3FB7] =	sst s10  }
0x38: {  	s10 =	sld [smem:$0x3FB8]  }
0x39: {  	_ = 	snop;
	(pc) =	sbr.ind lr, $3  }
0x3a: {  	_ = 	snop  }
0x3b: {  	_ = 	snop  }
0x3c: {  	p2 =	seq.s32 s10, $0x1;
	s10 =	sld [smem:$0x3FB7]  }
0x3d: {  	_ =	shalt  }
0x3e: {  	_ =	shalt  }
0x3f: {  	_ =	shalt  }
0x40: {  	_ =	shalt  }
0x41: {  	_ =	shalt  }
0x42: {  	_ =	shalt  }
0x43: {  	_ =	shalt  }
0x44: {  	_ =	shalt  }
0x45: {  	_ =	shalt  }
0x46: {  	_ =	shalt  }
0x47: {  	_ =	shalt  }
0x48: {  	_ =	shalt  }
0x49: {  	_ =	shalt  }
0x4a: {  	_ =	shalt  }
0x4b: {  	_ =	shalt  }
0x4c: {  	_ =	shalt  }
0x4d: {  	_ =	shalt  }
0x4e: {  	_ =	shalt  }
0x4f: {  	_ =	shalt  }
0x50: {  	_ =	shalt  }
0x51: {  	_ =	shalt  }
0x52: {  	_ =	shalt  }
0x53: {  	_ =	shalt  }
0x54: {  	_ =	shalt  }
0x55: {  	_ =	shalt  }
0x56: {  	_ =	shalt  }
0x57: {  	_ =	shalt  }
0x58: {  	_ =	shalt  }
0x59: {  	_ =	shalt  }
0x5a: {  	_ =	shalt  }
0x5b: {  	_ =	shalt  }
0x5c: {  	_ =	shalt  }
0x5d: {  	_ =	shalt  }
0x5e: {  	_ =	shalt  }
0x5f: {  	_ =	shalt  }
0x60: {  	_ =	shalt  }
0x61: {  	_ =	shalt  }
0x62: {  	_ =	shalt  }
0x63: {  	_ =	shalt  }
0x64: {  	_ =	shalt  }
0x65: {  	_ =	shalt  }
0x66: {  	_ =	shalt  }
0x67: {  	_ =	shalt  }
0x68: {  	_ =	shalt  }
0x69: {  	_ =	shalt  }
0x6a: {  	_ =	shalt  }
0x6b: {  	_ =	shalt  }
0x6c: {  	_ =	shalt  }
0x6d: {  	_ =	shalt  }
0x6e: {  	_ =	shalt  }
0x6f: {  	_ =	shalt  }
0x70: {  	_ =	shalt  }
0x71: {  	_ =	shalt  }
0x72: {  	_ =	shalt  }
0x73: {  	_ =	shalt  }
0x74: {  	_ =	shalt  }
0x75: {  	_ =	shalt  }
0x76: {  	_ =	shalt  }
0x77: {  	_ =	shalt  }
0x78: {  	_ =	shalt  }
0x79: {  	_ =	shalt  }
0x7a: {  	_ =	shalt  }
0x7b: {  	_ =	shalt  }
0x7c: {  	_ =	shalt  }
0x7d: {  	_ =	shalt  }
0x7e: {  	_ =	shalt  }
0x7f: {  	_ =	shalt  }
0x80: {  	_ =	shalt  }
0x81: {  	_ =	shalt  }
0x82: {  	_ =	shalt  }
0x83: {  	_ =	shalt  }
0x84: {  	_ =	shalt  }
0x85: {  	_ =	shalt  }
0x86: {  	_ =	shalt  }
0x87: {  	_ =	shalt  }
.Lfunc_end0:
.L_simem_size_0:
called_computation.1_lowered:
.L_overlay_start_0:
0x88: {  	s2 =	sld [smem:$0x3FD9]  }
0x89: {  	s3 =	sld [smem:$0x3FFE];
	_ =	sdelay $0x1  }
0x8a: {  	s1 =	srdreg.scid  }
0x8b: {  	s0 =	sand.u32 $0x1, s1  }
0x8c: {  	s16 =	sshll.u32 s0, $0xA;
	s2 =	sadd.s32 s3, s2  }
0x8d: {  	s2 =	sadd.s32 s2, s16  }
0x8e: {  	[smem:$0x3FC3] =	sst s2  }
0x8f: {  	_ = 	snop  }
0x90: {  	(tm) =	ssettm $0x1  }
0x91: {  	s17 =	sld [smem:$0x3FFB];
	_ =	sdelay $0x3  }
0x92: {  	_ =	strace s17  }
0x93: {  	s2 =	sld [smem:$0x3FFC];
	_ =	sdelay $0x3  }
0x94: {  	_ =	strace s2  }
0x95: {  	s2 =	sld [smem:$0x3FFD];
	_ =	sdelay $0x3  }
0x96: {  	_ =	strace s2  }
0x97: {  	_ =	strace $0x8FFFFFFF  }
0x98: {  	s18 =	sld [smem:$0x3FDB];
	_ =	sdelay $0x1  }
0x99: {  	s19 =	simm.s32 $_scs_section_size  }
0x9a: {  	s4 =	simm.s32 $_size__tile_overlayer_lowered;
	s5 =	simm.s32 $_tile_overlayer_lowered  }
0x9b: {  	s22 =	simm.s32 $0x1BFF;
	s21 =	sshll.u32 s5, $0x1;
	s2 =	sadd.s32 s19, s18  }
0x9c: {  	s6 =	simm.s32 $0x0;
	s20 =	sshll.u32 s4, $0x1;
	s4 =	sadd.s32 s21, s2  }
0x9d: {  	[timem:s6], [sflag:s22] =	dma.local [hbm:s4], s20  }
0x9e: {  	_ =	swait.ge [sflag:s22], s20  }
0x9f: {  	s3 =	ssub.s32 $0x0, s20;
	[sflag:s22] =	ssyncset.done $0x0  }
0xa0: {  	[sflag:s22] =	ssyncadd.s32 s3;
	_ =	sdelay $0x1  }
0xa1: {  	s23 =	simm.s32 $0x1B8B  }
0xa2: {  	_ =	swait.ge [sflag:s23], $0x1  }
0xa3: {  	[sflag:s23] =	ssyncset.done $0x0  }
0xa4: {  	s25 =	simm.s32 $0x1B8E;
	s24 =	sld [smem:$0x3FFE];
	[sflag:s23] =	ssyncadd.s32 $0xFFFFFFFF  }
0xa5: {  	s26 =	simm.s32 $execute0_lowered;
	[smem:$0x3FD2] =	sst s25  }
0xa6: {  	s4 =	sshll.u32 s26, $0x1;
	_ =	strace $0x80000049;
	[dreg:$0x1] =	wrdreg $0xFFFFFFFF  }
0xa7: {  	s28 =	simm.s32 $_size_execute0_lowered;
	s2 =	sadd.s32 s2, s4;
	[dreg:$0x0] =	wrdreg $0x0  }
0xa8: {  	s4 =	sshll.u32 s28, $0x1;
	[dreg:$0x2] =	wrdreg s2  }
0xa9: {  	[dreg:$0x3] =	wrdreg s4  }
0xaa: {  	[dreg:$0x4] =	wrdreg $0xC0  }
0xab: {  	_ =	task [dreg:s6], $0x5FFFF  }
0xac: {  	[dreg:$0x1] =	wrdreg $0xFFFFFFFF  }
0xad: {  	[dreg:$0x0] =	wrdreg $0x60  }
0xae: {  	[dreg:$0x2] =	wrdreg s24  }
0xaf: {  	[dreg:$0x3] =	wrdreg $0x9  }
0xb0: {  	_ =	task.clear_ibuf [dreg:s6], $0x4FFFF;
	_ =	strace $0x90000049  }
0xb1: {  	s29 =	simm.s32 $0x9;
	_ =	strace $0x8000004B  }
0xb2: {  	_ =	swait.ge [sflag:s29], $0x1  }
0xb3: {  	[sflag:s29] =	ssyncadd.s32 $0xFFFFFFFF  }
0xb4: {  	_ =	strace $0x9000004B  }
0xb5: {  	_ =	sfence  }
0xb6: {  	s30 =	sld [smem:$0x0];
	_ =	sdelay $0x2  }
0xb7: {  	s31 =	sshll.u32 s1, $0xD;
	s1 =	sshrl.u32 s1, $0x2  }
0xb8: {  	s3 =	sand.u32 $0x4000, s31;
	s1 =	sadd.s32 s1, s30  }
0xb9: {  	s0 =	sor.u32 s3, s0;
	s1 =	sshll.u32 s1, $0x11  }
0xba: {  	s0 =	sor.u32 s1, s0  }
0xbb: {  	s0 =	sadd.s32 $0x8F2B, s0  }
0xbc: {  	[sflag:s0] =	ssyncadd.remote.s32 $0x1  }
0xbd: {  	_ =	sfence.sel $0xFFFF  }
0xbe: {  	[dreg:$0x0] =	wrdreg $0xFFFFFFFF;
	(pc) =	sbr.abs _section_cstart, $3  }
0xbf: {  	[dreg:$0x1] =	wrdreg $0xFFFFFFFF  }
0xc0: {  	_ =	task.clear_ibuf [dreg:s6], $0x2FFFF;
	_ =	strace $0x9FFFFFFF  }
0xc1: {  	(tm) =	ssettm $0x7FFFFFFF  }
tec
execute0_lowered:
.L_overlay_start_1:
0x0: {  	(tag) =	ssettag $0x1  }
0x1: {  	s1 =	srdreg.scid  }
0x2: {  	s0 =	stileid.u32;
	s1 =	sand.u32 $0x1, s1  }
0x3: {  	s2 =	sshll.u32 s0, $0x5;
	s3 =	sshll.u32 s1, $0x4  }
0x4: {  	s5 =	rddreg [dreg:$0x0];
	s3 =	sor.u32 s3, s2;
	s2 =	simm.s32 $0x0  }
0x5: {  	s26 =	simm.s32 $0x880;
	[smem:$0x7FF] =	sst s2  }
0x6: {  	s0 =	simm.s32 $0x1080;
	_ =	strace $0x8000004A;
	[dreg:$0x4] =	wrdreg s26  }
0x7: {  	s6 =	simm.s32 $0x2080;
	[dreg:$0x5] =	wrdreg s0  }
0x8: {  	s7 =	simm.s32 $0x2880;
	[dreg:$0x7] =	wrdreg s6  }
0x9: {  	s8 =	simm.s32 $0x3080;
	[dreg:$0x8] =	wrdreg s7  }
0xa: {  	s9 =	simm.s32 $0x3880;
	[dreg:$0x9] =	wrdreg s8  }
0xb: {  	s10 =	simm.s32 $0x4080;
	[dreg:$0xa] =	wrdreg s9  }
0xc: {  	s11 =	simm.s32 $0x4880;
	[dreg:$0xb] =	wrdreg s10  }
0xd: {  	s12 =	simm.s32 $0x5080;
	[dreg:$0xc] =	wrdreg s11  }
0xe: {  	s13 =	simm.s32 $0x5880;
	[dreg:$0xd] =	wrdreg s12  }
0xf: {  	s14 =	simm.s32 $0x6080;
	[dreg:$0xe] =	wrdreg s13  }
0x10: {  	s15 =	simm.s32 $0x6880;
	[dreg:$0xf] =	wrdreg s14  }
0x11: {  	s16 =	simm.s32 $0x7080;
	[dreg:$0x10] =	wrdreg s15  }
0x12: {  	s17 =	simm.s32 $0x7880;
	s18 =	simm.s32 $0x8080;
	[dreg:$0x11] =	wrdreg s16  }
0x13: {  	s19 =	simm.s32 $0x8880;
	s20 =	simm.s32 $0x9080;
	[dreg:$0x12] =	wrdreg s17  }
0x14: {  	s21 =	simm.s32 $0x9880;
	s22 =	simm.s32 $0xA080;
	[dreg:$0x13] =	wrdreg s18  }
0x15: {  	s23 =	simm.s32 $0xA880;
	s24 =	simm.s32 $0xB880;
	[dreg:$0x14] =	wrdreg s19  }
0x16: {  	s28 =	simm.s32 $0x16080;
	s29 =	simm.s32 $0x16880;
	[dreg:$0x15] =	wrdreg s20  }
0x17: {  	s30 =	simm.s32 $0x17080;
	s31 =	simm.s32 $0x17880;
	[dreg:$0x16] =	wrdreg s21  }
0x18: {  	s4 =	smul.u32 $0x300, s3;
	s3 =	sadd.s32 s3, s5;
	[dreg:$0x17] =	wrdreg s22  }
0x19: {  	s1 =	ssub.s32 $0x2, s1;
	s3 =	sadd.s32 $0x2600, s3;
	[dreg:$0x18] =	wrdreg s23  }
0x1a: {  	s6 =	sshrl.u32 s1, $0x1;
	s7 =	simm.s32 $0xB080;
	[dreg:$0x1a] =	wrdreg s24  }
0x1b: {  	s8 =	simm.s32 $0x80;
	s26 =	simm.s32 $0xC880;
	s10 =	simm.s32 $0xD880  }
0x1c: {  	s11 =	simm.s32 $0xE080;
	s12 =	simm.s32 $0xE880;
	s13 =	simm.s32 $0xF080  }
0x1d: {  	s14 =	simm.s32 $0xF880;
	s15 =	simm.s32 $0x10080;
	s16 =	simm.s32 $0x10880  }
0x1e: {  	s17 =	simm.s32 $0x11080;
	s18 =	simm.s32 $0x11880;
	s19 =	simm.s32 $0x12080  }
0x1f: {  	s20 =	simm.s32 $0x12880;
	s21 =	simm.s32 $0x13080;
	s22 =	simm.s32 $0x13880  }
0x20: {  	s23 =	simm.s32 $0x14080;
	s24 =	simm.s32 $0x14880;
	[dreg:$0x2] =	wrdreg s3  }
0x21: {  	s4 =	sadd.s32 s4, s5;
	s3 =	sadd.s32 $0xA800, s5;
	[dreg:$0x19] =	wrdreg s7  }
0x22: {  	s1 =	ssub.s32 s1, s6;
	s7 =	simm.s32 $0x2;
	[dreg:$0x1c] =	wrdreg s26  }
0x23: {  	s26 =	simm.s32 $0x15880;
	s25 =	sadd.s32 $0x9A800, s4;
	s4 =	simm.s32 $0x1880  }
0x24: {  	v2 =	vlaneseq.u32;
	s6 =	smax.u32 s1, $0x1;
	s1 =	simm.s32 $0x1;
	[dreg:$0x3] =	wrdreg s25  }
0x25: {  	vm0 =	vmmov $0xffff;
	v1 =	vshrl.u32 v2, $0x3;
	[dreg:$0x6] =	wrdreg s4;
	s4 =	sadd.s32 $0xA900, s5;
	s25 =	simm.s32 $0xC080  }
0x26: {  	v0 =	vand.u32 $0x7, v2;
	v2 =	vor.u32 $0x8, v2;
	v1 =	vmul.u32 $0x8, v1;
	s5 =	sadd.s32 $0xAA00, s5;
	[dreg:$0x1b] =	wrdreg s25;
	s25 =	simm.s32 $0x15080  }
.LBB2_1:
0x27: {  	s0 =	rddreg [dreg:$0x2]  }
0x28: {  	[tilespmem:s2], [sflag:$0x2] =	stream.linear.gather [hbm4b:s0+s2], $0x80, $0x38;
	[tilespmem:$0x18080] =	vst v63  }
0x29: {  	_ =	swait.ge [sflag:s7], $0x80  }
0x2a: {  	[sflag:s7] =	ssyncset.done $0x0  }
0x2b: {  	[sflag:s7] =	ssyncadd.s32 $0xFFFFFF80  }
0x2c: {  	v3 =	vld [tilespmem:$0x0];
	_ =	sdelay $0x4  }
0x2d: {  	v4 =	vshrl.u32 v3, $0x3  }
0x2e: {  	v4 =	vmul.u32 $0x30, v4  }
0x2f: {  	v3 =	vand.u32 $0x7, v3  }
0x30: {  	v3 =	vor.u32 v3, v4  }
0x31: {  	v4 =	vperm.xlane v3, v0;
	_ =	sdelay $0x1  }
0x32: {  	v4 =	vadd.s32 v1, v4;
	_ =	sdelay $0x3  }
0x33: {  	v3 =	vperm.xlane v3, v2  }
0x34: {  	[tilespmem:s8], [sflag:$0x1] =	stream.indirect_vreg.gather [hbm4b:s3+s2], $0x80, v4, vm0, $0xb8;
	[tilespmem:$0x18080] =	vst v63  }
0x35: {  	s0 =	rddreg [dreg:$0x4];
	v3 =	vadd.s32 v1, v3  }
0x36: {  	[tilespmem:s0], [sflag:$0x1] =	stream.indirect_vreg.gather [hbm4b:s4+s2], $0x80, v4, vm0, $0xb8;
	[tilespmem:$0x18080] =	vst v63  }
0x37: {  	s9 =	rddreg [dreg:$0x5]  }
0x38: {  	[tilespmem:s9], [sflag:$0x1] =	stream.indirect_vreg.gather [hbm4b:s5+s2], $0x80, v4, vm0, $0xb8;
	[tilespmem:$0x18080] =	vst v63  }
0x39: {  	s0 =	rddreg [dreg:$0x6]  }
0x3a: {  	[tilespmem:s0], [sflag:$0x1] =	stream.indirect_vreg.gather [hbm4b:s3+s2], $0x80, v3, vm0, $0xb8;
	[tilespmem:$0x18080] =	vst v63  }
0x3b: {  	s9 =	rddreg [dreg:$0x7]  }
0x3c: {  	[tilespmem:s9], [sflag:$0x1] =	stream.indirect_vreg.gather [hbm4b:s4+s2], $0x80, v3, vm0, $0xb8;
	[tilespmem:$0x18080] =	vst v63  }
0x3d: {  	s0 =	rddreg [dreg:$0x8]  }
0x3e: {  	[tilespmem:s0], [sflag:$0x1] =	stream.indirect_vreg.gather [hbm4b:s5+s2], $0x80, v3, vm0, $0xb8;
	[tilespmem:$0x18080] =	vst v63  }
0x3f: {  	v3 =	vld [tilespmem:$0x10];
	_ =	sdelay $0x4  }
0x40: {  	v57 =	vshrl.u32 v3, $0x3  }
0x41: {  	v4 =	vmul.u32 $0x30, v57  }
0x42: {  	v3 =	vand.u32 $0x7, v3  }
0x43: {  	v3 =	vor.u32 v3, v4  }
0x44: {  	v4 =	vperm.xlane v3, v0;
	_ =	sdelay $0x1  }
0x45: {  	v4 =	vadd.s32 v1, v4;
	_ =	sdelay $0x3  }
0x46: {  	s0 =	rddreg [dreg:$0x9];
	v3 =	vperm.xlane v3, v2  }
0x47: {  	[tilespmem:s0], [sflag:$0x1] =	stream.indirect_vreg.gather [hbm4b:s3+s2], $0x80, v4, vm0, $0xb8;
	[tilespmem:$0x18080] =	vst v63  }
0x48: {  	s9 =	rddreg [dreg:$0xa];
	v3 =	vadd.s32 v1, v3  }
0x49: {  	[tilespmem:s9], [sflag:$0x1] =	stream.indirect_vreg.gather [hbm4b:s4+s2], $0x80, v4, vm0, $0xb8;
	[tilespmem:$0x18080] =	vst v63  }
0x4a: {  	s0 =	rddreg [dreg:$0xb]  }
0x4b: {  	[tilespmem:s0], [sflag:$0x1] =	stream.indirect_vreg.gather [hbm4b:s5+s2], $0x80, v4, vm0, $0xb8;
	[tilespmem:$0x18080] =	vst v63  }
0x4c: {  	s9 =	rddreg [dreg:$0xc]  }
0x4d: {  	[tilespmem:s9], [sflag:$0x1] =	stream.indirect_vreg.gather [hbm4b:s3+s2], $0x80, v3, vm0, $0xb8;
	[tilespmem:$0x18080] =	vst v63  }
0x4e: {  	s0 =	rddreg [dreg:$0xd]  }
0x4f: {  	[tilespmem:s0], [sflag:$0x1] =	stream.indirect_vreg.gather [hbm4b:s4+s2], $0x80, v3, vm0, $0xb8;
	[tilespmem:$0x18080] =	vst v63  }
0x50: {  	s9 =	rddreg [dreg:$0xe]  }
0x51: {  	[tilespmem:s9], [sflag:$0x1] =	stream.indirect_vreg.gather [hbm4b:s5+s2], $0x80, v3, vm0, $0xb8;
	[tilespmem:$0x18080] =	vst v63  }
0x52: {  	v3 =	vld [tilespmem:$0x20];
	_ =	sdelay $0x4  }
0x53: {  	v58 =	vshrl.u32 v3, $0x3  }
0x54: {  	v4 =	vmul.u32 $0x30, v58  }
0x55: {  	v3 =	vand.u32 $0x7, v3  }
0x56: {  	v3 =	vor.u32 v3, v4  }
0x57: {  	v4 =	vperm.xlane v3, v0;
	_ =	sdelay $0x1  }
0x58: {  	v4 =	vadd.s32 v1, v4;
	_ =	sdelay $0x3  }
0x59: {  	s0 =	rddreg [dreg:$0xf];
	v3 =	vperm.xlane v3, v2  }
0x5a: {  	[tilespmem:s0], [sflag:$0x1] =	stream.indirect_vreg.gather [hbm4b:s3+s2], $0x80, v4, vm0, $0xb8;
	[tilespmem:$0x18080] =	vst v63  }
0x5b: {  	s9 =	rddreg [dreg:$0x10];
	v3 =	vadd.s32 v1, v3  }
0x5c: {  	[tilespmem:s9], [sflag:$0x1] =	stream.indirect_vreg.gather [hbm4b:s4+s2], $0x80, v4, vm0, $0xb8;
	[tilespmem:$0x18080] =	vst v63  }
0x5d: {  	s0 =	rddreg [dreg:$0x11]  }
0x5e: {  	[tilespmem:s0], [sflag:$0x1] =	stream.indirect_vreg.gather [hbm4b:s5+s2], $0x80, v4, vm0, $0xb8;
	[tilespmem:$0x18080] =	vst v63  }
0x5f: {  	s9 =	rddreg [dreg:$0x12]  }
0x60: {  	[tilespmem:s9], [sflag:$0x1] =	stream.indirect_vreg.gather [hbm4b:s3+s2], $0x80, v3, vm0, $0xb8;
	[tilespmem:$0x18080] =	vst v63  }
0x61: {  	s0 =	rddreg [dreg:$0x13]  }
0x62: {  	[tilespmem:s0], [sflag:$0x1] =	stream.indirect_vreg.gather [hbm4b:s4+s2], $0x80, v3, vm0, $0xb8;
	[tilespmem:$0x18080] =	vst v63  }
0x63: {  	s9 =	rddreg [dreg:$0x14]  }
0x64: {  	[tilespmem:s9], [sflag:$0x1] =	stream.indirect_vreg.gather [hbm4b:s5+s2], $0x80, v3, vm0, $0xb8;
	[tilespmem:$0x18080] =	vst v63  }
0x65: {  	v3 =	vld [tilespmem:$0x30];
	_ =	sdelay $0x4  }
0x66: {  	v59 =	vshrl.u32 v3, $0x3  }
0x67: {  	v4 =	vmul.u32 $0x30, v59  }
0x68: {  	v3 =	vand.u32 $0x7, v3  }
0x69: {  	v3 =	vor.u32 v3, v4  }
0x6a: {  	v4 =	vperm.xlane v3, v0;
	_ =	sdelay $0x1  }
0x6b: {  	v4 =	vadd.s32 v1, v4;
	_ =	sdelay $0x3  }
0x6c: {  	s0 =	rddreg [dreg:$0x15];
	v3 =	vperm.xlane v3, v2  }
0x6d: {  	[tilespmem:s0], [sflag:$0x1] =	stream.indirect_vreg.gather [hbm4b:s3+s2], $0x80, v4, vm0, $0xb8;
	[tilespmem:$0x18080] =	vst v63  }
0x6e: {  	s9 =	rddreg [dreg:$0x16];
	v3 =	vadd.s32 v1, v3  }
0x6f: {  	[tilespmem:s9], [sflag:$0x1] =	stream.indirect_vreg.gather [hbm4b:s4+s2], $0x80, v4, vm0, $0xb8;
	[tilespmem:$0x18080] =	vst v63  }
0x70: {  	s0 =	rddreg [dreg:$0x17]  }
0x71: {  	[tilespmem:s0], [sflag:$0x1] =	stream.indirect_vreg.gather [hbm4b:s5+s2], $0x80, v4, vm0, $0xb8;
	[tilespmem:$0x18080] =	vst v63  }
0x72: {  	s9 =	rddreg [dreg:$0x18]  }
0x73: {  	[tilespmem:s9], [sflag:$0x1] =	stream.indirect_vreg.gather [hbm4b:s3+s2], $0x80, v3, vm0, $0xb8;
	[tilespmem:$0x18080] =	vst v63  }
0x74: {  	s0 =	rddreg [dreg:$0x19]  }
0x75: {  	[tilespmem:s0], [sflag:$0x1] =	stream.indirect_vreg.gather [hbm4b:s4+s2], $0x80, v3, vm0, $0xb8;
	[tilespmem:$0x18080] =	vst v63  }
0x76: {  	s9 =	rddreg [dreg:$0x1a]  }
0x77: {  	[tilespmem:s9], [sflag:$0x1] =	stream.indirect_vreg.gather [hbm4b:s5+s2], $0x80, v3, vm0, $0xb8;
	[tilespmem:$0x18080] =	vst v63  }
0x78: {  	v3 =	vld [tilespmem:$0x40];
	_ =	sdelay $0x4  }
0x79: {  	v60 =	vshrl.u32 v3, $0x3  }
0x7a: {  	v4 =	vmul.u32 $0x30, v60  }
0x7b: {  	v3 =	vand.u32 $0x7, v3  }
0x7c: {  	v3 =	vor.u32 v3, v4  }
0x7d: {  	v4 =	vperm.xlane v3, v0;
	_ =	sdelay $0x1  }
0x7e: {  	v4 =	vadd.s32 v1, v4;
	_ =	sdelay $0x3  }
0x7f: {  	s0 =	rddreg [dreg:$0x1b];
	v3 =	vperm.xlane v3, v2  }
0x80: {  	[tilespmem:s0], [sflag:$0x1] =	stream.indirect_vreg.gather [hbm4b:s3+s2], $0x80, v4, vm0, $0xb8;
	[tilespmem:$0x18080] =	vst v63  }
0x81: {  	s9 =	rddreg [dreg:$0x1c];
	v3 =	vadd.s32 v1, v3  }
0x82: {  	[tilespmem:s9], [sflag:$0x1] =	stream.indirect_vreg.gather [hbm4b:s4+s2], $0x80, v4, vm0, $0xb8;
	[tilespmem:$0x18080] =	vst v63  }
0x83: {  	s9 =	simm.s32 $0xD080  }
0x84: {  	[tilespmem:s9], [sflag:$0x1] =	stream.indirect_vreg.gather [hbm4b:s5+s2], $0x80, v4, vm0, $0xb8;
	[tilespmem:$0x18080] =	vst v63  }
0x85: {  	_ = 	snop  }
0x86: {  	[tilespmem:s10], [sflag:$0x1] =	stream.indirect_vreg.gather [hbm4b:s3+s2], $0x80, v3, vm0, $0xb8;
	[tilespmem:$0x18080] =	vst v63  }
0x87: {  	_ = 	snop  }
0x88: {  	[tilespmem:s11], [sflag:$0x1] =	stream.indirect_vreg.gather [hbm4b:s4+s2], $0x80, v3, vm0, $0xb8;
	[tilespmem:$0x18080] =	vst v63  }
0x89: {  	_ = 	snop  }
0x8a: {  	[tilespmem:s12], [sflag:$0x1] =	stream.indirect_vreg.gather [hbm4b:s5+s2], $0x80, v3, vm0, $0xb8;
	[tilespmem:$0x18080] =	vst v63  }
0x8b: {  	v3 =	vld [tilespmem:$0x50];
	_ =	sdelay $0x4  }
0x8c: {  	v61 =	vshrl.u32 v3, $0x3  }
0x8d: {  	v4 =	vmul.u32 $0x30, v61  }
0x8e: {  	v3 =	vand.u32 $0x7, v3  }
0x8f: {  	v3 =	vor.u32 v3, v4  }
0x90: {  	v4 =	vperm.xlane v3, v0;
	_ =	sdelay $0x1  }
0x91: {  	v4 =	vadd.s32 v1, v4;
	_ =	sdelay $0x3  }
0x92: {  	v3 =	vperm.xlane v3, v2  }
0x93: {  	[tilespmem:s13], [sflag:$0x1] =	stream.indirect_vreg.gather [hbm4b:s3+s2], $0x80, v4, vm0, $0xb8;
	[tilespmem:$0x18080] =	vst v63  }
0x94: {  	v3 =	vadd.s32 v1, v3  }
0x95: {  	[tilespmem:s14], [sflag:$0x1] =	stream.indirect_vreg.gather [hbm4b:s4+s2], $0x80, v4, vm0, $0xb8;
	[tilespmem:$0x18080] =	vst v63  }
0x96: {  	_ = 	snop  }
0x97: {  	[tilespmem:s15], [sflag:$0x1] =	stream.indirect_vreg.gather [hbm4b:s5+s2], $0x80, v4, vm0, $0xb8;
	[tilespmem:$0x18080] =	vst v63  }
0x98: {  	_ = 	snop  }
0x99: {  	[tilespmem:s16], [sflag:$0x1] =	stream.indirect_vreg.gather [hbm4b:s3+s2], $0x80, v3, vm0, $0xb8;
	[tilespmem:$0x18080] =	vst v63  }
0x9a: {  	_ = 	snop  }
0x9b: {  	[tilespmem:s17], [sflag:$0x1] =	stream.indirect_vreg.gather [hbm4b:s4+s2], $0x80, v3, vm0, $0xb8;
	[tilespmem:$0x18080] =	vst v63  }
0x9c: {  	_ = 	snop  }
0x9d: {  	[tilespmem:s18], [sflag:$0x1] =	stream.indirect_vreg.gather [hbm4b:s5+s2], $0x80, v3, vm0, $0xb8;
	[tilespmem:$0x18080] =	vst v63  }
0x9e: {  	v3 =	vld [tilespmem:$0x60];
	_ =	sdelay $0x4  }
0x9f: {  	v62 =	vshrl.u32 v3, $0x3  }
0xa0: {  	v4 =	vmul.u32 $0x30, v62  }
0xa1: {  	v3 =	vand.u32 $0x7, v3  }
0xa2: {  	v3 =	vor.u32 v3, v4  }
0xa3: {  	v4 =	vperm.xlane v3, v0;
	_ =	sdelay $0x1  }
0xa4: {  	v4 =	vadd.s32 v1, v4;
	_ =	sdelay $0x3  }
0xa5: {  	v3 =	vperm.xlane v3, v2  }
0xa6: {  	[tilespmem:s19], [sflag:$0x1] =	stream.indirect_vreg.gather [hbm4b:s3+s2], $0x80, v4, vm0, $0xb8;
	[tilespmem:$0x18080] =	vst v63  }
0xa7: {  	v3 =	vadd.s32 v1, v3  }
0xa8: {  	[tilespmem:s20], [sflag:$0x1] =	stream.indirect_vreg.gather [hbm4b:s4+s2], $0x80, v4, vm0, $0xb8;
	[tilespmem:$0x18080] =	vst v63  }
0xa9: {  	_ = 	snop  }
0xaa: {  	[tilespmem:s21], [sflag:$0x1] =	stream.indirect_vreg.gather [hbm4b:s5+s2], $0x80, v4, vm0, $0xb8;
	[tilespmem:$0x18080] =	vst v63  }
0xab: {  	_ = 	snop  }
0xac: {  	[tilespmem:s22], [sflag:$0x1] =	stream.indirect_vreg.gather [hbm4b:s3+s2], $0x80, v3, vm0, $0xb8;
	[tilespmem:$0x18080] =	vst v63  }
0xad: {  	_ = 	snop  }
0xae: {  	[tilespmem:s23], [sflag:$0x1] =	stream.indirect_vreg.gather [hbm4b:s4+s2], $0x80, v3, vm0, $0xb8;
	[tilespmem:$0x18080] =	vst v63  }
0xaf: {  	_ = 	snop  }
0xb0: {  	[tilespmem:s24], [sflag:$0x1] =	stream.indirect_vreg.gather [hbm4b:s5+s2], $0x80, v3, vm0, $0xb8;
	[tilespmem:$0x18080] =	vst v63  }
0xb1: {  	v3 =	vld [tilespmem:$0x70];
	_ =	sdelay $0x4  }
0xb2: {  	v63 =	vshrl.u32 v3, $0x3  }
0xb3: {  	v4 =	vmul.u32 $0x30, v63  }
0xb4: {  	v3 =	vand.u32 $0x7, v3  }
0xb5: {  	v3 =	vor.u32 v3, v4  }
0xb6: {  	v4 =	vperm.xlane v3, v0;
	_ =	sdelay $0x1  }
0xb7: {  	v4 =	vadd.s32 v1, v4;
	_ =	sdelay $0x3  }
0xb8: {  	v3 =	vperm.xlane v3, v2  }
0xb9: {  	[tilespmem:s25], [sflag:$0x1] =	stream.indirect_vreg.gather [hbm4b:s3+s2], $0x80, v4, vm0, $0xb8;
	[tilespmem:$0x18080] =	vst v63  }
0xba: {  	v3 =	vadd.s32 v1, v3  }
0xbb: {  	[tilespmem:s26], [sflag:$0x1] =	stream.indirect_vreg.gather [hbm4b:s4+s2], $0x80, v4, vm0, $0xb8;
	[tilespmem:$0x18080] =	vst v63  }
0xbc: {  	_ = 	snop  }
0xbd: {  	[tilespmem:s28], [sflag:$0x1] =	stream.indirect_vreg.gather [hbm4b:s5+s2], $0x80, v4, vm0, $0xb8;
	[tilespmem:$0x18080] =	vst v63  }
0xbe: {  	_ = 	snop  }
0xbf: {  	[tilespmem:s29], [sflag:$0x1] =	stream.indirect_vreg.gather [hbm4b:s3+s2], $0x80, v3, vm0, $0xb8;
	[tilespmem:$0x18080] =	vst v63  }
0xc0: {  	_ = 	snop  }
0xc1: {  	[tilespmem:s30], [sflag:$0x1] =	stream.indirect_vreg.gather [hbm4b:s4+s2], $0x80, v3, vm0, $0xb8;
	[tilespmem:$0x18080] =	vst v63  }
0xc2: {  	_ = 	snop  }
0xc3: {  	[tilespmem:s31], [sflag:$0x1] =	stream.indirect_vreg.gather [hbm4b:s5+s2], $0x80, v3, vm0, $0xb8;
	[tilespmem:$0x18080] =	vst v63  }
0xc4: {  	_ =	swait.ge [sflag:s1], $0x18000  }
0xc5: {  	p0 =	sne.s32 s6, $0x1;
	[sflag:s1] =	ssyncset.done $0x0  }
.Ltmp0:
0xc6: {  	s9 =	rddreg [dreg:$0x3];
	[sflag:s1] =	ssyncadd.s32 $0xFFFE8000;
	(pc) =	sbr.rel @p0 .LBB2_1-.Ltmp0, $4  }
0xc7: {  	[hbm4b:s9+s2] =	stream.linear.scatter [tilespmem:s8], [sflag:$0x2], $0x18000, $0x38;
	[tilespmem:$0x18080] =	vst v63  }
0xc8: {  	_ =	swait.ge [sflag:s7], $0x18000  }
0xc9: {  	[sflag:s7] =	ssyncset.done $0x0  }
0xca: {  	s6 =	sadd.s32 $0xFFFFFFFF, s6;
	[sflag:s7] =	ssyncadd.s32 $0xFFFE8000  }
0xcb: {  	_ =	sfence.sel $0x180000  }
0xcc: {  	[bflag:$0x0] =	sbarrier.arrive $0xFFFF  }
0xcd: {  	_ =	strace $0x9000004A  }
0xce: {  	s0 =	stileid.u32;
	[bflag:$0x2] =	sbarrier.arrive $0xFFFF  }
0xcf: {  	p0 =	sne.s32 s0, $0x0;
	s0 =	rddreg [dreg:$0x1]  }
0xd0: {  	s0 =	sadd.s32 @!p0 $0x100000, s0  }
0xd1: {  	[sflag:s0] =	ssyncadd.tile.s32 @!p0 $0x1;
	_ =	shalt  }
.Lfunc_end2:
_tile_overlayer_lowered:
.L_overlay_start_2:
0xd2: {  	(tag) =	ssettag $0x2  }
0xd3: {  	s0 =	rddreg [dreg:$0x0];
	s2 =	stileid.u32  }
0xd4: {  	s1 =	rddreg [dreg:$0x1];
	p0 =	sne.s32 s2, $0x0  }
0xd5: {  	s3 =	rddreg [dreg:$0x2];
	[bflag:$0x3] =	sbarrier.arrive $0xFFFF;
	s2 =	simm.s32 @!p0 $0x1C02  }
0xd6: {  	[timem:s3], [sflag:s2] =	dma.local @!p0 [hbm:s0], s1  }
0xd7: {  	s0 =	simm.s32 @!p0 $0x2  }
0xd8: {  	_ =	swait.ge @!p0 [sflag:s0], s1  }
0xd9: {  	s1 =	ssub.s32 @!p0 $0x0, s1;
	[sflag:s0] =	ssyncset.done @!p0 $0x0  }
0xda: {  	[sflag:s0] =	ssyncadd.s32 @!p0 s1  }
0xdb: {  	[bflag:$0x3] =	sbarrier.arrive $0xFFFF  }
0xdc: {  	_ =	shalt  }

// kernel: kernel.9.cloned.1.call-start
scs
__scs_entry_jumppad:
0x0: {  	(pc) =	sbr.rel $0x88, $3  }
0x1: {  	(tag) =	ssettag $0x0;
	lr =	simm.s32 $0x1  }
0x2: {  	[smem:$0x3F9C] =	sst lr;
	_ =	strace $0xD0000000  }
0x3: {  	_ = 	snop  }
0x4: {  	_ = 	snop  }
0x5: {  	_ = 	snop  }
0x6: {  	_ = 	snop  }
0x7: {  	_ = 	snop  }
__scs_overlays_trampoline_lowered:
0x8: {  	[smem:$0x3FAB] =	sst s0  }
0x9: {  	[smem:$0x3FAC] =	sst s1  }
0xa: {  	[smem:$0x3FAD] =	sst s2  }
0xb: {  	[smem:$0x3FAE] =	sst s3  }
0xc: {  	[smem:$0x3FAF] =	sst s4  }
0xd: {  	[smem:$0x3FB0] =	sst s5  }
0xe: {  	[smem:$0x3FB1] =	sst s6  }
0xf: {  	[smem:$0x3FB2] =	sst s7  }
0x10: {  	[smem:$0x3FB3] =	sst s8  }
0x11: {  	[smem:$0x3FB4] =	sst s9;
	s0 =	simm.s32 @!p0 $0x0  }
0x12: {  	s1 =	sld [smem:$0x3F9A];
	s0 =	simm.s32 @p0 $0x1  }
0x13: {  	[smem:$0x3FB5] =	sst s0;
	s0 =	simm.s32 @!p1 $0x0  }
0x14: {  	s2 =	sld [smem:$0x3F99];
	s0 =	simm.s32 @p1 $0x1  }
0x15: {  	[smem:$0x3FB6] =	sst s0;
	s0 =	simm.s32 @!p2 $0x0  }
0x16: {  	s3 =	sld [smem:$0x3FDB];
	s0 =	simm.s32 @p2 $0x1  }
0x17: {  	s4 =	simm.s32 $0x1BF5;
	[smem:$0x3FB8] =	sst s0  }
0x18: {  	s0 =	sld [smem:$0x3F9B];
	_ =	swait.ge [sflag:s4], $0x0  }
0x19: {  	s7 =	sld [smem:$0x3F9C]  }
0x1a: {  	s8 =	sadd.s32 $0xFFFFE003, lr  }
0x1b: {  	s9 =	sadd.s32 $0xFFFFFEF7, lr;
	s5 =	simm.s32 $0xFFFFFFFF;
	p2 =	slt.u32 s8, $0xFFFFF086  }
0x1c: {  	p1 =	slt.u32 s9, $0xF7A;
	s5 =	simm.s32 @!p2 $0x0  }
0x1d: {  	s5 =	simm.s32 @p1 $0x1;
	p0 =	seq.s32 s7, s2  }
0x1e: {  	s7 =	smul.u32 @!p0 $0xF7A, s2;
	p2 =	seq.s32 @!p0 s5, $0x0  }
0x1f: {  	s9 =	smul.u32 $0xF7A, s1;
	s8 =	simm.s32 @!p0 $0x1BF5;
	p2 =	por !p2, p0  }
0x20: {  	[sflag:s8] =	ssyncset.s32 @!p0 $0xFFFFF086;
	s6 =	sadd.s32 @!p0 s3, s7;
	s7 =	simm.s32 @!p0 $0x108  }
0x21: {  	s3 =	sadd.s32 s3, s9;
	s6 =	sadd.s32 @!p0 $0x88, s6;
	s7 =	simm.s32 @p2 $0x1082  }
0x22: {  	[simem:s7], [sflag:s8] =	dma.local @!p0 [hbm:s6], $0xF7A  }
0x23: {  	s9 =	sor.u32 $0xD0000000, s2;
	s6 =	simm.s32 $0x108;
	_ =	swait.ge @!p0 [sflag:s8], $0x0  }
0x24: {  	s3 =	sadd.s32 $0x88, s3;
	s6 =	simm.s32 @!p1 $0x1082;
	[sflag:s4] =	ssyncset.s32 $0xFFFFF086  }
0x25: {  	[simem:s6], [sflag:s4] =	dma.local [hbm:s3], $0xF7A  }
0x26: {  	[smem:$0x3F9C] =	sst s1;
	(tag) =	ssettag s2;
	_ =	strace s9  }
0x27: {  	s1 =	sld [smem:$0x3FAC]  }
0x28: {  	s2 =	sld [smem:$0x3FAD]  }
0x29: {  	s4 =	sld [smem:$0x3FAF]  }
0x2a: {  	p0 =	seq.s32 s5, $0x0;
	s5 =	sld [smem:$0x3FB0]  }
0x2b: {  	s6 =	sld [smem:$0x3FB1]  }
0x2c: {  	s7 =	sld [smem:$0x3FB2]  }
0x2d: {  	s3 =	simm.s32 $0x108;
	s8 =	sld [smem:$0x3FB3]  }
0x2e: {  	s3 =	simm.s32 @!p0 $0x1082;
	s9 =	sld [smem:$0x3FB4]  }
0x2f: {  	lr =	sadd.s32 s0, s3;
	s0 =	sld [smem:$0x3FAB]  }
0x30: {  	s3 =	sld [smem:$0x3FAE]  }
0x31: {  	[smem:$0x3FB7] =	sst s10  }
0x32: {  	s10 =	sld [smem:$0x3FB5];
	_ =	sdelay $0x3  }
0x33: {  	p0 =	seq.s32 s10, $0x1;
	s10 =	sld [smem:$0x3FB7];
	_ =	sdelay $0x3  }
0x34: {  	[smem:$0x3FB7] =	sst s10  }
0x35: {  	s10 =	sld [smem:$0x3FB6];
	_ =	sdelay $0x3  }
0x36: {  	p1 =	seq.s32 s10, $0x1;
	s10 =	sld [smem:$0x3FB7];
	_ =	sdelay $0x3  }
0x37: {  	[smem:$0x3FB7] =	sst s10  }
0x38: {  	s10 =	sld [smem:$0x3FB8]  }
0x39: {  	_ = 	snop;
	(pc) =	sbr.ind lr, $3  }
0x3a: {  	_ = 	snop  }
0x3b: {  	_ = 	snop  }
0x3c: {  	p2 =	seq.s32 s10, $0x1;
	s10 =	sld [smem:$0x3FB7]  }
0x3d: {  	_ =	shalt  }
0x3e: {  	_ =	shalt  }
0x3f: {  	_ =	shalt  }
0x40: {  	_ =	shalt  }
0x41: {  	_ =	shalt  }
0x42: {  	_ =	shalt  }
0x43: {  	_ =	shalt  }
0x44: {  	_ =	shalt  }
0x45: {  	_ =	shalt  }
0x46: {  	_ =	shalt  }
0x47: {  	_ =	shalt  }
0x48: {  	_ =	shalt  }
0x49: {  	_ =	shalt  }
0x4a: {  	_ =	shalt  }
0x4b: {  	_ =	shalt  }
0x4c: {  	_ =	shalt  }
0x4d: {  	_ =	shalt  }
0x4e: {  	_ =	shalt  }
0x4f: {  	_ =	shalt  }
0x50: {  	_ =	shalt  }
0x51: {  	_ =	shalt  }
0x52: {  	_ =	shalt  }
0x53: {  	_ =	shalt  }
0x54: {  	_ =	shalt  }
0x55: {  	_ =	shalt  }
0x56: {  	_ =	shalt  }
0x57: {  	_ =	shalt  }
0x58: {  	_ =	shalt  }
0x59: {  	_ =	shalt  }
0x5a: {  	_ =	shalt  }
0x5b: {  	_ =	shalt  }
0x5c: {  	_ =	shalt  }
0x5d: {  	_ =	shalt  }
0x5e: {  	_ =	shalt  }
0x5f: {  	_ =	shalt  }
0x60: {  	_ =	shalt  }
0x61: {  	_ =	shalt  }
0x62: {  	_ =	shalt  }
0x63: {  	_ =	shalt  }
0x64: {  	_ =	shalt  }
0x65: {  	_ =	shalt  }
0x66: {  	_ =	shalt  }
0x67: {  	_ =	shalt  }
0x68: {  	_ =	shalt  }
0x69: {  	_ =	shalt  }
0x6a: {  	_ =	shalt  }
0x6b: {  	_ =	shalt  }
0x6c: {  	_ =	shalt  }
0x6d: {  	_ =	shalt  }
0x6e: {  	_ =	shalt  }
0x6f: {  	_ =	shalt  }
0x70: {  	_ =	shalt  }
0x71: {  	_ =	shalt  }
0x72: {  	_ =	shalt  }
0x73: {  	_ =	shalt  }
0x74: {  	_ =	shalt  }
0x75: {  	_ =	shalt  }
0x76: {  	_ =	shalt  }
0x77: {  	_ =	shalt  }
0x78: {  	_ =	shalt  }
0x79: {  	_ =	shalt  }
0x7a: {  	_ =	shalt  }
0x7b: {  	_ =	shalt  }
0x7c: {  	_ =	shalt  }
0x7d: {  	_ =	shalt  }
0x7e: {  	_ =	shalt  }
0x7f: {  	_ =	shalt  }
0x80: {  	_ =	shalt  }
0x81: {  	_ =	shalt  }
0x82: {  	_ =	shalt  }
0x83: {  	_ =	shalt  }
0x84: {  	_ =	shalt  }
0x85: {  	_ =	shalt  }
0x86: {  	_ =	shalt  }
0x87: {  	_ =	shalt  }
.Lfunc_end0:
.L_simem_size_0:
called_computation_lowered:
.L_overlay_start_0:
0x88: {  	s2 =	sld [smem:$0x3FD9]  }
0x89: {  	s3 =	sld [smem:$0x3FFE];
	_ =	sdelay $0x1  }
0x8a: {  	s1 =	srdreg.scid  }
0x8b: {  	s0 =	sand.u32 $0x1, s1  }
0x8c: {  	s17 =	sshll.u32 s0, $0xA;
	s2 =	sadd.s32 s3, s2  }
0x8d: {  	s2 =	sadd.s32 s2, s17  }
0x8e: {  	[smem:$0x3FC3] =	sst s2  }
0x8f: {  	_ = 	snop  }
0x90: {  	s2 =	sld [smem:$0x3FC9];
	(tm) =	ssettm $0x1  }
0x91: {  	s18 =	sld [smem:$0x3FFB];
	_ =	sdelay $0x3  }
0x92: {  	_ =	strace s18  }
0x93: {  	s3 =	sld [smem:$0x3FFC];
	_ =	sdelay $0x3  }
0x94: {  	_ =	strace s3  }
0x95: {  	s3 =	sld [smem:$0x3FFD];
	_ =	sdelay $0x3  }
0x96: {  	_ =	strace s3  }
0x97: {  	_ =	strace $0x8FFFFFFF  }
0x98: {  	s19 =	sld [smem:$0x3FDB];
	_ =	sdelay $0x1  }
0x99: {  	s4 =	simm.s32 $_scs_section_size  }
0x9a: {  	s5 =	simm.s32 $_size__tile_overlayer_lowered;
	s6 =	simm.s32 $_tile_overlayer_lowered  }
0x9b: {  	s22 =	simm.s32 $0x1BFF;
	s21 =	sshll.u32 s6, $0x1;
	s3 =	sadd.s32 s4, s19  }
0x9c: {  	s7 =	simm.s32 $0x0;
	s20 =	sshll.u32 s5, $0x1;
	s5 =	sadd.s32 s21, s3  }
0x9d: {  	[timem:s7], [sflag:s22] =	dma.local [hbm:s5], s20  }
0x9e: {  	_ =	swait.ge [sflag:s22], s20  }
0x9f: {  	s4 =	ssub.s32 $0x0, s20;
	[sflag:s22] =	ssyncset.done $0x0  }
0xa0: {  	[sflag:s22] =	ssyncadd.s32 s4;
	_ =	sdelay $0x1  }
0xa1: {  	s23 =	simm.s32 $0x1B8B  }
0xa2: {  	_ =	swait.ge [sflag:s23], $0x1  }
0xa3: {  	[sflag:s23] =	ssyncset.done $0x0  }
0xa4: {  	s25 =	simm.s32 $0x1B8E;
	s24 =	sld [smem:$0x3FFE];
	[sflag:s23] =	ssyncadd.s32 $0xFFFFFFFF  }
0xa5: {  	s26 =	simm.s32 $execute0_lowered;
	[smem:$0x3FD2] =	sst s25  }
0xa6: {  	s5 =	sshll.u32 s26, $0x1;
	_ =	strace $0x80000046;
	[dreg:$0x1] =	wrdreg $0xFFFFFFFF  }
0xa7: {  	s28 =	simm.s32 $_size_execute0_lowered;
	s3 =	sadd.s32 s3, s5;
	[dreg:$0x0] =	wrdreg $0x0  }
0xa8: {  	s5 =	sshll.u32 s28, $0x1;
	[dreg:$0x2] =	wrdreg s3  }
0xa9: {  	[dreg:$0x3] =	wrdreg s5  }
0xaa: {  	[dreg:$0x4] =	wrdreg $0xC0  }
0xab: {  	_ =	task [dreg:s7], $0x5FFFF  }
0xac: {  	[dreg:$0x1] =	wrdreg $0xFFFFFFFF  }
0xad: {  	[dreg:$0x0] =	wrdreg $0x60  }
0xae: {  	[dreg:$0x2] =	wrdreg s2  }
0xaf: {  	[dreg:$0x3] =	wrdreg s24  }
0xb0: {  	[dreg:$0x4] =	wrdreg $0x9  }
0xb1: {  	_ =	task.clear_ibuf [dreg:s7], $0x5FFFF;
	_ =	strace $0x90000046  }
0xb2: {  	s29 =	simm.s32 $0x9;
	_ =	strace $0x80000048  }
0xb3: {  	_ =	swait.ge [sflag:s29], $0x1  }
0xb4: {  	[sflag:s29] =	ssyncadd.s32 $0xFFFFFFFF  }
0xb5: {  	_ =	strace $0x90000048  }
0xb6: {  	_ =	sfence  }
0xb7: {  	s30 =	sld [smem:$0x0];
	_ =	sdelay $0x2  }
0xb8: {  	s31 =	sshll.u32 s1, $0xD;
	s1 =	sshrl.u32 s1, $0x2  }
0xb9: {  	s3 =	sand.u32 $0x4000, s31;
	s1 =	sadd.s32 s1, s30  }
0xba: {  	s0 =	sor.u32 s3, s0;
	s1 =	sshll.u32 s1, $0x11  }
0xbb: {  	s0 =	sor.u32 s1, s0  }
0xbc: {  	s0 =	sadd.s32 $0x8F2B, s0  }
0xbd: {  	[sflag:s0] =	ssyncadd.remote.s32 $0x1  }
0xbe: {  	_ =	sfence.sel $0xFFFF  }
0xbf: {  	[dreg:$0x0] =	wrdreg $0xFFFFFFFF;
	(pc) =	sbr.abs _section_cstart, $3  }
0xc0: {  	[dreg:$0x1] =	wrdreg $0xFFFFFFFF  }
0xc1: {  	_ =	task.clear_ibuf [dreg:s7], $0x2FFFF;
	_ =	strace $0x9FFFFFFF  }
0xc2: {  	(tm) =	ssettm $0x7FFFFFFF  }
0xc3: {  	_ =	shalt  }
tec
execute0_lowered:
.L_overlay_start_1:
0x0: {  	(tag) =	ssettag $0x1  }
0x1: {  	s0 =	srdreg.scid;
	s2 =	rddreg [dreg:$0x0]  }
0x2: {  	s3 =	stileid.u32;
	s1 =	rddreg [dreg:$0x1]  }
0x3: {  	s26 =	simm.s32 $0x80;
	s15 =	simm.s32 $0x1;
	s18 =	simm.s32 $0x1100  }
0x4: {  	s19 =	simm.s32 $0x1900;
	s20 =	simm.s32 $0x2100;
	s21 =	simm.s32 $0x2900  }
0x5: {  	s22 =	simm.s32 $0x3100;
	s23 =	simm.s32 $0x3900;
	s28 =	simm.s32 $0x5900  }
0x6: {  	s29 =	simm.s32 $0x6100;
	s30 =	simm.s32 $0x6900;
	s31 =	simm.s32 $0x7100  }
0x7: {  	s11 =	simm.s32 $0x8900;
	s12 =	simm.s32 $0x9100;
	s13 =	simm.s32 $0x9900  }
0x8: {  	s14 =	simm.s32 $0xA100;
	s10 =	simm.s32 $0xA900;
	s0 =	sand.u32 $0x1, s0  }
0x9: {  	s4 =	sshll.u32 s3, $0x5;
	s3 =	simm.s32 $0x0;
	s7 =	sadd.s32 $0xAB00, s1  }
0xa: {  	s8 =	sadd.s32 $0xAC00, s1;
	s5 =	sshll.u32 s0, $0x4;
	[smem:$0x7FF] =	sst s3  }
0xb: {  	s0 =	ssub.s32 $0x2, s0;
	s4 =	sor.u32 s5, s4;
	_ =	strace $0x80000047  }
0xc: {  	s6 =	sshrl.u32 s0, $0x1;
	s5 =	sadd.s32 $0x100, s2;
	[dreg:$0x5] =	wrdreg s26  }
0xd: {  	s26 =	simm.s32 $0x5100;
	s4 =	sadd.s32 s4, s1;
	s0 =	ssub.s32 s0, s6  }
0xe: {  	v2 =	vlaneseq.u32;
	s6 =	sadd.s32 $0x200, s2;
	s24 =	sadd.s32 $0x2400, s4;
	s25 =	sadd.s32 $0x2600, s4  }
0xf: {  	vm0 =	vmmov $0xffff;
	v1 =	vshrl.u32 v2, $0x3;
	s4 =	sadd.s32 $0xAA00, s1;
	s9 =	smax.u32 s0, $0x1;
	[dreg:$0x3] =	wrdreg s24  }
0x10: {  	v0 =	vand.u32 $0x7, v2;
	v2 =	vor.u32 $0x8, v2;
	v1 =	vmul.u32 $0x8, v1;
	[dreg:$0x4] =	wrdreg s25;
	s24 =	simm.s32 $0x4100;
	s25 =	simm.s32 $0x4900  }
.LBB2_1:
0x11: {  	s16 =	rddreg [dreg:$0x3];
	s0 =	simm.s32 $0x2  }
0x12: {  	[tilespmem:s3], [sflag:$0x2] =	stream.linear.gather [hbm4b:s16+s3], $0x80, $0x38;
	[tilespmem:$0x18100] =	vst v63  }
0x13: {  	_ =	swait.ge [sflag:s0], $0x80  }
0x14: {  	s1 =	rddreg [dreg:$0x4];
	[sflag:s0] =	ssyncset.done $0x0  }
0x15: {  	s17 =	rddreg [dreg:$0x5];
	[sflag:s0] =	ssyncadd.s32 $0xFFFFFF80  }
0x16: {  	[tilespmem:s17], [sflag:$0x2] =	stream.linear.gather [hbm4b:s1+s3], $0x80, $0x38;
	[tilespmem:$0x18100] =	vst v63  }
0x17: {  	_ =	swait.ge [sflag:s0], $0x80  }
0x18: {  	[sflag:s0] =	ssyncset.done $0x0  }
0x19: {  	[sflag:s0] =	ssyncadd.s32 $0xFFFFFF80  }
0x1a: {  	v3 =	vld [tilespmem:$0x0];
	_ =	sdelay $0x4  }
0x1b: {  	v4 =	vshrl.u32 v3, $0x3  }
0x1c: {  	v4 =	vmul.u32 $0x30, v4  }
0x1d: {  	v3 =	vand.u32 $0x7, v3  }
0x1e: {  	v3 =	vor.u32 v3, v4  }
0x1f: {  	v4 =	vperm.xlane v3, v0;
	_ =	sdelay $0x1  }
0x20: {  	v4 =	vadd.s32 v1, v4;
	_ =	sdelay $0x3  }
0x21: {  	s16 =	simm.s32 $0x100;
	v3 =	vperm.xlane v3, v2  }
0x22: {  	[tilespmem:s16], [sflag:$0x1] =	stream.indirect_vreg.gather [hbm4b:s2+s3], $0x80, v4, vm0, $0xb8;
	[tilespmem:$0x18100] =	vst v63  }
0x23: {  	s17 =	simm.s32 $0x900;
	v3 =	vadd.s32 v1, v3  }
0x24: {  	[tilespmem:s17], [sflag:$0x1] =	stream.indirect_vreg.gather [hbm4b:s5+s3], $0x80, v4, vm0, $0xb8;
	[tilespmem:$0x18100] =	vst v63  }
0x25: {  	_ = 	snop  }
0x26: {  	[tilespmem:s18], [sflag:$0x1] =	stream.indirect_vreg.gather [hbm4b:s6+s3], $0x80, v4, vm0, $0xb8;
	[tilespmem:$0x18100] =	vst v63  }
0x27: {  	_ = 	snop  }
0x28: {  	[tilespmem:s19], [sflag:$0x1] =	stream.indirect_vreg.gather [hbm4b:s2+s3], $0x80, v3, vm0, $0xb8;
	[tilespmem:$0x18100] =	vst v63  }
0x29: {  	_ = 	snop  }
0x2a: {  	[tilespmem:s20], [sflag:$0x1] =	stream.indirect_vreg.gather [hbm4b:s5+s3], $0x80, v3, vm0, $0xb8;
	[tilespmem:$0x18100] =	vst v63  }
0x2b: {  	_ = 	snop  }
0x2c: {  	[tilespmem:s21], [sflag:$0x1] =	stream.indirect_vreg.gather [hbm4b:s6+s3], $0x80, v3, vm0, $0xb8;
	[tilespmem:$0x18100] =	vst v63  }
0x2d: {  	v3 =	vld [tilespmem:$0x10];
	_ =	sdelay $0x4  }
0x2e: {  	v49 =	vshrl.u32 v3, $0x3  }
0x2f: {  	v4 =	vmul.u32 $0x30, v49  }
0x30: {  	v3 =	vand.u32 $0x7, v3  }
0x31: {  	v3 =	vor.u32 v3, v4  }
0x32: {  	v4 =	vperm.xlane v3, v0;
	_ =	sdelay $0x1  }
0x33: {  	v4 =	vadd.s32 v1, v4;
	_ =	sdelay $0x3  }
0x34: {  	v3 =	vperm.xlane v3, v2  }
0x35: {  	[tilespmem:s22], [sflag:$0x1] =	stream.indirect_vreg.gather [hbm4b:s2+s3], $0x80, v4, vm0, $0xb8;
	[tilespmem:$0x18100] =	vst v63  }
0x36: {  	v3 =	vadd.s32 v1, v3  }
0x37: {  	[tilespmem:s23], [sflag:$0x1] =	stream.indirect_vreg.gather [hbm4b:s5+s3], $0x80, v4, vm0, $0xb8;
	[tilespmem:$0x18100] =	vst v63  }
0x38: {  	_ = 	snop  }
0x39: {  	[tilespmem:s24], [sflag:$0x1] =	stream.indirect_vreg.gather [hbm4b:s6+s3], $0x80, v4, vm0, $0xb8;
	[tilespmem:$0x18100] =	vst v63  }
0x3a: {  	_ = 	snop  }
0x3b: {  	[tilespmem:s25], [sflag:$0x1] =	stream.indirect_vreg.gather [hbm4b:s2+s3], $0x80, v3, vm0, $0xb8;
	[tilespmem:$0x18100] =	vst v63  }
0x3c: {  	_ = 	snop  }
0x3d: {  	[tilespmem:s26], [sflag:$0x1] =	stream.indirect_vreg.gather [hbm4b:s5+s3], $0x80, v3, vm0, $0xb8;
	[tilespmem:$0x18100] =	vst v63  }
0x3e: {  	_ = 	snop  }
0x3f: {  	[tilespmem:s28], [sflag:$0x1] =	stream.indirect_vreg.gather [hbm4b:s6+s3], $0x80, v3, vm0, $0xb8;
	[tilespmem:$0x18100] =	vst v63  }
0x40: {  	v3 =	vld [tilespmem:$0x20];
	_ =	sdelay $0x4  }
0x41: {  	v50 =	vshrl.u32 v3, $0x3  }
0x42: {  	v4 =	vmul.u32 $0x30, v50  }
0x43: {  	v3 =	vand.u32 $0x7, v3  }
0x44: {  	v3 =	vor.u32 v3, v4  }
0x45: {  	v4 =	vperm.xlane v3, v0;
	_ =	sdelay $0x1  }
0x46: {  	v4 =	vadd.s32 v1, v4;
	_ =	sdelay $0x3  }
0x47: {  	v3 =	vperm.xlane v3, v2  }
0x48: {  	[tilespmem:s29], [sflag:$0x1] =	stream.indirect_vreg.gather [hbm4b:s2+s3], $0x80, v4, vm0, $0xb8;
	[tilespmem:$0x18100] =	vst v63  }
0x49: {  	v3 =	vadd.s32 v1, v3  }
0x4a: {  	[tilespmem:s30], [sflag:$0x1] =	stream.indirect_vreg.gather [hbm4b:s5+s3], $0x80, v4, vm0, $0xb8;
	[tilespmem:$0x18100] =	vst v63  }
0x4b: {  	_ = 	snop  }
0x4c: {  	[tilespmem:s31], [sflag:$0x1] =	stream.indirect_vreg.gather [hbm4b:s6+s3], $0x80, v4, vm0, $0xb8;
	[tilespmem:$0x18100] =	vst v63  }
0x4d: {  	s1 =	simm.s32 $0x7900  }
0x4e: {  	[tilespmem:s1], [sflag:$0x1] =	stream.indirect_vreg.gather [hbm4b:s2+s3], $0x80, v3, vm0, $0xb8;
	[tilespmem:$0x18100] =	vst v63  }
0x4f: {  	s0 =	simm.s32 $0x8100  }
0x50: {  	[tilespmem:s0], [sflag:$0x1] =	stream.indirect_vreg.gather [hbm4b:s5+s3], $0x80, v3, vm0, $0xb8;
	[tilespmem:$0x18100] =	vst v63  }
0x51: {  	_ = 	snop  }
0x52: {  	[tilespmem:s11], [sflag:$0x1] =	stream.indirect_vreg.gather [hbm4b:s6+s3], $0x80, v3, vm0, $0xb8;
	[tilespmem:$0x18100] =	vst v63  }
0x53: {  	v3 =	vld [tilespmem:$0x30];
	_ =	sdelay $0x4  }
0x54: {  	v51 =	vshrl.u32 v3, $0x3  }
0x55: {  	v4 =	vmul.u32 $0x30, v51  }
0x56: {  	v3 =	vand.u32 $0x7, v3  }
0x57: {  	v3 =	vor.u32 v3, v4  }
0x58: {  	v4 =	vperm.xlane v3, v0;
	_ =	sdelay $0x1  }
0x59: {  	v4 =	vadd.s32 v1, v4;
	_ =	sdelay $0x3  }
0x5a: {  	v3 =	vperm.xlane v3, v2  }
0x5b: {  	[tilespmem:s12], [sflag:$0x1] =	stream.indirect_vreg.gather [hbm4b:s2+s3], $0x80, v4, vm0, $0xb8;
	[tilespmem:$0x18100] =	vst v63  }
0x5c: {  	v3 =	vadd.s32 v1, v3  }
0x5d: {  	[tilespmem:s13], [sflag:$0x1] =	stream.indirect_vreg.gather [hbm4b:s5+s3], $0x80, v4, vm0, $0xb8;
	[tilespmem:$0x18100] =	vst v63  }
0x5e: {  	_ = 	snop  }
0x5f: {  	[tilespmem:s14], [sflag:$0x1] =	stream.indirect_vreg.gather [hbm4b:s6+s3], $0x80, v4, vm0, $0xb8;
	[tilespmem:$0x18100] =	vst v63  }
0x60: {  	_ = 	snop  }
0x61: {  	[tilespmem:s10], [sflag:$0x1] =	stream.indirect_vreg.gather [hbm4b:s2+s3], $0x80, v3, vm0, $0xb8;
	[tilespmem:$0x18100] =	vst v63  }
0x62: {  	s0 =	simm.s32 $0xB100  }
0x63: {  	[tilespmem:s0], [sflag:$0x1] =	stream.indirect_vreg.gather [hbm4b:s5+s3], $0x80, v3, vm0, $0xb8;
	[tilespmem:$0x18100] =	vst v63  }
0x64: {  	s0 =	simm.s32 $0xB900  }
0x65: {  	[tilespmem:s0], [sflag:$0x1] =	stream.indirect_vreg.gather [hbm4b:s6+s3], $0x80, v3, vm0, $0xb8;
	[tilespmem:$0x18100] =	vst v63  }
0x66: {  	v3 =	vld [tilespmem:$0x40];
	_ =	sdelay $0x4  }
0x67: {  	v52 =	vshrl.u32 v3, $0x3  }
0x68: {  	v4 =	vmul.u32 $0x30, v52  }
0x69: {  	v3 =	vand.u32 $0x7, v3  }
0x6a: {  	v3 =	vor.u32 v3, v4  }
0x6b: {  	v4 =	vperm.xlane v3, v0;
	_ =	sdelay $0x1  }
0x6c: {  	v4 =	vadd.s32 v1, v4;
	_ =	sdelay $0x3  }
0x6d: {  	s0 =	simm.s32 $0xC100;
	v3 =	vperm.xlane v3, v2  }
0x6e: {  	[tilespmem:s0], [sflag:$0x1] =	stream.indirect_vreg.gather [hbm4b:s2+s3], $0x80, v4, vm0, $0xb8;
	[tilespmem:$0x18100] =	vst v63  }
0x6f: {  	v3 =	vadd.s32 v1, v3;
	s0 =	simm.s32 $0xC900  }
0x70: {  	[tilespmem:s0], [sflag:$0x1] =	stream.indirect_vreg.gather [hbm4b:s5+s3], $0x80, v4, vm0, $0xb8;
	[tilespmem:$0x18100] =	vst v63  }
0x71: {  	s0 =	simm.s32 $0xD100  }
0x72: {  	[tilespmem:s0], [sflag:$0x1] =	stream.indirect_vreg.gather [hbm4b:s6+s3], $0x80, v4, vm0, $0xb8;
	[tilespmem:$0x18100] =	vst v63  }
0x73: {  	s0 =	simm.s32 $0xD900  }
0x74: {  	[tilespmem:s0], [sflag:$0x1] =	stream.indirect_vreg.gather [hbm4b:s2+s3], $0x80, v3, vm0, $0xb8;
	[tilespmem:$0x18100] =	vst v63  }
0x75: {  	s0 =	simm.s32 $0xE100  }
0x76: {  	[tilespmem:s0], [sflag:$0x1] =	stream.indirect_vreg.gather [hbm4b:s5+s3], $0x80, v3, vm0, $0xb8;
	[tilespmem:$0x18100] =	vst v63  }
0x77: {  	s0 =	simm.s32 $0xE900  }
0x78: {  	[tilespmem:s0], [sflag:$0x1] =	stream.indirect_vreg.gather [hbm4b:s6+s3], $0x80, v3, vm0, $0xb8;
	[tilespmem:$0x18100] =	vst v63  }
0x79: {  	v3 =	vld [tilespmem:$0x50];
	_ =	sdelay $0x4  }
0x7a: {  	v53 =	vshrl.u32 v3, $0x3  }
0x7b: {  	v4 =	vmul.u32 $0x30, v53  }
0x7c: {  	v3 =	vand.u32 $0x7, v3  }
0x7d: {  	v3 =	vor.u32 v3, v4  }
0x7e: {  	v4 =	vperm.xlane v3, v0;
	_ =	sdelay $0x1  }
0x7f: {  	v4 =	vadd.s32 v1, v4;
	_ =	sdelay $0x3  }
0x80: {  	s0 =	simm.s32 $0xF100;
	v3 =	vperm.xlane v3, v2  }
0x81: {  	[tilespmem:s0], [sflag:$0x1] =	stream.indirect_vreg.gather [hbm4b:s2+s3], $0x80, v4, vm0, $0xb8;
	[tilespmem:$0x18100] =	vst v63  }
0x82: {  	v3 =	vadd.s32 v1, v3;
	s0 =	simm.s32 $0xF900  }
0x83: {  	[tilespmem:s0], [sflag:$0x1] =	stream.indirect_vreg.gather [hbm4b:s5+s3], $0x80, v4, vm0, $0xb8;
	[tilespmem:$0x18100] =	vst v63  }
0x84: {  	s0 =	simm.s32 $0x10100  }
0x85: {  	[tilespmem:s0], [sflag:$0x1] =	stream.indirect_vreg.gather [hbm4b:s6+s3], $0x80, v4, vm0, $0xb8;
	[tilespmem:$0x18100] =	vst v63  }
0x86: {  	s0 =	simm.s32 $0x10900  }
0x87: {  	[tilespmem:s0], [sflag:$0x1] =	stream.indirect_vreg.gather [hbm4b:s2+s3], $0x80, v3, vm0, $0xb8;
	[tilespmem:$0x18100] =	vst v63  }
0x88: {  	s0 =	simm.s32 $0x11100  }
0x89: {  	[tilespmem:s0], [sflag:$0x1] =	stream.indirect_vreg.gather [hbm4b:s5+s3], $0x80, v3, vm0, $0xb8;
	[tilespmem:$0x18100] =	vst v63  }
0x8a: {  	s0 =	simm.s32 $0x11900  }
0x8b: {  	[tilespmem:s0], [sflag:$0x1] =	stream.indirect_vreg.gather [hbm4b:s6+s3], $0x80, v3, vm0, $0xb8;
	[tilespmem:$0x18100] =	vst v63  }
0x8c: {  	v3 =	vld [tilespmem:$0x60];
	_ =	sdelay $0x4  }
0x8d: {  	v54 =	vshrl.u32 v3, $0x3  }
0x8e: {  	v4 =	vmul.u32 $0x30, v54  }
0x8f: {  	v3 =	vand.u32 $0x7, v3  }
0x90: {  	v3 =	vor.u32 v3, v4  }
0x91: {  	v4 =	vperm.xlane v3, v0;
	_ =	sdelay $0x1  }
0x92: {  	v4 =	vadd.s32 v1, v4;
	_ =	sdelay $0x3  }
0x93: {  	s0 =	simm.s32 $0x12100;
	v3 =	vperm.xlane v3, v2  }
0x94: {  	[tilespmem:s0], [sflag:$0x1] =	stream.indirect_vreg.gather [hbm4b:s2+s3], $0x80, v4, vm0, $0xb8;
	[tilespmem:$0x18100] =	vst v63  }
0x95: {  	v3 =	vadd.s32 v1, v3;
	s0 =	simm.s32 $0x12900  }
0x96: {  	[tilespmem:s0], [sflag:$0x1] =	stream.indirect_vreg.gather [hbm4b:s5+s3], $0x80, v4, vm0, $0xb8;
	[tilespmem:$0x18100] =	vst v63  }
0x97: {  	s0 =	simm.s32 $0x13100  }
0x98: {  	[tilespmem:s0], [sflag:$0x1] =	stream.indirect_vreg.gather [hbm4b:s6+s3], $0x80, v4, vm0, $0xb8;
	[tilespmem:$0x18100] =	vst v63  }
0x99: {  	s0 =	simm.s32 $0x13900  }
0x9a: {  	[tilespmem:s0], [sflag:$0x1] =	stream.indirect_vreg.gather [hbm4b:s2+s3], $0x80, v3, vm0, $0xb8;
	[tilespmem:$0x18100] =	vst v63  }
0x9b: {  	s0 =	simm.s32 $0x14100  }
0x9c: {  	[tilespmem:s0], [sflag:$0x1] =	stream.indirect_vreg.gather [hbm4b:s5+s3], $0x80, v3, vm0, $0xb8;
	[tilespmem:$0x18100] =	vst v63  }
0x9d: {  	s0 =	simm.s32 $0x14900  }
0x9e: {  	[tilespmem:s0], [sflag:$0x1] =	stream.indirect_vreg.gather [hbm4b:s6+s3], $0x80, v3, vm0, $0xb8;
	[tilespmem:$0x18100] =	vst v63  }
0x9f: {  	v3 =	vld [tilespmem:$0x70];
	_ =	sdelay $0x4  }
0xa0: {  	v55 =	vshrl.u32 v3, $0x3  }
0xa1: {  	v4 =	vmul.u32 $0x30, v55  }
0xa2: {  	v3 =	vand.u32 $0x7, v3  }
0xa3: {  	v3 =	vor.u32 v3, v4  }
0xa4: {  	v4 =	vperm.xlane v3, v0;
	_ =	sdelay $0x1  }
0xa5: {  	v4 =	vadd.s32 v1, v4;
	_ =	sdelay $0x3  }
0xa6: {  	s0 =	simm.s32 $0x15100;
	v3 =	vperm.xlane v3, v2  }
0xa7: {  	[tilespmem:s0], [sflag:$0x1] =	stream.indirect_vreg.gather [hbm4b:s2+s3], $0x80, v4, vm0, $0xb8;
	[tilespmem:$0x18100] =	vst v63  }
0xa8: {  	v3 =	vadd.s32 v1, v3;
	s0 =	simm.s32 $0x15900  }
0xa9: {  	[tilespmem:s0], [sflag:$0x1] =	stream.indirect_vreg.gather [hbm4b:s5+s3], $0x80, v4, vm0, $0xb8;
	[tilespmem:$0x18100] =	vst v63  }
0xaa: {  	s0 =	simm.s32 $0x16100  }
0xab: {  	[tilespmem:s0], [sflag:$0x1] =	stream.indirect_vreg.gather [hbm4b:s6+s3], $0x80, v4, vm0, $0xb8;
	[tilespmem:$0x18100] =	vst v63  }
0xac: {  	s0 =	simm.s32 $0x16900  }
0xad: {  	[tilespmem:s0], [sflag:$0x1] =	stream.indirect_vreg.gather [hbm4b:s2+s3], $0x80, v3, vm0, $0xb8;
	[tilespmem:$0x18100] =	vst v63  }
0xae: {  	s0 =	simm.s32 $0x17100  }
0xaf: {  	[tilespmem:s0], [sflag:$0x1] =	stream.indirect_vreg.gather [hbm4b:s5+s3], $0x80, v3, vm0, $0xb8;
	[tilespmem:$0x18100] =	vst v63  }
0xb0: {  	s0 =	simm.s32 $0x17900  }
0xb1: {  	[tilespmem:s0], [sflag:$0x1] =	stream.indirect_vreg.gather [hbm4b:s6+s3], $0x80, v3, vm0, $0xb8;
	[tilespmem:$0x18100] =	vst v63  }
0xb2: {  	_ =	swait.ge [sflag:s15], $0x18000  }
0xb3: {  	[sflag:s15] =	ssyncset.done $0x0  }
0xb4: {  	[sflag:s15] =	ssyncadd.s32 $0xFFFE8000  }
0xb5: {  	v3 =	vld [tilespmem:$0x80];
	_ =	sdelay $0x4  }
0xb6: {  	v56 =	vshrl.u32 v3, $0x3  }
0xb7: {  	v4 =	vmul.u32 $0x30, v56  }
0xb8: {  	v3 =	vand.u32 $0x7, v3  }
0xb9: {  	v3 =	vor.u32 v3, v4  }
0xba: {  	v4 =	vperm.xlane v3, v0;
	_ =	sdelay $0x1  }
0xbb: {  	v4 =	vadd.s32 v1, v4;
	_ =	sdelay $0x3  }
0xbc: {  	v3 =	vperm.xlane v3, v2  }
0xbd: {  	[hbm4b:s4+s3] =	stream.indirect_vreg.scatter [tilespmem:s16], [sflag:$0x1], $0x80, v4, vm0, $0xb8;
	[tilespmem:$0x18100] =	vst v63  }
0xbe: {  	v3 =	vadd.s32 v1, v3  }
0xbf: {  	[hbm4b:s7+s3] =	stream.indirect_vreg.scatter [tilespmem:s17], [sflag:$0x1], $0x80, v4, vm0, $0xb8;
	[tilespmem:$0x18100] =	vst v63  }
0xc0: {  	_ = 	snop  }
0xc1: {  	[hbm4b:s8+s3] =	stream.indirect_vreg.scatter [tilespmem:s18], [sflag:$0x1], $0x80, v4, vm0, $0xb8;
	[tilespmem:$0x18100] =	vst v63  }
0xc2: {  	_ = 	snop  }
0xc3: {  	[hbm4b:s4+s3] =	stream.indirect_vreg.scatter [tilespmem:s19], [sflag:$0x1], $0x80, v3, vm0, $0xb8;
	[tilespmem:$0x18100] =	vst v63  }
0xc4: {  	_ = 	snop  }
0xc5: {  	[hbm4b:s7+s3] =	stream.indirect_vreg.scatter [tilespmem:s20], [sflag:$0x1], $0x80, v3, vm0, $0xb8;
	[tilespmem:$0x18100] =	vst v63  }
0xc6: {  	_ = 	snop  }
0xc7: {  	[hbm4b:s8+s3] =	stream.indirect_vreg.scatter [tilespmem:s21], [sflag:$0x1], $0x80, v3, vm0, $0xb8;
	[tilespmem:$0x18100] =	vst v63  }
0xc8: {  	v3 =	vld [tilespmem:$0x90];
	_ =	sdelay $0x4  }
0xc9: {  	v57 =	vshrl.u32 v3, $0x3  }
0xca: {  	v4 =	vmul.u32 $0x30, v57  }
0xcb: {  	v3 =	vand.u32 $0x7, v3  }
0xcc: {  	v3 =	vor.u32 v3, v4  }
0xcd: {  	v4 =	vperm.xlane v3, v0;
	_ =	sdelay $0x1  }
0xce: {  	v4 =	vadd.s32 v1, v4;
	_ =	sdelay $0x3  }
0xcf: {  	v3 =	vperm.xlane v3, v2  }
0xd0: {  	[hbm4b:s4+s3] =	stream.indirect_vreg.scatter [tilespmem:s22], [sflag:$0x1], $0x80, v4, vm0, $0xb8;
	[tilespmem:$0x18100] =	vst v63  }
0xd1: {  	v3 =	vadd.s32 v1, v3  }
0xd2: {  	[hbm4b:s7+s3] =	stream.indirect_vreg.scatter [tilespmem:s23], [sflag:$0x1], $0x80, v4, vm0, $0xb8;
	[tilespmem:$0x18100] =	vst v63  }
0xd3: {  	_ = 	snop  }
0xd4: {  	[hbm4b:s8+s3] =	stream.indirect_vreg.scatter [tilespmem:s24], [sflag:$0x1], $0x80, v4, vm0, $0xb8;
	[tilespmem:$0x18100] =	vst v63  }
0xd5: {  	_ = 	snop  }
0xd6: {  	[hbm4b:s4+s3] =	stream.indirect_vreg.scatter [tilespmem:s25], [sflag:$0x1], $0x80, v3, vm0, $0xb8;
	[tilespmem:$0x18100] =	vst v63  }
0xd7: {  	_ = 	snop  }
0xd8: {  	[hbm4b:s7+s3] =	stream.indirect_vreg.scatter [tilespmem:s26], [sflag:$0x1], $0x80, v3, vm0, $0xb8;
	[tilespmem:$0x18100] =	vst v63  }
0xd9: {  	_ = 	snop  }
0xda: {  	[hbm4b:s8+s3] =	stream.indirect_vreg.scatter [tilespmem:s28], [sflag:$0x1], $0x80, v3, vm0, $0xb8;
	[tilespmem:$0x18100] =	vst v63  }
0xdb: {  	v3 =	vld [tilespmem:$0xA0];
	_ =	sdelay $0x4  }
0xdc: {  	v58 =	vshrl.u32 v3, $0x3  }
0xdd: {  	v4 =	vmul.u32 $0x30, v58  }
0xde: {  	v3 =	vand.u32 $0x7, v3  }
0xdf: {  	v3 =	vor.u32 v3, v4  }
0xe0: {  	v4 =	vperm.xlane v3, v0;
	_ =	sdelay $0x1  }
0xe1: {  	v4 =	vadd.s32 v1, v4;
	_ =	sdelay $0x3  }
0xe2: {  	v3 =	vperm.xlane v3, v2  }
0xe3: {  	[hbm4b:s4+s3] =	stream.indirect_vreg.scatter [tilespmem:s29], [sflag:$0x1], $0x80, v4, vm0, $0xb8;
	[tilespmem:$0x18100] =	vst v63  }
0xe4: {  	v3 =	vadd.s32 v1, v3  }
0xe5: {  	[hbm4b:s7+s3] =	stream.indirect_vreg.scatter [tilespmem:s30], [sflag:$0x1], $0x80, v4, vm0, $0xb8;
	[tilespmem:$0x18100] =	vst v63  }
0xe6: {  	_ = 	snop  }
0xe7: {  	[hbm4b:s8+s3] =	stream.indirect_vreg.scatter [tilespmem:s31], [sflag:$0x1], $0x80, v4, vm0, $0xb8;
	[tilespmem:$0x18100] =	vst v63  }
0xe8: {  	_ = 	snop  }
0xe9: {  	[hbm4b:s4+s3] =	stream.indirect_vreg.scatter [tilespmem:s1], [sflag:$0x1], $0x80, v3, vm0, $0xb8;
	[tilespmem:$0x18100] =	vst v63  }
0xea: {  	s16 =	simm.s32 $0x8100  }
0xeb: {  	[hbm4b:s7+s3] =	stream.indirect_vreg.scatter [tilespmem:s16], [sflag:$0x1], $0x80, v3, vm0, $0xb8;
	[tilespmem:$0x18100] =	vst v63  }
0xec: {  	_ = 	snop  }
0xed: {  	[hbm4b:s8+s3] =	stream.indirect_vreg.scatter [tilespmem:s11], [sflag:$0x1], $0x80, v3, vm0, $0xb8;
	[tilespmem:$0x18100] =	vst v63  }
0xee: {  	v3 =	vld [tilespmem:$0xB0];
	_ =	sdelay $0x4  }
0xef: {  	v59 =	vshrl.u32 v3, $0x3  }
0xf0: {  	v4 =	vmul.u32 $0x30, v59  }
0xf1: {  	v3 =	vand.u32 $0x7, v3  }
0xf2: {  	v3 =	vor.u32 v3, v4  }
0xf3: {  	v4 =	vperm.xlane v3, v0;
	_ =	sdelay $0x1  }
0xf4: {  	v4 =	vadd.s32 v1, v4;
	_ =	sdelay $0x3  }
0xf5: {  	v3 =	vperm.xlane v3, v2  }
0xf6: {  	[hbm4b:s4+s3] =	stream.indirect_vreg.scatter [tilespmem:s12], [sflag:$0x1], $0x80, v4, vm0, $0xb8;
	[tilespmem:$0x18100] =	vst v63  }
0xf7: {  	v3 =	vadd.s32 v1, v3  }
0xf8: {  	[hbm4b:s7+s3] =	stream.indirect_vreg.scatter [tilespmem:s13], [sflag:$0x1], $0x80, v4, vm0, $0xb8;
	[tilespmem:$0x18100] =	vst v63  }
0xf9: {  	_ = 	snop  }
0xfa: {  	[hbm4b:s8+s3] =	stream.indirect_vreg.scatter [tilespmem:s14], [sflag:$0x1], $0x80, v4, vm0, $0xb8;
	[tilespmem:$0x18100] =	vst v63  }
0xfb: {  	_ = 	snop  }
0xfc: {  	[hbm4b:s4+s3] =	stream.indirect_vreg.scatter [tilespmem:s10], [sflag:$0x1], $0x80, v3, vm0, $0xb8;
	[tilespmem:$0x18100] =	vst v63  }
0xfd: {  	s17 =	simm.s32 $0xB100  }
0xfe: {  	[hbm4b:s7+s3] =	stream.indirect_vreg.scatter [tilespmem:s17], [sflag:$0x1], $0x80, v3, vm0, $0xb8;
	[tilespmem:$0x18100] =	vst v63  }
0xff: {  	s16 =	simm.s32 $0xB900  }
0x100: {  	[hbm4b:s8+s3] =	stream.indirect_vreg.scatter [tilespmem:s16], [sflag:$0x1], $0x80, v3, vm0, $0xb8;
	[tilespmem:$0x18100] =	vst v63  }
0x101: {  	v3 =	vld [tilespmem:$0xC0];
	_ =	sdelay $0x4  }
0x102: {  	v60 =	vshrl.u32 v3, $0x3  }
0x103: {  	v4 =	vmul.u32 $0x30, v60  }
0x104: {  	v3 =	vand.u32 $0x7, v3  }
0x105: {  	v3 =	vor.u32 v3, v4  }
0x106: {  	v4 =	vperm.xlane v3, v0;
	_ =	sdelay $0x1  }
0x107: {  	v4 =	vadd.s32 v1, v4;
	_ =	sdelay $0x3  }
0x108: {  	s17 =	simm.s32 $0xC100;
	v3 =	vperm.xlane v3, v2  }
0x109: {  	[hbm4b:s4+s3] =	stream.indirect_vreg.scatter [tilespmem:s17], [sflag:$0x1], $0x80, v4, vm0, $0xb8;
	[tilespmem:$0x18100] =	vst v63  }
0x10a: {  	s16 =	simm.s32 $0xC900;
	v3 =	vadd.s32 v1, v3  }
0x10b: {  	[hbm4b:s7+s3] =	stream.indirect_vreg.scatter [tilespmem:s16], [sflag:$0x1], $0x80, v4, vm0, $0xb8;
	[tilespmem:$0x18100] =	vst v63  }
0x10c: {  	s17 =	simm.s32 $0xD100  }
0x10d: {  	[hbm4b:s8+s3] =	stream.indirect_vreg.scatter [tilespmem:s17], [sflag:$0x1], $0x80, v4, vm0, $0xb8;
	[tilespmem:$0x18100] =	vst v63  }
0x10e: {  	s16 =	simm.s32 $0xD900  }
0x10f: {  	[hbm4b:s4+s3] =	stream.indirect_vreg.scatter [tilespmem:s16], [sflag:$0x1], $0x80, v3, vm0, $0xb8;
	[tilespmem:$0x18100] =	vst v63  }
0x110: {  	s17 =	simm.s32 $0xE100  }
0x111: {  	[hbm4b:s7+s3] =	stream.indirect_vreg.scatter [tilespmem:s17], [sflag:$0x1], $0x80, v3, vm0, $0xb8;
	[tilespmem:$0x18100] =	vst v63  }
0x112: {  	s16 =	simm.s32 $0xE900  }
0x113: {  	[hbm4b:s8+s3] =	stream.indirect_vreg.scatter [tilespmem:s16], [sflag:$0x1], $0x80, v3, vm0, $0xb8;
	[tilespmem:$0x18100] =	vst v63  }
0x114: {  	v3 =	vld [tilespmem:$0xD0];
	_ =	sdelay $0x4  }
0x115: {  	v61 =	vshrl.u32 v3, $0x3  }
0x116: {  	v4 =	vmul.u32 $0x30, v61  }
0x117: {  	v3 =	vand.u32 $0x7, v3  }
0x118: {  	v3 =	vor.u32 v3, v4  }
0x119: {  	v4 =	vperm.xlane v3, v0;
	_ =	sdelay $0x1  }
0x11a: {  	v4 =	vadd.s32 v1, v4;
	_ =	sdelay $0x3  }
0x11b: {  	s17 =	simm.s32 $0xF100;
	v3 =	vperm.xlane v3, v2  }
0x11c: {  	[hbm4b:s4+s3] =	stream.indirect_vreg.scatter [tilespmem:s17], [sflag:$0x1], $0x80, v4, vm0, $0xb8;
	[tilespmem:$0x18100] =	vst v63  }
0x11d: {  	s16 =	simm.s32 $0xF900;
	v3 =	vadd.s32 v1, v3  }
0x11e: {  	[hbm4b:s7+s3] =	stream.indirect_vreg.scatter [tilespmem:s16], [sflag:$0x1], $0x80, v4, vm0, $0xb8;
	[tilespmem:$0x18100] =	vst v63  }
0x11f: {  	s17 =	simm.s32 $0x10100  }
0x120: {  	[hbm4b:s8+s3] =	stream.indirect_vreg.scatter [tilespmem:s17], [sflag:$0x1], $0x80, v4, vm0, $0xb8;
	[tilespmem:$0x18100] =	vst v63  }
0x121: {  	s16 =	simm.s32 $0x10900  }
0x122: {  	[hbm4b:s4+s3] =	stream.indirect_vreg.scatter [tilespmem:s16], [sflag:$0x1], $0x80, v3, vm0, $0xb8;
	[tilespmem:$0x18100] =	vst v63  }
0x123: {  	s17 =	simm.s32 $0x11100  }
0x124: {  	[hbm4b:s7+s3] =	stream.indirect_vreg.scatter [tilespmem:s17], [sflag:$0x1], $0x80, v3, vm0, $0xb8;
	[tilespmem:$0x18100] =	vst v63  }
0x125: {  	s16 =	simm.s32 $0x11900  }
0x126: {  	[hbm4b:s8+s3] =	stream.indirect_vreg.scatter [tilespmem:s16], [sflag:$0x1], $0x80, v3, vm0, $0xb8;
	[tilespmem:$0x18100] =	vst v63  }
0x127: {  	v3 =	vld [tilespmem:$0xE0];
	_ =	sdelay $0x4  }
0x128: {  	v62 =	vshrl.u32 v3, $0x3  }
0x129: {  	v4 =	vmul.u32 $0x30, v62  }
0x12a: {  	v3 =	vand.u32 $0x7, v3  }
0x12b: {  	v3 =	vor.u32 v3, v4  }
0x12c: {  	v4 =	vperm.xlane v3, v0;
	_ =	sdelay $0x1  }
0x12d: {  	v4 =	vadd.s32 v1, v4;
	_ =	sdelay $0x3  }
0x12e: {  	s17 =	simm.s32 $0x12100;
	v3 =	vperm.xlane v3, v2  }
0x12f: {  	[hbm4b:s4+s3] =	stream.indirect_vreg.scatter [tilespmem:s17], [sflag:$0x1], $0x80, v4, vm0, $0xb8;
	[tilespmem:$0x18100] =	vst v63  }
0x130: {  	s16 =	simm.s32 $0x12900;
	v3 =	vadd.s32 v1, v3  }
0x131: {  	[hbm4b:s7+s3] =	stream.indirect_vreg.scatter [tilespmem:s16], [sflag:$0x1], $0x80, v4, vm0, $0xb8;
	[tilespmem:$0x18100] =	vst v63  }
0x132: {  	s17 =	simm.s32 $0x13100  }
0x133: {  	[hbm4b:s8+s3] =	stream.indirect_vreg.scatter [tilespmem:s17], [sflag:$0x1], $0x80, v4, vm0, $0xb8;
	[tilespmem:$0x18100] =	vst v63  }
0x134: {  	s16 =	simm.s32 $0x13900  }
0x135: {  	[hbm4b:s4+s3] =	stream.indirect_vreg.scatter [tilespmem:s16], [sflag:$0x1], $0x80, v3, vm0, $0xb8;
	[tilespmem:$0x18100] =	vst v63  }
0x136: {  	s17 =	simm.s32 $0x14100  }
0x137: {  	[hbm4b:s7+s3] =	stream.indirect_vreg.scatter [tilespmem:s17], [sflag:$0x1], $0x80, v3, vm0, $0xb8;
	[tilespmem:$0x18100] =	vst v63  }
0x138: {  	s16 =	simm.s32 $0x14900  }
0x139: {  	[hbm4b:s8+s3] =	stream.indirect_vreg.scatter [tilespmem:s16], [sflag:$0x1], $0x80, v3, vm0, $0xb8;
	[tilespmem:$0x18100] =	vst v63  }
0x13a: {  	v3 =	vld [tilespmem:$0xF0];
	_ =	sdelay $0x4  }
0x13b: {  	v63 =	vshrl.u32 v3, $0x3  }
0x13c: {  	v4 =	vmul.u32 $0x30, v63  }
0x13d: {  	v3 =	vand.u32 $0x7, v3  }
0x13e: {  	v3 =	vor.u32 v3, v4  }
0x13f: {  	v4 =	vperm.xlane v3, v0;
	_ =	sdelay $0x1  }
0x140: {  	v4 =	vadd.s32 v1, v4;
	_ =	sdelay $0x3  }
0x141: {  	s17 =	simm.s32 $0x15100;
	v3 =	vperm.xlane v3, v2  }
0x142: {  	[hbm4b:s4+s3] =	stream.indirect_vreg.scatter [tilespmem:s17], [sflag:$0x1], $0x80, v4, vm0, $0xb8;
	[tilespmem:$0x18100] =	vst v63  }
0x143: {  	s16 =	simm.s32 $0x15900;
	v3 =	vadd.s32 v1, v3  }
0x144: {  	[hbm4b:s7+s3] =	stream.indirect_vreg.scatter [tilespmem:s16], [sflag:$0x1], $0x80, v4, vm0, $0xb8;
	[tilespmem:$0x18100] =	vst v63  }
0x145: {  	s17 =	simm.s32 $0x16100  }
0x146: {  	[hbm4b:s8+s3] =	stream.indirect_vreg.scatter [tilespmem:s17], [sflag:$0x1], $0x80, v4, vm0, $0xb8;
	[tilespmem:$0x18100] =	vst v63  }
0x147: {  	s16 =	simm.s32 $0x16900  }
0x148: {  	[hbm4b:s4+s3] =	stream.indirect_vreg.scatter [tilespmem:s16], [sflag:$0x1], $0x80, v3, vm0, $0xb8;
	[tilespmem:$0x18100] =	vst v63  }
0x149: {  	p0 =	sne.s32 s9, $0x1;
	s17 =	simm.s32 $0x17100  }
0x14a: {  	[hbm4b:s7+s3] =	stream.indirect_vreg.scatter [tilespmem:s17], [sflag:$0x1], $0x80, v3, vm0, $0xb8;
	[tilespmem:$0x18100] =	vst v63  }
.Ltmp0:
0x14b: {  	_ = 	snop;
	(pc) =	sbr.rel @p0 .LBB2_1-.Ltmp0, $4  }
0x14c: {  	[hbm4b:s8+s3] =	stream.indirect_vreg.scatter [tilespmem:s0], [sflag:$0x1], $0x80, v3, vm0, $0xb8;
	[tilespmem:$0x18100] =	vst v63  }
0x14d: {  	_ =	swait.ge [sflag:s15], $0x18000  }
0x14e: {  	[sflag:s15] =	ssyncset.done $0x0  }
0x14f: {  	s9 =	sadd.s32 $0xFFFFFFFF, s9;
	[sflag:s15] =	ssyncadd.s32 $0xFFFE8000  }
0x150: {  	_ =	sfence.sel $0x180000  }
0x151: {  	[bflag:$0x0] =	sbarrier.arrive $0xFFFF  }
0x152: {  	_ =	strace $0x90000047  }
0x153: {  	s0 =	stileid.u32;
	[bflag:$0x2] =	sbarrier.arrive $0xFFFF  }
0x154: {  	p0 =	sne.s32 s0, $0x0;
	s0 =	rddreg [dreg:$0x2]  }
0x155: {  	s0 =	sadd.s32 @!p0 $0x100000, s0  }
0x156: {  	[sflag:s0] =	ssyncadd.tile.s32 @!p0 $0x1;
	_ =	shalt  }
.Lfunc_end2:
_tile_overlayer_lowered:
.L_overlay_start_2:
0x157: {  	(tag) =	ssettag $0x2  }
0x158: {  	s0 =	rddreg [dreg:$0x0];
	s2 =	stileid.u32  }
0x159: {  	s1 =	rddreg [dreg:$0x1];
	p0 =	sne.s32 s2, $0x0  }
0x15a: {  	s3 =	rddreg [dreg:$0x2];
	[bflag:$0x3] =	sbarrier.arrive $0xFFFF;
	s2 =	simm.s32 @!p0 $0x1C02  }
0x15b: {  	[timem:s3], [sflag:s2] =	dma.local @!p0 [hbm:s0], s1  }
0x15c: {  	s0 =	simm.s32 @!p0 $0x2  }
0x15d: {  	_ =	swait.ge @!p0 [sflag:s0], s1  }
0x15e: {  	s1 =	ssub.s32 @!p0 $0x0, s1;
	[sflag:s0] =	ssyncset.done @!p0 $0x0  }
0x15f: {  	[sflag:s0] =	ssyncadd.s32 @!p0 s1  }
0x160: {  	[bflag:$0x3] =	sbarrier.arrive $0xFFFF  }
0x161: {  	_ =	shalt  }

</sc_bundles>
